<compile_context>
chip_gen: v7x
topology: tpu7x:2x2x1
jax: 0.10.2.dev20260603
libtpu: 0.0.44.dev20260713+nightly
codegen_flags: <defaults>
</compile_context>

<pallas_src>
import functools

import jax
import jax.numpy as jnp
from jax import lax
from jax.experimental import pallas as pl
from jax.experimental.pallas import tpu as pltpu
from jax.experimental.pallas import tpu_sc as plsc

_C = 21
_K = 200
_CONF = 0.99
_NMS = 0.45
_P = 20000
_N = 4
_ROWS = _N * (_C - 1)
_L = 16
_SLOTS = 208
_NCH = _SLOTS // _L
_CAND = _P + 2 * _L
_NW = 32
_OUTW = 5 * _SLOTS


def _row_body(r, conf_hbm, loc_hbm, pri_hbm, out_hbm,
              scores, cand_s, cand_i, chm, top_s,
              loc_rows, pri_rows, bx1, by1, bx2, by2, bar, keep, obuf, sem):
    lanes = lax.iota(jnp.int32, _L)
    ninf = jnp.full((_L,), -jnp.inf, jnp.float32)
    ones_i = jnp.full((_L,), 1, jnp.int32)
    zeros_i = jnp.zeros((_L,), jnp.int32)
    thr = jnp.full((_L,), _CONF, jnp.float32)
    true16 = lanes < jnp.full((_L,), _L, jnp.int32)
    img = r // (_C - 1)

    pltpu.sync_copy(conf_hbm.at[r], scores)

    def comp_body(c, w):
        s = scores[pl.ds(c * _L, _L)]
        m = s > thr
        cnt = plsc.all_reduce_population_count(m)[0]

        @pl.when(cnt > 0)
        def _():
            cs = plsc.cumsum(jnp.where(m, ones_i, zeros_i))
            pos = w + cs - 1
            plsc.store_scatter(cand_s, [pos], s, mask=m)
            plsc.store_scatter(cand_i, [pos], c * _L + lanes, mask=m)

        return w + cnt

    count = lax.fori_loop(0, _P // _L, comp_body, jnp.int32(0))

    plsc.store_scatter(cand_s, [count + lanes], ninf, mask=true16)
    plsc.store_scatter(cand_i, [count + lanes], zeros_i, mask=true16)
    nch = count // _L + 1

    plsc.store_scatter(top_s, [192 + lanes], ninf, mask=true16)

    lane0 = lanes == zeros_i

    def chm_body(c, _):
        mc = jnp.max(cand_s[pl.ds(c * _L, _L)])
        plsc.store_scatter(chm, [jnp.full((_L,), c, jnp.int32)],
                           jnp.full((_L,), mc, jnp.float32), mask=lane0)
        return 0

    lax.fori_loop(0, nch, chm_body, 0)
    plsc.store_scatter(chm, [nch + lanes], ninf, mask=true16)
    mch = (nch + _L - 1) // _L

    big_i = jnp.full((_L,), 2**30, jnp.int32)

    def ext_body(slot, _):
        def scan_body(c, carry):
            bv, bc = carry
            v = chm[pl.ds(c * _L, _L)]
            upd = v > bv
            return (jnp.where(upd, v, bv),
                    jnp.where(upd, jnp.full((_L,), c, jnp.int32), bc))

        bv, bc = lax.fori_loop(0, mch, scan_body, (ninf, zeros_i))
        m = jnp.max(bv)
        msplat = jnp.full((_L,), m, jnp.float32)
        cstar = jnp.min(jnp.where(bv == msplat, bc * _L + lanes, big_i))
        v = cand_s[pl.ds(cstar * _L, _L)]
        lstar = jnp.min(jnp.where(v == msplat, lanes, big_i))
        jstar = cstar * _L + lstar
        p = jnp.max(plsc.load_gather(cand_i,
                                     [jnp.full((_L,), jstar, jnp.int32)]))
        plsc.store_scatter(cand_s, [jnp.full((_L,), jstar, jnp.int32)],
                           ninf, mask=lane0)
        m2 = jnp.max(jnp.where(lanes == jnp.full((_L,), lstar, jnp.int32),
                               ninf, v))
        plsc.store_scatter(chm, [jnp.full((_L,), cstar, jnp.int32)],
                           jnp.full((_L,), m2, jnp.float32), mask=lane0)
        plsc.store_scatter(top_s, [jnp.full((_L,), slot, jnp.int32)],
                           msplat, mask=lane0)
        pltpu.make_async_copy(pri_hbm.at[p], pri_rows.at[slot], sem).start()
        pltpu.make_async_copy(loc_hbm.at[p + img * _P],
                              loc_rows.at[slot], sem).start()
        return 0

    lax.fori_loop(0, _K, ext_body, 0)

    pltpu.make_async_copy(pri_hbm.at[pl.ds(0, _K)],
                          pri_rows.at[pl.ds(0, _K)], sem).wait()
    pltpu.make_async_copy(loc_hbm.at[pl.ds(0, _K)],
                          loc_rows.at[pl.ds(0, _K)], sem).wait()

    def dec_body(c, _):
        base = c * _L
        rowi = base + lanes
        z = zeros_i
        px = plsc.load_gather(pri_rows, [rowi, z])
        py = plsc.load_gather(pri_rows, [rowi, z + 1])
        pw = plsc.load_gather(pri_rows, [rowi, z + 2])
        ph = plsc.load_gather(pri_rows, [rowi, z + 3])
        lx = plsc.load_gather(loc_rows, [rowi, z])
        ly = plsc.load_gather(loc_rows, [rowi, z + 1])
        lw = plsc.load_gather(loc_rows, [rowi, z + 2])
        lh = plsc.load_gather(loc_rows, [rowi, z + 3])
        cx = px + lx * 0.1 * pw
        cy = py + ly * 0.1 * ph
        wb = pw * jnp.exp(lw * 0.2)
        hb = ph * jnp.exp(lh * 0.2)
        x1 = cx - wb / 2.0
        y1 = cy - hb / 2.0
        x2 = cx + wb / 2.0
        y2 = cy + hb / 2.0
        bx1[pl.ds(base, _L)] = x1
        by1[pl.ds(base, _L)] = y1
        bx2[pl.ds(base, _L)] = x2
        by2[pl.ds(base, _L)] = y2
        bar[pl.ds(base, _L)] = (x2 - x1) * (y2 - y1)
        s = top_s[pl.ds(base, _L)]
        keep[pl.ds(base, _L)] = jnp.where(s > thr, ones_i, zeros_i)
        return 0

    lax.fori_loop(0, _NCH, dec_body, 0)

    nms_v = jnp.full((_L,), _NMS, jnp.float32)

    def nms_body(i, _):
        cb = (i // _L) * _L
        ln = i - cb
        sel = lanes == jnp.full((_L,), ln, jnp.int32)
        ki = jnp.max(jnp.where(sel, keep[pl.ds(cb, _L)], zeros_i))

        @pl.when(ki > 0)
        def _():
            isplat = jnp.full((_L,), i, jnp.int32)
            x1i = plsc.load_gather(bx1, [isplat])
            y1i = plsc.load_gather(by1, [isplat])
            x2i = plsc.load_gather(bx2, [isplat])
            y2i = plsc.load_gather(by2, [isplat])
            ai = (x2i - x1i) * (y2i - y1i)

            def sup_body(c, _):
                b = c * _L
                ltx = jnp.maximum(x1i, bx1[pl.ds(b, _L)])
                lty = jnp.maximum(y1i, by1[pl.ds(b, _L)])
                rbx = jnp.minimum(x2i, bx2[pl.ds(b, _L)])
                rby = jnp.minimum(y2i, by2[pl.ds(b, _L)])
                ww = jnp.maximum(rbx - ltx, 0.0)
                hh = jnp.maximum(rby - lty, 0.0)
                inter = ww * hh
                iou = inter / (ai + bar[pl.ds(b, _L)] - inter)
                sup = (iou > nms_v) & ((b + lanes) > i)
                kc = keep[pl.ds(b, _L)]
                keep[pl.ds(b, _L)] = jnp.where(sup, zeros_i, kc)
                return 0

            lax.fori_loop(i // _L, _NCH, sup_body, 0)

        return 0

    lax.fori_loop(0, _K, nms_body, 0)

    def zero_body(c, _):
        obuf[pl.ds(c * _L, _L)] = jnp.zeros((_L,), jnp.float32)
        return 0

    lax.fori_loop(0, _OUTW // _L, zero_body, 0)

    def out_body(c, wk):
        b = c * _L
        k = keep[pl.ds(b, _L)] > zeros_i
        cs = plsc.cumsum(jnp.where(k, ones_i, zeros_i))
        cnt = jnp.max(cs)

        @pl.when(cnt > 0)
        def _():
            pos = wk + cs - 1
            plsc.store_scatter(obuf, [pos], top_s[pl.ds(b, _L)], mask=k)
            plsc.store_scatter(obuf, [pos + _SLOTS], bx1[pl.ds(b, _L)], mask=k)
            plsc.store_scatter(obuf, [pos + 2 * _SLOTS], by1[pl.ds(b, _L)],
                               mask=k)
            plsc.store_scatter(obuf, [pos + 3 * _SLOTS], bx2[pl.ds(b, _L)],
                               mask=k)
            plsc.store_scatter(obuf, [pos + 4 * _SLOTS], by2[pl.ds(b, _L)],
                               mask=k)

        return wk + cnt

    lax.fori_loop(0, _NCH, out_body, jnp.int32(0))

    pltpu.sync_copy(obuf, out_hbm.at[r])


@jax.jit
def _detect_sc(conf_rows, loc_flat, priors):
    mesh = plsc.VectorSubcoreMesh(core_axis_name="c", subcore_axis_name="s")

    @functools.partial(
        pl.kernel,
        out_type=jax.ShapeDtypeStruct((_ROWS, _OUTW), jnp.float32),
        mesh=mesh,
        compiler_params=pltpu.CompilerParams(needs_layout_passes=False,
                                             use_tc_tiling_on_sc=False),
        scratch_types=[
            pltpu.VMEM((_P,), jnp.float32),
            pltpu.VMEM((_CAND,), jnp.float32),
            pltpu.VMEM((_CAND,), jnp.int32),
            pltpu.VMEM((_CAND // _L + 2 * _L,), jnp.float32),
            pltpu.VMEM((_SLOTS,), jnp.float32),
            pltpu.VMEM((_SLOTS, 4), jnp.float32),
            pltpu.VMEM((_SLOTS, 4), jnp.float32),
            pltpu.VMEM((_SLOTS,), jnp.float32),
            pltpu.VMEM((_SLOTS,), jnp.float32),
            pltpu.VMEM((_SLOTS,), jnp.float32),
            pltpu.VMEM((_SLOTS,), jnp.float32),
            pltpu.VMEM((_SLOTS,), jnp.float32),
            pltpu.VMEM((_SLOTS,), jnp.int32),
            pltpu.VMEM((_OUTW,), jnp.float32),
            pltpu.SemaphoreType.DMA,
        ],
    )
    def k(conf_hbm, loc_hbm, pri_hbm, out_hbm, *scr):
        wid = lax.axis_index("s") * 2 + lax.axis_index("c")
        for t in range(3):
            r = t * _NW + wid

            @pl.when(r < _ROWS)
            def _():
                _row_body(r, conf_hbm, loc_hbm, pri_hbm, out_hbm, *scr)

    return k(conf_rows, loc_flat, priors)


def kernel(loc_data, conf_data, prior_data):
    conf_rows = jnp.transpose(conf_data, (0, 2, 1))[:, 1:, :].reshape(
        _ROWS, _P)
    loc_flat = loc_data.reshape(_N * _P, 4)
    out = _detect_sc(conf_rows, loc_flat, prior_data)
    rows = out.reshape(_ROWS, 5, _SLOTS)[:, :, :_K]
    rows = jnp.transpose(rows, (0, 2, 1)).reshape(_N, _C - 1, _K, 5)
    zero = jnp.zeros((_N, 1, _K, 5), rows.dtype)
    return jnp.concatenate([zero, rows], axis=1)

# --- scband reference (transcript-rebuilt; emitter-appended) ---
"""Pipeline reference for scband-detect-37847251812632 (READ-ONLY COPY).

The authoritative reference and input builder live on the scoring server;
editing this copy changes nothing except your own understanding.
"""

import jax, jax.numpy as jnp
import numpy as np

NUM_CLASSES = 21
TOP_K = 200
CONF_THRESH = 0.99
NMS_THRESH = 0.45
VARIANCE = (0.1, 0.2)
NUM = 4
NUM_PRIORS = 20000


def setup_inputs(seed: int = 0) -> dict:
    key = jax.random.key(seed)
    k1, k2, k3 = jax.random.split(key, 3)
    loc_data = jax.random.normal(k1, (NUM, NUM_PRIORS, 4), dtype=jnp.float32)
    conf_data = jax.random.uniform(k2, (NUM, NUM_PRIORS, NUM_CLASSES), dtype=jnp.float32)
    prior_data = jax.random.uniform(k3, (NUM_PRIORS, 4), dtype=jnp.float32)
    return {"loc_data": loc_data, "conf_data": conf_data, "prior_data": prior_data}


def _decode(loc, priors):
    # SSD decode: priors in (cx, cy, w, h) center-size form -> corner boxes
    xy = priors[:, :2] + loc[:, :2] * VARIANCE[0] * priors[:, 2:]
    wh = priors[:, 2:] * jnp.exp(loc[:, 2:] * VARIANCE[1])
    return jnp.concatenate([xy - wh / 2.0, xy + wh / 2.0], axis=1)


def _iou_one(box, boxes):
    lt = jnp.maximum(box[:2], boxes[:, :2])
    rb = jnp.minimum(box[2:], boxes[:, 2:])
    wh = jnp.clip(rb - lt, 0.0, None)
    inter = wh[:, 0] * wh[:, 1]
    area_a = (box[2] - box[0]) * (box[3] - box[1])
    area_b = (boxes[:, 2] - boxes[:, 0]) * (boxes[:, 3] - boxes[:, 1])
    return inter / (area_a + area_b - inter)


def _select(boxes, scores):
    # fixed-size NMS: threshold, take top_k highest-scoring candidates, greedy suppression
    masked = jnp.where(scores > CONF_THRESH, scores, -jnp.inf)
    top_s, top_i = jax.lax.top_k(masked, TOP_K)
    tb = jnp.take(boxes, top_i, axis=0)
    valid = top_s > -jnp.inf
    ar = jnp.arange(TOP_K)

    def body(i, keep):
        ious = _iou_one(tb[i], tb)
        sup = (ious > NMS_THRESH) & (ar > i) & keep[i]
        return keep & jnp.logical_not(sup)

    keep = jax.lax.fori_loop(0, TOP_K, body, valid)
    # stable compaction: kept entries first, preserving score-descending order
    order = jnp.argsort(jnp.logical_not(keep).astype(jnp.int32))
    return jnp.take(top_i, order), jnp.take(keep, order)


def reference(loc_data, conf_data, prior_data):
    num = loc_data.shape[0]
    P = prior_data.shape[0]
    decoded = jax.vmap(lambda l: _decode(l, prior_data))(loc_data)  # [num, P, 4]
    conf_t = jnp.transpose(conf_data, (0, 2, 1))  # [num, C, P]
    sc = conf_t[:, 1:, :].reshape(num * (NUM_CLASSES - 1), P)
    bx = jnp.broadcast_to(decoded[:, None, :, :], (num, NUM_CLASSES - 1, P, 4)).reshape(num * (NUM_CLASSES - 1), P, 4)
    sel_i, sel_v = jax.vmap(_select)(bx, sc)
    gsc = jnp.take_along_axis(sc, sel_i, axis=1) * sel_v
    gbx = jnp.take_along_axis(bx, sel_i[:, :, None], axis=1) * sel_v[:, :, None]
    rows = jnp.concatenate([gsc[:, :, None], gbx], axis=2).reshape(num, NUM_CLASSES - 1, TOP_K, 5)
    out = jnp.concatenate([jnp.zeros((num, 1, TOP_K, 5), rows.dtype), rows], axis=1)
    return out

if __name__ == "__main__":
    import jax
    _d = setup_inputs()
    print(jax.jit(kernel)(*tuple(_d.values())))

</pallas_src>

<mosaic_0001>
#map = affine_map<(d0, d1) -> (0, 0)>
module attributes {stable_mosaic.version = 14 : i64} {
  func.func @k(%arg0: i32, %arg1: i32, %arg2: memref<80x20000xf32, #tpu.memory_space<hbm>>, %arg3: memref<80000x4xf32, #tpu.memory_space<hbm>>, %arg4: memref<20000x4xf32, #tpu.memory_space<hbm>>, %arg5: memref<80x1040xf32, #tpu.memory_space<hbm>>, %arg6: memref<20000xf32, #tpu.memory_space<vmem>>, %arg7: memref<20032xf32, #tpu.memory_space<vmem>>, %arg8: memref<20032xi32, #tpu.memory_space<vmem>>, %arg9: memref<1284xf32, #tpu.memory_space<vmem>>, %arg10: memref<208xf32, #tpu.memory_space<vmem>>, %arg11: memref<208x4xf32, #tpu.memory_space<vmem>>, %arg12: memref<208x4xf32, #tpu.memory_space<vmem>>, %arg13: memref<208xf32, #tpu.memory_space<vmem>>, %arg14: memref<208xf32, #tpu.memory_space<vmem>>, %arg15: memref<208xf32, #tpu.memory_space<vmem>>, %arg16: memref<208xf32, #tpu.memory_space<vmem>>, %arg17: memref<208xf32, #tpu.memory_space<vmem>>, %arg18: memref<208xi32, #tpu.memory_space<vmem>>, %arg19: memref<1040xf32, #tpu.memory_space<vmem>>, %arg20: memref<!tpu.dma_semaphore, #tpu.memory_space<semaphore_mem>>) attributes {dimension_semantics = [#tpu.dimension_semantics<core_parallel>, #tpu.dimension_semantics<subcore_parallel>], iteration_bounds = array<i64: 2, 16>, scalar_prefetch = 0 : i64, scratch_operands = 15 : i64, tpu.core_type = #tpu.core_type<sc_vector_subcore>, window_params = [{transform_indices = #map}, {transform_indices = #map}, {transform_indices = #map}, {transform_indices = #map}]} {
    %mul3A = arith.constant 2 : i32
    %mul3A_0 = arith.muli %arg1, %mul3A : i32
    %add3A = arith.addi %mul3A_0, %arg0 : i32
    %add3A_1 = arith.constant 0 : i32
    %add3A_2 = arith.addi %add3A_1, %add3A : i32
    %lt3A = arith.constant 80 : i32
    %lt3A_3 = arith.cmpi slt, %add3A_2, %lt3A : i32
    %convert_element_type3A = arith.extui %lt3A_3 : i1 to i32
    %cond3A = arith.constant 0 : i32
    %cond3A_4 = arith.cmpi ne, %convert_element_type3A, %cond3A : i32
    scf.if %cond3A_4 {
      %iota3A = tpu.iota {dimensions = array<i32: 0>} : vector<16xi32>
      %broadcast_in_dim3A = arith.constant 0xFF800000 : f32
      %broadcast_in_dim3A_19 = vector.broadcast %broadcast_in_dim3A : f32 to vector<16xf32>
      %broadcast_in_dim3A_20 = arith.constant 1 : i32
      %broadcast_in_dim3A_21 = vector.broadcast %broadcast_in_dim3A_20 : i32 to vector<16xi32>
      %broadcast_in_dim3A_22 = arith.constant 0 : i32
      %broadcast_in_dim3A_23 = vector.broadcast %broadcast_in_dim3A_22 : i32 to vector<16xi32>
      %broadcast_in_dim3A_24 = arith.constant 9.900000e-01 : f32
      %broadcast_in_dim3A_25 = vector.broadcast %broadcast_in_dim3A_24 : f32 to vector<16xf32>
      %broadcast_in_dim3A_26 = arith.constant 16 : i32
      %broadcast_in_dim3A_27 = vector.broadcast %broadcast_in_dim3A_26 : i32 to vector<16xi32>
      %lt3A_28 = arith.cmpi slt, %iota3A, %broadcast_in_dim3A_27 : vector<16xi32>
      %jit3A = arith.constant 20 : i32
      %div3A = arith.divsi %add3A_2, %jit3A : i32
      %sign3A = arith.constant 0 : i32
      %sign3A_29 = arith.cmpi sgt, %add3A_2, %sign3A : i32
      %sign3A_30 = arith.extui %sign3A_29 : i1 to i32
      %sign3A_31 = arith.constant 0 : i32
      %sign3A_32 = arith.cmpi slt, %add3A_2, %sign3A_31 : i32
      %sign3A_33 = arith.extui %sign3A_32 : i1 to i32
      %sign3A_34 = arith.subi %sign3A_30, %sign3A_33 : i32
      %sign3A_35 = arith.constant 0 : i32
      %sign3A_36 = arith.cmpi sgt, %jit3A, %sign3A_35 : i32
      %sign3A_37 = arith.extui %sign3A_36 : i1 to i32
      %sign3A_38 = arith.constant 0 : i32
      %sign3A_39 = arith.cmpi slt, %jit3A, %sign3A_38 : i32
      %sign3A_40 = arith.extui %sign3A_39 : i1 to i32
      %sign3A_41 = arith.subi %sign3A_37, %sign3A_40 : i32
      %ne3A = arith.cmpi ne, %sign3A_34, %sign3A_41 : i32
      %rem3A = arith.remsi %add3A_2, %jit3A : i32
      %ne3A_42 = arith.constant 0 : i32
      %ne3A_43 = arith.cmpi ne, %rem3A, %ne3A_42 : i32
      %and3A = arith.andi %ne3A, %ne3A_43 : i1
      %sub3A = arith.constant 1 : i32
      %sub3A_44 = arith.subi %div3A, %sub3A : i32
      %select_n3A = arith.select %and3A, %sub3A_44, %div3A : i32
      "tpu.region"() ({
        %run_scoped3A = tpu.sem_alloc : memref<!tpu.dma_semaphore, #tpu.memory_space<semaphore_mem>>
        %dma_start3A = arith.constant 0 : i32
        %dma_start3A_187 = tpu.memref_slice %arg2[%add3A_2, %dma_start3A] : memref<80x20000xf32, #tpu.memory_space<hbm>> -> memref<1x20000xf32, #tpu.memory_space<hbm>>
        %dma_start3A_188 = tpu.memref_squeeze %dma_start3A_187 : memref<1x20000xf32, #tpu.memory_space<hbm>> -> memref<20000xf32, #tpu.memory_space<hbm>>
        %dma_start3A_189 = arith.constant 0 : i32
        %dma_start3A_190 = tpu.memref_slice %arg2[%add3A_2, %dma_start3A_189] : memref<80x20000xf32, #tpu.memory_space<hbm>> -> memref<1x20000xf32, #tpu.memory_space<hbm>>
        %dma_start3A_191 = tpu.memref_squeeze %dma_start3A_190 : memref<1x20000xf32, #tpu.memory_space<hbm>> -> memref<20000xf32, #tpu.memory_space<hbm>>
        tpu.enqueue_dma source(%dma_start3A_191 : memref<20000xf32, #tpu.memory_space<hbm>>) target(%arg6 : memref<20000xf32, #tpu.memory_space<vmem>>) target_semaphore(%run_scoped3A : memref<!tpu.dma_semaphore, #tpu.memory_space<semaphore_mem>>)
        %dma_wait3A_192 = arith.constant 0 : i32
        %dma_wait3A_193 = tpu.memref_slice %arg2[%add3A_2, %dma_wait3A_192] : memref<80x20000xf32, #tpu.memory_space<hbm>> -> memref<1x20000xf32, #tpu.memory_space<hbm>>
        %dma_wait3A_194 = tpu.memref_squeeze %dma_wait3A_193 : memref<1x20000xf32, #tpu.memory_space<hbm>> -> memref<20000xf32, #tpu.memory_space<hbm>>
        %dma_wait3A_195 = arith.constant 0 : i32
        %dma_wait3A_196 = tpu.memref_slice %arg2[%add3A_2, %dma_wait3A_195] : memref<80x20000xf32, #tpu.memory_space<hbm>> -> memref<1x20000xf32, #tpu.memory_space<hbm>>
        %dma_wait3A_197 = tpu.memref_squeeze %dma_wait3A_196 : memref<1x20000xf32, #tpu.memory_space<hbm>> -> memref<20000xf32, #tpu.memory_space<hbm>>
        tpu.wait_dma2 semaphore(%run_scoped3A : memref<!tpu.dma_semaphore, #tpu.memory_space<semaphore_mem>>) src(%dma_wait3A_197 : memref<20000xf32, #tpu.memory_space<hbm>>) dst(%arg6 : memref<20000xf32, #tpu.memory_space<vmem>>)
        tpu.yield
      }) : () -> ()
      %scan3A = arith.constant 0 : i32
      %scan3A_45 = arith.constant 0 : i32
      %scan3A_46 = arith.constant 1250 : i32
      %scan3A_47 = arith.addi %scan3A_45, %scan3A_46 : i32
      %scan3A_48 = arith.constant 1 : i32
      %scan3A_49 = scf.for %scan3A_187 = %scan3A_45 to %scan3A_47 step %scan3A_48 iter_args(%scan3A_188 = %scan3A) -> (i32)  : i32 {
        %mul3A_189 = arith.constant 16 : i32
        %mul3A_190 = arith.muli %scan3A_187, %mul3A_189 : i32
        %get3A = arith.index_cast %mul3A_190 : i32 to index
        %get3A_191 = tpu.vector_load %arg6[%get3A] {strides = array<i32>} : memref<20000xf32, #tpu.memory_space<vmem>>, vector<16xf32>,
        %gt3A = arith.cmpf ogt, %get3A_191, %broadcast_in_dim3A_25 : vector<16xf32>
        %all_reduce_population_count3A = tpu.all_reduce %gt3A {dim = 0 : i64, kind = #tpu.reduction_kind<sum>} : vector<16xi1> -> vector<16xi32>
        %slice3A = vector.extract_strided_slice %all_reduce_population_count3A {offsets = [0], sizes = [1], strides = [1]} : vector<16xi32> to vector<1xi32>
        %squeeze3A = vector.extract %slice3A[0] : i32 from vector<1xi32>
        %gt3A_192 = arith.constant 0 : i32
        %gt3A_193 = arith.cmpi sgt, %squeeze3A, %gt3A_192 : i32
        %convert_element_type3A_194 = arith.extui %gt3A_193 : i1 to i32
        %cond3A_195 = arith.constant 0 : i32
        %cond3A_196 = arith.cmpi ne, %convert_element_type3A_194, %cond3A_195 : i32
        scf.if %cond3A_196 {
          %select_n3A_198 = arith.select %gt3A, %broadcast_in_dim3A_21, %broadcast_in_dim3A_23 : vector<16xi1>, vector<16xi32>
          %broadcast_in_dim3A_199 = arith.constant true
          %broadcast_in_dim3A_200 = vector.broadcast %broadcast_in_dim3A_199 : i1 to vector<16xi1>
          %masked_cumsum3A = tpu.scan <sum>, %select_n3A_198 masked %broadcast_in_dim3A_200 : vector<16xi32>, vector<16xi1> -> vector<16xi32>
          %add3A_201 = vector.broadcast %scan3A_188 : i32 to vector<16xi32>
          %add3A_202 = arith.addi %add3A_201, %masked_cumsum3A : vector<16xi32>
          %sub3A_203 = arith.constant 1 : i32
          %sub3A_204 = vector.broadcast %sub3A_203 : i32 to vector<16xi32>
          %sub3A_205 = arith.subi %add3A_202, %sub3A_204 : vector<16xi32>
          tpu.vector_store_idx %arg7[%sub3A_205], %get3A_191 masked %gt3A : memref<20032xf32, #tpu.memory_space<vmem>>[vector<16xi32>], vector<16xf32>, vector<16xi1>
          %mul3A_206 = arith.constant 16 : i32
          %mul3A_207 = arith.muli %scan3A_187, %mul3A_206 : i32
          %add3A_208 = vector.broadcast %mul3A_207 : i32 to vector<16xi32>
          %add3A_209 = arith.addi %add3A_208, %iota3A : vector<16xi32>
          tpu.vector_store_idx %arg8[%sub3A_205], %add3A_209 masked %gt3A : memref<20032xi32, #tpu.memory_space<vmem>>[vector<16xi32>], vector<16xi32>, vector<16xi1>
        } else {
        }
        %add3A_197 = arith.addi %scan3A_188, %squeeze3A : i32
        scf.yield %add3A_197 : i32
      }
      %scan3A_50 = arith.constant 1250 : i32
      %add3A_51 = vector.broadcast %scan3A_49 : i32 to vector<16xi32>
      %add3A_52 = arith.addi %add3A_51, %iota3A : vector<16xi32>
      tpu.vector_store_idx %arg7[%add3A_52], %broadcast_in_dim3A_19 masked %lt3A_28 : memref<20032xf32, #tpu.memory_space<vmem>>[vector<16xi32>], vector<16xf32>, vector<16xi1>
      %add3A_53 = vector.broadcast %scan3A_49 : i32 to vector<16xi32>
      %add3A_54 = arith.addi %add3A_53, %iota3A : vector<16xi32>
      tpu.vector_store_idx %arg8[%add3A_54], %broadcast_in_dim3A_23 masked %lt3A_28 : memref<20032xi32, #tpu.memory_space<vmem>>[vector<16xi32>], vector<16xi32>, vector<16xi1>
      %jit3A_55 = arith.constant 16 : i32
      %div3A_56 = arith.divsi %scan3A_49, %jit3A_55 : i32
      %sign3A_57 = arith.constant 0 : i32
      %sign3A_58 = arith.cmpi sgt, %scan3A_49, %sign3A_57 : i32
      %sign3A_59 = arith.extui %sign3A_58 : i1 to i32
      %sign3A_60 = arith.constant 0 : i32
      %sign3A_61 = arith.cmpi slt, %scan3A_49, %sign3A_60 : i32
      %sign3A_62 = arith.extui %sign3A_61 : i1 to i32
      %sign3A_63 = arith.subi %sign3A_59, %sign3A_62 : i32
      %sign3A_64 = arith.constant 0 : i32
      %sign3A_65 = arith.cmpi sgt, %jit3A_55, %sign3A_64 : i32
      %sign3A_66 = arith.extui %sign3A_65 : i1 to i32
      %sign3A_67 = arith.constant 0 : i32
      %sign3A_68 = arith.cmpi slt, %jit3A_55, %sign3A_67 : i32
      %sign3A_69 = arith.extui %sign3A_68 : i1 to i32
      %sign3A_70 = arith.subi %sign3A_66, %sign3A_69 : i32
      %ne3A_71 = arith.cmpi ne, %sign3A_63, %sign3A_70 : i32
      %rem3A_72 = arith.remsi %scan3A_49, %jit3A_55 : i32
      %ne3A_73 = arith.constant 0 : i32
      %ne3A_74 = arith.cmpi ne, %rem3A_72, %ne3A_73 : i32
      %and3A_75 = arith.andi %ne3A_71, %ne3A_74 : i1
      %sub3A_76 = arith.constant 1 : i32
      %sub3A_77 = arith.subi %div3A_56, %sub3A_76 : i32
      %select_n3A_78 = arith.select %and3A_75, %sub3A_77, %div3A_56 : i32
      %add3A_79 = arith.constant 1 : i32
      %add3A_80 = arith.addi %select_n3A_78, %add3A_79 : i32
      %add3A_81 = arith.constant 192 : i32
      %add3A_82 = vector.broadcast %add3A_81 : i32 to vector<16xi32>
      %add3A_83 = arith.addi %add3A_82, %iota3A : vector<16xi32>
      tpu.vector_store_idx %arg10[%add3A_83], %broadcast_in_dim3A_19 masked %lt3A_28 : memref<208xf32, #tpu.memory_space<vmem>>[vector<16xi32>], vector<16xf32>, vector<16xi1>
      %eq3A = arith.cmpi eq, %iota3A, %broadcast_in_dim3A_23 : vector<16xi32>
      %while3A = arith.constant 0 : i32
      %while3A_84 = arith.constant 0 : i32
      %while3A_85 = arith.subi %add3A_80, %while3A : i32
      %while3A_86 = arith.addi %while3A, %while3A_85 : i32
      %while3A_87 = arith.constant 1 : i32
      %while3A_88 = arith.divsi %while3A_85, %while3A_87 : i32
      %while3A_89 = arith.muli %while3A_88, %while3A_87 : i32
      %while3A_90 = arith.addi %while3A, %while3A_89 : i32
      %while3A_91 = arith.constant 1 : i32
      %while3A_92 = scf.for %while3A_187 = %while3A to %while3A_90 step %while3A_91 iter_args(%while3A_188 = %while3A_84) -> (i32)  : i32 {
        %mul3A_189 = arith.constant 16 : i32
        %mul3A_190 = arith.muli %while3A_187, %mul3A_189 : i32
        %get3A = arith.index_cast %mul3A_190 : i32 to index
        %get3A_191 = tpu.vector_load %arg7[%get3A] {strides = array<i32>} : memref<20032xf32, #tpu.memory_space<vmem>>, vector<16xf32>,
        %reduce_max3A = arith.constant true
        %reduce_max3A_192 = vector.broadcast %reduce_max3A : i1 to vector<16xi1>
        %reduce_max3A_193 = tpu.scan <max>, %get3A_191 masked %reduce_max3A_192 : vector<16xf32>, vector<16xi1> -> vector<16xf32>
        %reduce_max3A_194 = vector.extract %reduce_max3A_193[15] : f32 from vector<16xf32>
        %broadcast_in_dim3A_195 = vector.broadcast %while3A_187 : i32 to vector<16xi32>
        %broadcast_in_dim3A_196 = vector.broadcast %reduce_max3A_194 : f32 to vector<16xf32>
        tpu.vector_store_idx %arg9[%broadcast_in_dim3A_195], %broadcast_in_dim3A_196 masked %eq3A : memref<1284xf32, #tpu.memory_space<vmem>>[vector<16xi32>], vector<16xf32>, vector<16xi1>
        %while3A_197 = arith.constant 0 : i32
        scf.yield %while3A_197 : i32
      }
      %while3A_93 = arith.constant 1 : i32
      %while3A_94 = scf.for %while3A_187 = %while3A_90 to %while3A_86 step %while3A_93 iter_args(%while3A_188 = %while3A_92) -> (i32)  : i32 {
        %mul3A_189 = arith.constant 16 : i32
        %mul3A_190 = arith.muli %while3A_187, %mul3A_189 : i32
        %get3A = arith.index_cast %mul3A_190 : i32 to index
        %get3A_191 = tpu.vector_load %arg7[%get3A] {strides = array<i32>} : memref<20032xf32, #tpu.memory_space<vmem>>, vector<16xf32>,
        %reduce_max3A = arith.constant true
        %reduce_max3A_192 = vector.broadcast %reduce_max3A : i1 to vector<16xi1>
        %reduce_max3A_193 = tpu.scan <max>, %get3A_191 masked %reduce_max3A_192 : vector<16xf32>, vector<16xi1> -> vector<16xf32>
        %reduce_max3A_194 = vector.extract %reduce_max3A_193[15] : f32 from vector<16xf32>
        %broadcast_in_dim3A_195 = vector.broadcast %while3A_187 : i32 to vector<16xi32>
        %broadcast_in_dim3A_196 = vector.broadcast %reduce_max3A_194 : f32 to vector<16xf32>
        tpu.vector_store_idx %arg9[%broadcast_in_dim3A_195], %broadcast_in_dim3A_196 masked %eq3A : memref<1284xf32, #tpu.memory_space<vmem>>[vector<16xi32>], vector<16xf32>, vector<16xi1>
        %while3A_197 = arith.constant 0 : i32
        scf.yield %while3A_197 : i32
      }
      %add3A_95 = vector.broadcast %add3A_80 : i32 to vector<16xi32>
      %add3A_96 = arith.addi %add3A_95, %iota3A : vector<16xi32>
      tpu.vector_store_idx %arg9[%add3A_96], %broadcast_in_dim3A_19 masked %lt3A_28 : memref<1284xf32, #tpu.memory_space<vmem>>[vector<16xi32>], vector<16xf32>, vector<16xi1>
      %add3A_97 = arith.constant 16 : i32
      %add3A_98 = arith.addi %add3A_80, %add3A_97 : i32
      %sub3A_99 = arith.constant 1 : i32
      %sub3A_100 = arith.subi %add3A_98, %sub3A_99 : i32
      %jit3A_101 = arith.constant 16 : i32
      %div3A_102 = arith.divsi %sub3A_100, %jit3A_101 : i32
      %sign3A_103 = arith.constant 0 : i32
      %sign3A_104 = arith.cmpi sgt, %sub3A_100, %sign3A_103 : i32
      %sign3A_105 = arith.extui %sign3A_104 : i1 to i32
      %sign3A_106 = arith.constant 0 : i32
      %sign3A_107 = arith.cmpi slt, %sub3A_100, %sign3A_106 : i32
      %sign3A_108 = arith.extui %sign3A_107 : i1 to i32
      %sign3A_109 = arith.subi %sign3A_105, %sign3A_108 : i32
      %sign3A_110 = arith.constant 0 : i32
      %sign3A_111 = arith.cmpi sgt, %jit3A_101, %sign3A_110 : i32
      %sign3A_112 = arith.extui %sign3A_111 : i1 to i32
      %sign3A_113 = arith.constant 0 : i32
      %sign3A_114 = arith.cmpi slt, %jit3A_101, %sign3A_113 : i32
      %sign3A_115 = arith.extui %sign3A_114 : i1 to i32
      %sign3A_116 = arith.subi %sign3A_112, %sign3A_115 : i32
      %ne3A_117 = arith.cmpi ne, %sign3A_109, %sign3A_116 : i32
      %rem3A_118 = arith.remsi %sub3A_100, %jit3A_101 : i32
      %ne3A_119 = arith.constant 0 : i32
      %ne3A_120 = arith.cmpi ne, %rem3A_118, %ne3A_119 : i32
      %and3A_121 = arith.andi %ne3A_117, %ne3A_120 : i1
      %sub3A_122 = arith.constant 1 : i32
      %sub3A_123 = arith.subi %div3A_102, %sub3A_122 : i32
      %select_n3A_124 = arith.select %and3A_121, %sub3A_123, %div3A_102 : i32
      %broadcast_in_dim3A_125 = arith.constant 1073741824 : i32
      %broadcast_in_dim3A_126 = vector.broadcast %broadcast_in_dim3A_125 : i32 to vector<16xi32>
      %scan3A_127 = arith.constant 0 : i32
      %scan3A_128 = arith.constant 0 : i32
      %scan3A_129 = arith.constant 200 : i32
      %scan3A_130 = arith.addi %scan3A_128, %scan3A_129 : i32
      %scan3A_131 = arith.constant 1 : i32
      %scan3A_132 = scf.for %scan3A_187 = %scan3A_128 to %scan3A_130 step %scan3A_131 iter_args(%scan3A_188 = %scan3A_127) -> (i32)  : i32 {
        %while3A_189 = arith.constant 0 : i32
        %while3A_190 = arith.subi %select_n3A_124, %while3A_189 : i32
        %while3A_191 = arith.addi %while3A_189, %while3A_190 : i32
        %while3A_192 = arith.constant 1 : i32
        %while3A_193 = arith.divsi %while3A_190, %while3A_192 : i32
        %while3A_194 = arith.muli %while3A_193, %while3A_192 : i32
        %while3A_195 = arith.addi %while3A_189, %while3A_194 : i32
        %while3A_196 = arith.constant 1 : i32
        %while3A_197:2 = scf.for %while3A_280 = %while3A_189 to %while3A_195 step %while3A_196 iter_args(%while3A_281 = %broadcast_in_dim3A_19, %while3A_282 = %broadcast_in_dim3A_23) -> (vector<16xf32>, vector<16xi32>)  : i32 {
          %mul3A_283 = arith.constant 16 : i32
          %mul3A_284 = arith.muli %while3A_280, %mul3A_283 : i32
          %get3A_285 = arith.index_cast %mul3A_284 : i32 to index
          %get3A_286 = tpu.vector_load %arg9[%get3A_285] {strides = array<i32>} : memref<1284xf32, #tpu.memory_space<vmem>>, vector<16xf32>,
          %gt3A = arith.cmpf ogt, %get3A_286, %while3A_281 : vector<16xf32>
          %select_n3A_287 = arith.select %gt3A, %get3A_286, %while3A_281 : vector<16xi1>, vector<16xf32>
          %broadcast_in_dim3A_288 = vector.broadcast %while3A_280 : i32 to vector<16xi32>
          %select_n3A_289 = arith.select %gt3A, %broadcast_in_dim3A_288, %while3A_282 : vector<16xi1>, vector<16xi32>
          scf.yield %select_n3A_287, %select_n3A_289 : vector<16xf32>, vector<16xi32>
        }
        %while3A_198 = arith.constant 1 : i32
        %while3A_199:2 = scf.for %while3A_280 = %while3A_195 to %while3A_191 step %while3A_198 iter_args(%while3A_281 = %while3A_197#0, %while3A_282 = %while3A_197#1) -> (vector<16xf32>, vector<16xi32>)  : i32 {
          %mul3A_283 = arith.constant 16 : i32
          %mul3A_284 = arith.muli %while3A_280, %mul3A_283 : i32
          %get3A_285 = arith.index_cast %mul3A_284 : i32 to index
          %get3A_286 = tpu.vector_load %arg9[%get3A_285] {strides = array<i32>} : memref<1284xf32, #tpu.memory_space<vmem>>, vector<16xf32>,
          %gt3A = arith.cmpf ogt, %get3A_286, %while3A_281 : vector<16xf32>
          %select_n3A_287 = arith.select %gt3A, %get3A_286, %while3A_281 : vector<16xi1>, vector<16xf32>
          %broadcast_in_dim3A_288 = vector.broadcast %while3A_280 : i32 to vector<16xi32>
          %select_n3A_289 = arith.select %gt3A, %broadcast_in_dim3A_288, %while3A_282 : vector<16xi1>, vector<16xi32>
          scf.yield %select_n3A_287, %select_n3A_289 : vector<16xf32>, vector<16xi32>
        }
        %reduce_max3A = arith.constant true
        %reduce_max3A_200 = vector.broadcast %reduce_max3A : i1 to vector<16xi1>
        %reduce_max3A_201 = tpu.scan <max>, %while3A_199#0 masked %reduce_max3A_200 : vector<16xf32>, vector<16xi1> -> vector<16xf32>
        %reduce_max3A_202 = vector.extract %reduce_max3A_201[15] : f32 from vector<16xf32>
        %broadcast_in_dim3A_203 = vector.broadcast %reduce_max3A_202 : f32 to vector<16xf32>
        %eq3A_204 = arith.cmpf oeq, %while3A_199#0, %broadcast_in_dim3A_203 : vector<16xf32>
        %mul3A_205 = arith.constant 16 : i32
        %mul3A_206 = vector.broadcast %mul3A_205 : i32 to vector<16xi32>
        %mul3A_207 = arith.muli %while3A_199#1, %mul3A_206 : vector<16xi32>
        %add3A_208 = arith.addi %mul3A_207, %iota3A : vector<16xi32>
        %select_n3A_209 = arith.select %eq3A_204, %add3A_208, %broadcast_in_dim3A_126 : vector<16xi1>, vector<16xi32>
        %reduce_min3A = arith.constant true
        %reduce_min3A_210 = vector.broadcast %reduce_min3A : i1 to vector<16xi1>
        %reduce_min3A_211 = arith.constant -2147483648 : i32
        %reduce_min3A_212 = vector.broadcast %reduce_min3A_211 : i32 to vector<16xi32>
        %reduce_min3A_213 = arith.xori %select_n3A_209, %reduce_min3A_212 : vector<16xi32>
        %reduce_min3A_214 = tpu.scan <min>, %reduce_min3A_213 masked %reduce_min3A_210 : vector<16xi32>, vector<16xi1> -> vector<16xi32>
        %reduce_min3A_215 = arith.xori %reduce_min3A_214, %reduce_min3A_212 : vector<16xi32>
        %reduce_min3A_216 = vector.extract %reduce_min3A_215[15] : i32 from vector<16xi32>
        %mul3A_217 = arith.constant 16 : i32
        %mul3A_218 = arith.muli %reduce_min3A_216, %mul3A_217 : i32
        %get3A = arith.index_cast %mul3A_218 : i32 to index
        %get3A_219 = tpu.vector_load %arg7[%get3A] {strides = array<i32>} : memref<20032xf32, #tpu.memory_space<vmem>>, vector<16xf32>,
        %eq3A_220 = arith.cmpf oeq, %get3A_219, %broadcast_in_dim3A_203 : vector<16xf32>
        %select_n3A_221 = arith.select %eq3A_220, %iota3A, %broadcast_in_dim3A_126 : vector<16xi1>, vector<16xi32>
        %reduce_min3A_222 = arith.constant true
        %reduce_min3A_223 = vector.broadcast %reduce_min3A_222 : i1 to vector<16xi1>
        %reduce_min3A_224 = arith.constant -2147483648 : i32
        %reduce_min3A_225 = vector.broadcast %reduce_min3A_224 : i32 to vector<16xi32>
        %reduce_min3A_226 = arith.xori %select_n3A_221, %reduce_min3A_225 : vector<16xi32>
        %reduce_min3A_227 = tpu.scan <min>, %reduce_min3A_226 masked %reduce_min3A_223 : vector<16xi32>, vector<16xi1> -> vector<16xi32>
        %reduce_min3A_228 = arith.xori %reduce_min3A_227, %reduce_min3A_225 : vector<16xi32>
        %reduce_min3A_229 = vector.extract %reduce_min3A_228[15] : i32 from vector<16xi32>
        %mul3A_230 = arith.constant 16 : i32
        %mul3A_231 = arith.muli %reduce_min3A_216, %mul3A_230 : i32
        %add3A_232 = arith.addi %mul3A_231, %reduce_min3A_229 : i32
        %broadcast_in_dim3A_233 = vector.broadcast %add3A_232 : i32 to vector<16xi32>
        %gather3A = tpu.vector_load_idx %arg8[%broadcast_in_dim3A_233] : memref<20032xi32, #tpu.memory_space<vmem>>[vector<16xi32>], vector<16xi32>,
        %reduce_max3A_234 = arith.constant true
        %reduce_max3A_235 = vector.broadcast %reduce_max3A_234 : i1 to vector<16xi1>
        %reduce_max3A_236 = arith.constant -2147483648 : i32
        %reduce_max3A_237 = vector.broadcast %reduce_max3A_236 : i32 to vector<16xi32>
        %reduce_max3A_238 = arith.xori %gather3A, %reduce_max3A_237 : vector<16xi32>
        %reduce_max3A_239 = tpu.scan <max>, %reduce_max3A_238 masked %reduce_max3A_235 : vector<16xi32>, vector<16xi1> -> vector<16xi32>
        %reduce_max3A_240 = arith.xori %reduce_max3A_239, %reduce_max3A_237 : vector<16xi32>
        %reduce_max3A_241 = vector.extract %reduce_max3A_240[15] : i32 from vector<16xi32>
        %broadcast_in_dim3A_242 = vector.broadcast %add3A_232 : i32 to vector<16xi32>
        tpu.vector_store_idx %arg7[%broadcast_in_dim3A_242], %broadcast_in_dim3A_19 masked %eq3A : memref<20032xf32, #tpu.memory_space<vmem>>[vector<16xi32>], vector<16xf32>, vector<16xi1>
        %broadcast_in_dim3A_243 = vector.broadcast %reduce_min3A_229 : i32 to vector<16xi32>
        %eq3A_244 = arith.cmpi eq, %iota3A, %broadcast_in_dim3A_243 : vector<16xi32>
        %select_n3A_245 = arith.select %eq3A_244, %broadcast_in_dim3A_19, %get3A_219 : vector<16xi1>, vector<16xf32>
        %reduce_max3A_246 = arith.constant true
        %reduce_max3A_247 = vector.broadcast %reduce_max3A_246 : i1 to vector<16xi1>
        %reduce_max3A_248 = tpu.scan <max>, %select_n3A_245 masked %reduce_max3A_247 : vector<16xf32>, vector<16xi1> -> vector<16xf32>
        %reduce_max3A_249 = vector.extract %reduce_max3A_248[15] : f32 from vector<16xf32>
        %broadcast_in_dim3A_250 = vector.broadcast %reduce_min3A_216 : i32 to vector<16xi32>
        %broadcast_in_dim3A_251 = vector.broadcast %reduce_max3A_249 : f32 to vector<16xf32>
        tpu.vector_store_idx %arg9[%broadcast_in_dim3A_250], %broadcast_in_dim3A_251 masked %eq3A : memref<1284xf32, #tpu.memory_space<vmem>>[vector<16xi32>], vector<16xf32>, vector<16xi1>
        %broadcast_in_dim3A_252 = vector.broadcast %scan3A_187 : i32 to vector<16xi32>
        tpu.vector_store_idx %arg10[%broadcast_in_dim3A_252], %broadcast_in_dim3A_203 masked %eq3A : memref<208xf32, #tpu.memory_space<vmem>>[vector<16xi32>], vector<16xf32>, vector<16xi1>
        %dma_start3A = arith.constant 0 : i32
        %dma_start3A_253 = tpu.memref_slice %arg12[%scan3A_187, %dma_start3A] : memref<208x4xf32, #tpu.memory_space<vmem>> -> memref<1x4xf32, #tpu.memory_space<vmem>>
        %dma_start3A_254 = tpu.memref_squeeze %dma_start3A_253 : memref<1x4xf32, #tpu.memory_space<vmem>> -> memref<4xf32, #tpu.memory_space<vmem>>
        %dma_start3A_255 = arith.constant 0 : i32
        %dma_start3A_256 = tpu.memref_slice %arg4[%reduce_max3A_241, %dma_start3A_255] : memref<20000x4xf32, #tpu.memory_space<hbm>> -> memref<1x4xf32, #tpu.memory_space<hbm>>
        %dma_start3A_257 = tpu.memref_squeeze %dma_start3A_256 : memref<1x4xf32, #tpu.memory_space<hbm>> -> memref<4xf32, #tpu.memory_space<hbm>>
        %dma_start3A_258 = arith.constant 0 : i32
        %dma_start3A_259 = tpu.memref_slice %arg12[%scan3A_187, %dma_start3A_258] : memref<208x4xf32, #tpu.memory_space<vmem>> -> memref<1x4xf32, #tpu.memory_space<vmem>>
        %dma_start3A_260 = tpu.memref_squeeze %dma_start3A_259 : memref<1x4xf32, #tpu.memory_space<vmem>> -> memref<4xf32, #tpu.memory_space<vmem>>
        %dma_start3A_261 = arith.constant 0 : i32
        %dma_start3A_262 = tpu.memref_slice %arg4[%reduce_max3A_241, %dma_start3A_261] : memref<20000x4xf32, #tpu.memory_space<hbm>> -> memref<1x4xf32, #tpu.memory_space<hbm>>
        %dma_start3A_263 = tpu.memref_squeeze %dma_start3A_262 : memref<1x4xf32, #tpu.memory_space<hbm>> -> memref<4xf32, #tpu.memory_space<hbm>>
        tpu.enqueue_dma source(%dma_start3A_263 : memref<4xf32, #tpu.memory_space<hbm>>) target(%dma_start3A_260 : memref<4xf32, #tpu.memory_space<vmem>>) target_semaphore(%arg20 : memref<!tpu.dma_semaphore, #tpu.memory_space<semaphore_mem>>)
        %mul3A_264 = arith.constant 20000 : i32
        %mul3A_265 = arith.muli %select_n3A, %mul3A_264 : i32
        %add3A_266 = arith.addi %reduce_max3A_241, %mul3A_265 : i32
        %dma_start3A_267 = arith.constant 0 : i32
        %dma_start3A_268 = tpu.memref_slice %arg11[%scan3A_187, %dma_start3A_267] : memref<208x4xf32, #tpu.memory_space<vmem>> -> memref<1x4xf32, #tpu.memory_space<vmem>>
        %dma_start3A_269 = tpu.memref_squeeze %dma_start3A_268 : memref<1x4xf32, #tpu.memory_space<vmem>> -> memref<4xf32, #tpu.memory_space<vmem>>
        %dma_start3A_270 = arith.constant 0 : i32
        %dma_start3A_271 = tpu.memref_slice %arg3[%add3A_266, %dma_start3A_270] : memref<80000x4xf32, #tpu.memory_space<hbm>> -> memref<1x4xf32, #tpu.memory_space<hbm>>
        %dma_start3A_272 = tpu.memref_squeeze %dma_start3A_271 : memref<1x4xf32, #tpu.memory_space<hbm>> -> memref<4xf32, #tpu.memory_space<hbm>>
        %dma_start3A_273 = arith.constant 0 : i32
        %dma_start3A_274 = tpu.memref_slice %arg11[%scan3A_187, %dma_start3A_273] : memref<208x4xf32, #tpu.memory_space<vmem>> -> memref<1x4xf32, #tpu.memory_space<vmem>>
        %dma_start3A_275 = tpu.memref_squeeze %dma_start3A_274 : memref<1x4xf32, #tpu.memory_space<vmem>> -> memref<4xf32, #tpu.memory_space<vmem>>
        %dma_start3A_276 = arith.constant 0 : i32
        %dma_start3A_277 = tpu.memref_slice %arg3[%add3A_266, %dma_start3A_276] : memref<80000x4xf32, #tpu.memory_space<hbm>> -> memref<1x4xf32, #tpu.memory_space<hbm>>
        %dma_start3A_278 = tpu.memref_squeeze %dma_start3A_277 : memref<1x4xf32, #tpu.memory_space<hbm>> -> memref<4xf32, #tpu.memory_space<hbm>>
        tpu.enqueue_dma source(%dma_start3A_278 : memref<4xf32, #tpu.memory_space<hbm>>) target(%dma_start3A_275 : memref<4xf32, #tpu.memory_space<vmem>>) target_semaphore(%arg20 : memref<!tpu.dma_semaphore, #tpu.memory_space<semaphore_mem>>)
        %scan3A_279 = arith.constant 0 : i32
        scf.yield %scan3A_279 : i32
      }
      %scan3A_133 = arith.constant 200 : i32
      %dma_wait3A = arith.constant 0 : i32
      %dma_wait3A_134 = arith.constant 0 : i32
      %dma_wait3A_135 = tpu.memref_slice %arg12[%dma_wait3A, %dma_wait3A_134] : memref<208x4xf32, #tpu.memory_space<vmem>> -> memref<200x4xf32, #tpu.memory_space<vmem>>
      %dma_wait3A_136 = arith.constant 0 : i32
      %dma_wait3A_137 = arith.constant 0 : i32
      %dma_wait3A_138 = tpu.memref_slice %arg4[%dma_wait3A_136, %dma_wait3A_137] : memref<20000x4xf32, #tpu.memory_space<hbm>> -> memref<200x4xf32, #tpu.memory_space<hbm>>
      %dma_wait3A_139 = arith.constant 0 : i32
      %dma_wait3A_140 = arith.constant 0 : i32
      %dma_wait3A_141 = tpu.memref_slice %arg12[%dma_wait3A_139, %dma_wait3A_140] : memref<208x4xf32, #tpu.memory_space<vmem>> -> memref<200x4xf32, #tpu.memory_space<vmem>>
      %dma_wait3A_142 = arith.constant 0 : i32
      %dma_wait3A_143 = arith.constant 0 : i32
      %dma_wait3A_144 = tpu.memref_slice %arg4[%dma_wait3A_142, %dma_wait3A_143] : memref<20000x4xf32, #tpu.memory_space<hbm>> -> memref<200x4xf32, #tpu.memory_space<hbm>>
      tpu.wait_dma2 semaphore(%arg20 : memref<!tpu.dma_semaphore, #tpu.memory_space<semaphore_mem>>) src(%dma_wait3A_144 : memref<200x4xf32, #tpu.memory_space<hbm>>) dst(%dma_wait3A_141 : memref<200x4xf32, #tpu.memory_space<vmem>>)
      %dma_wait3A_145 = arith.constant 0 : i32
      %dma_wait3A_146 = arith.constant 0 : i32
      %dma_wait3A_147 = tpu.memref_slice %arg11[%dma_wait3A_145, %dma_wait3A_146] : memref<208x4xf32, #tpu.memory_space<vmem>> -> memref<200x4xf32, #tpu.memory_space<vmem>>
      %dma_wait3A_148 = arith.constant 0 : i32
      %dma_wait3A_149 = arith.constant 0 : i32
      %dma_wait3A_150 = tpu.memref_slice %arg3[%dma_wait3A_148, %dma_wait3A_149] : memref<80000x4xf32, #tpu.memory_space<hbm>> -> memref<200x4xf32, #tpu.memory_space<hbm>>
      %dma_wait3A_151 = arith.constant 0 : i32
      %dma_wait3A_152 = arith.constant 0 : i32
      %dma_wait3A_153 = tpu.memref_slice %arg11[%dma_wait3A_151, %dma_wait3A_152] : memref<208x4xf32, #tpu.memory_space<vmem>> -> memref<200x4xf32, #tpu.memory_space<vmem>>
      %dma_wait3A_154 = arith.constant 0 : i32
      %dma_wait3A_155 = arith.constant 0 : i32
      %dma_wait3A_156 = tpu.memref_slice %arg3[%dma_wait3A_154, %dma_wait3A_155] : memref<80000x4xf32, #tpu.memory_space<hbm>> -> memref<200x4xf32, #tpu.memory_space<hbm>>
      tpu.wait_dma2 semaphore(%arg20 : memref<!tpu.dma_semaphore, #tpu.memory_space<semaphore_mem>>) src(%dma_wait3A_156 : memref<200x4xf32, #tpu.memory_space<hbm>>) dst(%dma_wait3A_153 : memref<200x4xf32, #tpu.memory_space<vmem>>)
      %scan3A_157 = arith.constant 0 : i32
      %scan3A_158 = arith.constant 0 : i32
      %scan3A_159 = arith.constant 13 : i32
      %scan3A_160 = arith.addi %scan3A_158, %scan3A_159 : i32
      %scan3A_161 = arith.constant 1 : i32
      %scan3A_162 = scf.for %scan3A_187 = %scan3A_158 to %scan3A_160 step %scan3A_161 iter_args(%scan3A_188 = %scan3A_157) -> (i32)  : i32 {
        %mul3A_189 = arith.constant 16 : i32
        %mul3A_190 = arith.muli %scan3A_187, %mul3A_189 : i32
        %add3A_191 = vector.broadcast %mul3A_190 : i32 to vector<16xi32>
        %add3A_192 = arith.addi %add3A_191, %iota3A : vector<16xi32>
        %gather3A = tpu.vector_load_idx %arg12[%add3A_192, %broadcast_in_dim3A_23] : memref<208x4xf32, #tpu.memory_space<vmem>>[vector<16xi32>, vector<16xi32>], vector<16xf32>,
        %add3A_193 = arith.constant 1 : i32
        %add3A_194 = vector.broadcast %add3A_193 : i32 to vector<16xi32>
        %add3A_195 = arith.addi %broadcast_in_dim3A_23, %add3A_194 : vector<16xi32>
        %gather3A_196 = tpu.vector_load_idx %arg12[%add3A_192, %add3A_195] : memref<208x4xf32, #tpu.memory_space<vmem>>[vector<16xi32>, vector<16xi32>], vector<16xf32>,
        %add3A_197 = arith.constant 2 : i32
        %add3A_198 = vector.broadcast %add3A_197 : i32 to vector<16xi32>
        %add3A_199 = arith.addi %broadcast_in_dim3A_23, %add3A_198 : vector<16xi32>
        %gather3A_200 = tpu.vector_load_idx %arg12[%add3A_192, %add3A_199] : memref<208x4xf32, #tpu.memory_space<vmem>>[vector<16xi32>, vector<16xi32>], vector<16xf32>,
        %add3A_201 = arith.constant 3 : i32
        %add3A_202 = vector.broadcast %add3A_201 : i32 to vector<16xi32>
        %add3A_203 = arith.addi %broadcast_in_dim3A_23, %add3A_202 : vector<16xi32>
        %gather3A_204 = tpu.vector_load_idx %arg12[%add3A_192, %add3A_203] : memref<208x4xf32, #tpu.memory_space<vmem>>[vector<16xi32>, vector<16xi32>], vector<16xf32>,
        %gather3A_205 = tpu.vector_load_idx %arg11[%add3A_192, %broadcast_in_dim3A_23] : memref<208x4xf32, #tpu.memory_space<vmem>>[vector<16xi32>, vector<16xi32>], vector<16xf32>,
        %add3A_206 = arith.constant 1 : i32
        %add3A_207 = vector.broadcast %add3A_206 : i32 to vector<16xi32>
        %add3A_208 = arith.addi %broadcast_in_dim3A_23, %add3A_207 : vector<16xi32>
        %gather3A_209 = tpu.vector_load_idx %arg11[%add3A_192, %add3A_208] : memref<208x4xf32, #tpu.memory_space<vmem>>[vector<16xi32>, vector<16xi32>], vector<16xf32>,
        %add3A_210 = arith.constant 2 : i32
        %add3A_211 = vector.broadcast %add3A_210 : i32 to vector<16xi32>
        %add3A_212 = arith.addi %broadcast_in_dim3A_23, %add3A_211 : vector<16xi32>
        %gather3A_213 = tpu.vector_load_idx %arg11[%add3A_192, %add3A_212] : memref<208x4xf32, #tpu.memory_space<vmem>>[vector<16xi32>, vector<16xi32>], vector<16xf32>,
        %add3A_214 = arith.constant 3 : i32
        %add3A_215 = vector.broadcast %add3A_214 : i32 to vector<16xi32>
        %add3A_216 = arith.addi %broadcast_in_dim3A_23, %add3A_215 : vector<16xi32>
        %gather3A_217 = tpu.vector_load_idx %arg11[%add3A_192, %add3A_216] : memref<208x4xf32, #tpu.memory_space<vmem>>[vector<16xi32>, vector<16xi32>], vector<16xf32>,
        %mul3A_218 = arith.constant 1.000000e-01 : f32
        %mul3A_219 = vector.broadcast %mul3A_218 : f32 to vector<16xf32>
        %mul3A_220 = arith.mulf %gather3A_205, %mul3A_219 : vector<16xf32>
        %mul3A_221 = arith.mulf %mul3A_220, %gather3A_200 : vector<16xf32>
        %add3A_222 = arith.addf %gather3A, %mul3A_221 : vector<16xf32>
        %mul3A_223 = arith.constant 1.000000e-01 : f32
        %mul3A_224 = vector.broadcast %mul3A_223 : f32 to vector<16xf32>
        %mul3A_225 = arith.mulf %gather3A_209, %mul3A_224 : vector<16xf32>
        %mul3A_226 = arith.mulf %mul3A_225, %gather3A_204 : vector<16xf32>
        %add3A_227 = arith.addf %gather3A_196, %mul3A_226 : vector<16xf32>
        %mul3A_228 = arith.constant 2.000000e-01 : f32
        %mul3A_229 = vector.broadcast %mul3A_228 : f32 to vector<16xf32>
        %mul3A_230 = arith.mulf %gather3A_213, %mul3A_229 : vector<16xf32>
        %exp3A = math.exp %mul3A_230 : vector<16xf32>
        %mul3A_231 = arith.mulf %gather3A_200, %exp3A : vector<16xf32>
        %mul3A_232 = arith.constant 2.000000e-01 : f32
        %mul3A_233 = vector.broadcast %mul3A_232 : f32 to vector<16xf32>
        %mul3A_234 = arith.mulf %gather3A_217, %mul3A_233 : vector<16xf32>
        %exp3A_235 = math.exp %mul3A_234 : vector<16xf32>
        %mul3A_236 = arith.mulf %gather3A_204, %exp3A_235 : vector<16xf32>
        %div3A_237 = arith.constant 2.000000e+00 : f32
        %div3A_238 = vector.broadcast %div3A_237 : f32 to vector<16xf32>
        %div3A_239 = arith.divf %mul3A_231, %div3A_238 : vector<16xf32>
        %sub3A_240 = arith.subf %add3A_222, %div3A_239 : vector<16xf32>
        %div3A_241 = arith.constant 2.000000e+00 : f32
        %div3A_242 = vector.broadcast %div3A_241 : f32 to vector<16xf32>
        %div3A_243 = arith.divf %mul3A_236, %div3A_242 : vector<16xf32>
        %sub3A_244 = arith.subf %add3A_227, %div3A_243 : vector<16xf32>
        %div3A_245 = arith.constant 2.000000e+00 : f32
        %div3A_246 = vector.broadcast %div3A_245 : f32 to vector<16xf32>
        %div3A_247 = arith.divf %mul3A_231, %div3A_246 : vector<16xf32>
        %add3A_248 = arith.addf %add3A_222, %div3A_247 : vector<16xf32>
        %div3A_249 = arith.constant 2.000000e+00 : f32
        %div3A_250 = vector.broadcast %div3A_249 : f32 to vector<16xf32>
        %div3A_251 = arith.divf %mul3A_236, %div3A_250 : vector<16xf32>
        %add3A_252 = arith.addf %add3A_227, %div3A_251 : vector<16xf32>
        %swap3A = arith.index_cast %mul3A_190 : i32 to index
        %swap3A_253 = tpu.vector_load %arg13[%swap3A] {strides = array<i32>} : memref<208xf32, #tpu.memory_space<vmem>>, vector<16xf32>,
        tpu.vector_store %arg13[%swap3A], %sub3A_240 {strides = array<i32>} : memref<208xf32, #tpu.memory_space<vmem>>, vector<16xf32>,
        %swap3A_254 = arith.index_cast %mul3A_190 : i32 to index
        %swap3A_255 = tpu.vector_load %arg14[%swap3A_254] {strides = array<i32>} : memref<208xf32, #tpu.memory_space<vmem>>, vector<16xf32>,
        tpu.vector_store %arg14[%swap3A_254], %sub3A_244 {strides = array<i32>} : memref<208xf32, #tpu.memory_space<vmem>>, vector<16xf32>,
        %swap3A_256 = arith.index_cast %mul3A_190 : i32 to index
        %swap3A_257 = tpu.vector_load %arg15[%swap3A_256] {strides = array<i32>} : memref<208xf32, #tpu.memory_space<vmem>>, vector<16xf32>,
        tpu.vector_store %arg15[%swap3A_256], %add3A_248 {strides = array<i32>} : memref<208xf32, #tpu.memory_space<vmem>>, vector<16xf32>,
        %swap3A_258 = arith.index_cast %mul3A_190 : i32 to index
        %swap3A_259 = tpu.vector_load %arg16[%swap3A_258] {strides = array<i32>} : memref<208xf32, #tpu.memory_space<vmem>>, vector<16xf32>,
        tpu.vector_store %arg16[%swap3A_258], %add3A_252 {strides = array<i32>} : memref<208xf32, #tpu.memory_space<vmem>>, vector<16xf32>,
        %sub3A_260 = arith.subf %add3A_248, %sub3A_240 : vector<16xf32>
        %sub3A_261 = arith.subf %add3A_252, %sub3A_244 : vector<16xf32>
        %mul3A_262 = arith.mulf %sub3A_260, %sub3A_261 : vector<16xf32>
        %swap3A_263 = arith.index_cast %mul3A_190 : i32 to index
        %swap3A_264 = tpu.vector_load %arg17[%swap3A_263] {strides = array<i32>} : memref<208xf32, #tpu.memory_space<vmem>>, vector<16xf32>,
        tpu.vector_store %arg17[%swap3A_263], %mul3A_262 {strides = array<i32>} : memref<208xf32, #tpu.memory_space<vmem>>, vector<16xf32>,
        %get3A = arith.index_cast %mul3A_190 : i32 to index
        %get3A_265 = tpu.vector_load %arg10[%get3A] {strides = array<i32>} : memref<208xf32, #tpu.memory_space<vmem>>, vector<16xf32>,
        %gt3A = arith.cmpf ogt, %get3A_265, %broadcast_in_dim3A_25 : vector<16xf32>
        %select_n3A_266 = arith.select %gt3A, %broadcast_in_dim3A_21, %broadcast_in_dim3A_23 : vector<16xi1>, vector<16xi32>
        %swap3A_267 = arith.index_cast %mul3A_190 : i32 to index
        %swap3A_268 = tpu.vector_load %arg18[%swap3A_267] {strides = array<i32>} : memref<208xi32, #tpu.memory_space<vmem>>, vector<16xi32>,
        tpu.vector_store %arg18[%swap3A_267], %select_n3A_266 {strides = array<i32>} : memref<208xi32, #tpu.memory_space<vmem>>, vector<16xi32>,
        %scan3A_269 = arith.constant 0 : i32
        scf.yield %scan3A_269 : i32
      }
      %scan3A_163 = arith.constant 13 : i32
      %broadcast_in_dim3A_164 = arith.constant 4.500000e-01 : f32
      %broadcast_in_dim3A_165 = vector.broadcast %broadcast_in_dim3A_164 : f32 to vector<16xf32>
      %scan3A_166 = arith.constant 0 : i32
      %scan3A_167 = arith.constant 0 : i32
      %scan3A_168 = arith.constant 200 : i32
      %scan3A_169 = arith.addi %scan3A_167, %scan3A_168 : i32
      %scan3A_170 = arith.constant 1 : i32
      %scan3A_171 = scf.for %scan3A_187 = %scan3A_167 to %scan3A_169 step %scan3A_170 iter_args(%scan3A_188 = %scan3A_166) -> (i32)  : i32 {
        %jit3A_189 = arith.constant 16 : i32
        %div3A_190 = arith.divsi %scan3A_187, %jit3A_189 : i32
        %sign3A_191 = arith.constant 0 : i32
        %sign3A_192 = arith.cmpi sgt, %scan3A_187, %sign3A_191 : i32
        %sign3A_193 = arith.extui %sign3A_192 : i1 to i32
        %sign3A_194 = arith.constant 0 : i32
        %sign3A_195 = arith.cmpi slt, %scan3A_187, %sign3A_194 : i32
        %sign3A_196 = arith.extui %sign3A_195 : i1 to i32
        %sign3A_197 = arith.subi %sign3A_193, %sign3A_196 : i32
        %sign3A_198 = arith.constant 0 : i32
        %sign3A_199 = arith.cmpi sgt, %jit3A_189, %sign3A_198 : i32
        %sign3A_200 = arith.extui %sign3A_199 : i1 to i32
        %sign3A_201 = arith.constant 0 : i32
        %sign3A_202 = arith.cmpi slt, %jit3A_189, %sign3A_201 : i32
        %sign3A_203 = arith.extui %sign3A_202 : i1 to i32
        %sign3A_204 = arith.subi %sign3A_200, %sign3A_203 : i32
        %ne3A_205 = arith.cmpi ne, %sign3A_197, %sign3A_204 : i32
        %rem3A_206 = arith.remsi %scan3A_187, %jit3A_189 : i32
        %ne3A_207 = arith.constant 0 : i32
        %ne3A_208 = arith.cmpi ne, %rem3A_206, %ne3A_207 : i32
        %and3A_209 = arith.andi %ne3A_205, %ne3A_208 : i1
        %sub3A_210 = arith.constant 1 : i32
        %sub3A_211 = arith.subi %div3A_190, %sub3A_210 : i32
        %select_n3A_212 = arith.select %and3A_209, %sub3A_211, %div3A_190 : i32
        %mul3A_213 = arith.constant 16 : i32
        %mul3A_214 = arith.muli %select_n3A_212, %mul3A_213 : i32
        %sub3A_215 = arith.subi %scan3A_187, %mul3A_214 : i32
        %broadcast_in_dim3A_216 = vector.broadcast %sub3A_215 : i32 to vector<16xi32>
        %eq3A_217 = arith.cmpi eq, %iota3A, %broadcast_in_dim3A_216 : vector<16xi32>
        %get3A = arith.index_cast %mul3A_214 : i32 to index
        %get3A_218 = tpu.vector_load %arg18[%get3A] {strides = array<i32>} : memref<208xi32, #tpu.memory_space<vmem>>, vector<16xi32>,
        %select_n3A_219 = arith.select %eq3A_217, %get3A_218, %broadcast_in_dim3A_23 : vector<16xi1>, vector<16xi32>
        %reduce_max3A = arith.constant true
        %reduce_max3A_220 = vector.broadcast %reduce_max3A : i1 to vector<16xi1>
        %reduce_max3A_221 = arith.constant -2147483648 : i32
        %reduce_max3A_222 = vector.broadcast %reduce_max3A_221 : i32 to vector<16xi32>
        %reduce_max3A_223 = arith.xori %select_n3A_219, %reduce_max3A_222 : vector<16xi32>
        %reduce_max3A_224 = tpu.scan <max>, %reduce_max3A_223 masked %reduce_max3A_220 : vector<16xi32>, vector<16xi1> -> vector<16xi32>
        %reduce_max3A_225 = arith.xori %reduce_max3A_224, %reduce_max3A_222 : vector<16xi32>
        %reduce_max3A_226 = vector.extract %reduce_max3A_225[15] : i32 from vector<16xi32>
        %gt3A = arith.constant 0 : i32
        %gt3A_227 = arith.cmpi sgt, %reduce_max3A_226, %gt3A : i32
        %convert_element_type3A_228 = arith.extui %gt3A_227 : i1 to i32
        %cond3A_229 = arith.constant 0 : i32
        %cond3A_230 = arith.cmpi ne, %convert_element_type3A_228, %cond3A_229 : i32
        scf.if %cond3A_230 {
          %broadcast_in_dim3A_232 = vector.broadcast %scan3A_187 : i32 to vector<16xi32>
          %gather3A = tpu.vector_load_idx %arg13[%broadcast_in_dim3A_232] : memref<208xf32, #tpu.memory_space<vmem>>[vector<16xi32>], vector<16xf32>,
          %gather3A_233 = tpu.vector_load_idx %arg14[%broadcast_in_dim3A_232] : memref<208xf32, #tpu.memory_space<vmem>>[vector<16xi32>], vector<16xf32>,
          %gather3A_234 = tpu.vector_load_idx %arg15[%broadcast_in_dim3A_232] : memref<208xf32, #tpu.memory_space<vmem>>[vector<16xi32>], vector<16xf32>,
          %gather3A_235 = tpu.vector_load_idx %arg16[%broadcast_in_dim3A_232] : memref<208xf32, #tpu.memory_space<vmem>>[vector<16xi32>], vector<16xf32>,
          %sub3A_236 = arith.subf %gather3A_234, %gather3A : vector<16xf32>
          %sub3A_237 = arith.subf %gather3A_235, %gather3A_233 : vector<16xf32>
          %mul3A_238 = arith.mulf %sub3A_236, %sub3A_237 : vector<16xf32>
          %jit3A_239 = arith.constant 16 : i32
          %div3A_240 = arith.divsi %scan3A_187, %jit3A_239 : i32
          %sign3A_241 = arith.constant 0 : i32
          %sign3A_242 = arith.cmpi sgt, %scan3A_187, %sign3A_241 : i32
          %sign3A_243 = arith.extui %sign3A_242 : i1 to i32
          %sign3A_244 = arith.constant 0 : i32
          %sign3A_245 = arith.cmpi slt, %scan3A_187, %sign3A_244 : i32
          %sign3A_246 = arith.extui %sign3A_245 : i1 to i32
          %sign3A_247 = arith.subi %sign3A_243, %sign3A_246 : i32
          %sign3A_248 = arith.constant 0 : i32
          %sign3A_249 = arith.cmpi sgt, %jit3A_239, %sign3A_248 : i32
          %sign3A_250 = arith.extui %sign3A_249 : i1 to i32
          %sign3A_251 = arith.constant 0 : i32
          %sign3A_252 = arith.cmpi slt, %jit3A_239, %sign3A_251 : i32
          %sign3A_253 = arith.extui %sign3A_252 : i1 to i32
          %sign3A_254 = arith.subi %sign3A_250, %sign3A_253 : i32
          %ne3A_255 = arith.cmpi ne, %sign3A_247, %sign3A_254 : i32
          %rem3A_256 = arith.remsi %scan3A_187, %jit3A_239 : i32
          %ne3A_257 = arith.constant 0 : i32
          %ne3A_258 = arith.cmpi ne, %rem3A_256, %ne3A_257 : i32
          %and3A_259 = arith.andi %ne3A_255, %ne3A_258 : i1
          %sub3A_260 = arith.constant 1 : i32
          %sub3A_261 = arith.subi %div3A_240, %sub3A_260 : i32
          %select_n3A_262 = arith.select %and3A_259, %sub3A_261, %div3A_240 : i32
          %while3A_263 = arith.constant 13 : i32
          %while3A_264 = arith.constant 0 : i32
          %while3A_265 = arith.subi %while3A_263, %select_n3A_262 : i32
          %while3A_266 = arith.addi %select_n3A_262, %while3A_265 : i32
          %while3A_267 = arith.constant 1 : i32
          %while3A_268 = arith.divsi %while3A_265, %while3A_267 : i32
          %while3A_269 = arith.muli %while3A_268, %while3A_267 : i32
          %while3A_270 = arith.addi %select_n3A_262, %while3A_269 : i32
          %while3A_271 = arith.constant 1 : i32
          %while3A_272 = scf.for %while3A_275 = %select_n3A_262 to %while3A_270 step %while3A_271 iter_args(%while3A_276 = %while3A_264) -> (i32)  : i32 {
            %mul3A_277 = arith.constant 16 : i32
            %mul3A_278 = arith.muli %while3A_275, %mul3A_277 : i32
            %get3A_279 = arith.index_cast %mul3A_278 : i32 to index
            %get3A_280 = tpu.vector_load %arg13[%get3A_279] {strides = array<i32>} : memref<208xf32, #tpu.memory_space<vmem>>, vector<16xf32>,
            %max3A = arith.maximumf %gather3A, %get3A_280 : vector<16xf32>
            %get3A_281 = arith.index_cast %mul3A_278 : i32 to index
            %get3A_282 = tpu.vector_load %arg14[%get3A_281] {strides = array<i32>} : memref<208xf32, #tpu.memory_space<vmem>>, vector<16xf32>,
            %max3A_283 = arith.maximumf %gather3A_233, %get3A_282 : vector<16xf32>
            %get3A_284 = arith.index_cast %mul3A_278 : i32 to index
            %get3A_285 = tpu.vector_load %arg15[%get3A_284] {strides = array<i32>} : memref<208xf32, #tpu.memory_space<vmem>>, vector<16xf32>,
            %min3A = arith.minimumf %gather3A_234, %get3A_285 : vector<16xf32>
            %get3A_286 = arith.index_cast %mul3A_278 : i32 to index
            %get3A_287 = tpu.vector_load %arg16[%get3A_286] {strides = array<i32>} : memref<208xf32, #tpu.memory_space<vmem>>, vector<16xf32>,
            %min3A_288 = arith.minimumf %gather3A_235, %get3A_287 : vector<16xf32>
            %sub3A_289 = arith.subf %min3A, %max3A : vector<16xf32>
            %max3A_290 = arith.constant 0.000000e+00 : f32
            %max3A_291 = vector.broadcast %max3A_290 : f32 to vector<16xf32>
            %max3A_292 = arith.maximumf %sub3A_289, %max3A_291 : vector<16xf32>
            %sub3A_293 = arith.subf %min3A_288, %max3A_283 : vector<16xf32>
            %max3A_294 = arith.constant 0.000000e+00 : f32
            %max3A_295 = vector.broadcast %max3A_294 : f32 to vector<16xf32>
            %max3A_296 = arith.maximumf %sub3A_293, %max3A_295 : vector<16xf32>
            %mul3A_297 = arith.mulf %max3A_292, %max3A_296 : vector<16xf32>
            %get3A_298 = arith.index_cast %mul3A_278 : i32 to index
            %get3A_299 = tpu.vector_load %arg17[%get3A_298] {strides = array<i32>} : memref<208xf32, #tpu.memory_space<vmem>>, vector<16xf32>,
            %add3A_300 = arith.addf %mul3A_238, %get3A_299 : vector<16xf32>
            %sub3A_301 = arith.subf %add3A_300, %mul3A_297 : vector<16xf32>
            %div3A_302 = arith.divf %mul3A_297, %sub3A_301 : vector<16xf32>
            %gt3A_303 = arith.cmpf ogt, %div3A_302, %broadcast_in_dim3A_165 : vector<16xf32>
            %add3A_304 = vector.broadcast %mul3A_278 : i32 to vector<16xi32>
            %add3A_305 = arith.addi %add3A_304, %iota3A : vector<16xi32>
            %gt3A_306 = vector.broadcast %scan3A_187 : i32 to vector<16xi32>
            %gt3A_307 = arith.cmpi sgt, %add3A_305, %gt3A_306 : vector<16xi32>
            %and3A_308 = arith.andi %gt3A_303, %gt3A_307 : vector<16xi1>
            %get3A_309 = arith.index_cast %mul3A_278 : i32 to index
            %get3A_310 = tpu.vector_load %arg18[%get3A_309] {strides = array<i32>} : memref<208xi32, #tpu.memory_space<vmem>>, vector<16xi32>,
            %select_n3A_311 = arith.select %and3A_308, %broadcast_in_dim3A_23, %get3A_310 : vector<16xi1>, vector<16xi32>
            %swap3A = arith.index_cast %mul3A_278 : i32 to index
            %swap3A_312 = tpu.vector_load %arg18[%swap3A] {strides = array<i32>} : memref<208xi32, #tpu.memory_space<vmem>>, vector<16xi32>,
            tpu.vector_store %arg18[%swap3A], %select_n3A_311 {strides = array<i32>} : memref<208xi32, #tpu.memory_space<vmem>>, vector<16xi32>,
            %while3A_313 = arith.constant 0 : i32
            scf.yield %while3A_313 : i32
          }
          %while3A_273 = arith.constant 1 : i32
          %while3A_274 = scf.for %while3A_275 = %while3A_270 to %while3A_266 step %while3A_273 iter_args(%while3A_276 = %while3A_272) -> (i32)  : i32 {
            %mul3A_277 = arith.constant 16 : i32
            %mul3A_278 = arith.muli %while3A_275, %mul3A_277 : i32
            %get3A_279 = arith.index_cast %mul3A_278 : i32 to index
            %get3A_280 = tpu.vector_load %arg13[%get3A_279] {strides = array<i32>} : memref<208xf32, #tpu.memory_space<vmem>>, vector<16xf32>,
            %max3A = arith.maximumf %gather3A, %get3A_280 : vector<16xf32>
            %get3A_281 = arith.index_cast %mul3A_278 : i32 to index
            %get3A_282 = tpu.vector_load %arg14[%get3A_281] {strides = array<i32>} : memref<208xf32, #tpu.memory_space<vmem>>, vector<16xf32>,
            %max3A_283 = arith.maximumf %gather3A_233, %get3A_282 : vector<16xf32>
            %get3A_284 = arith.index_cast %mul3A_278 : i32 to index
            %get3A_285 = tpu.vector_load %arg15[%get3A_284] {strides = array<i32>} : memref<208xf32, #tpu.memory_space<vmem>>, vector<16xf32>,
            %min3A = arith.minimumf %gather3A_234, %get3A_285 : vector<16xf32>
            %get3A_286 = arith.index_cast %mul3A_278 : i32 to index
            %get3A_287 = tpu.vector_load %arg16[%get3A_286] {strides = array<i32>} : memref<208xf32, #tpu.memory_space<vmem>>, vector<16xf32>,
            %min3A_288 = arith.minimumf %gather3A_235, %get3A_287 : vector<16xf32>
            %sub3A_289 = arith.subf %min3A, %max3A : vector<16xf32>
            %max3A_290 = arith.constant 0.000000e+00 : f32
            %max3A_291 = vector.broadcast %max3A_290 : f32 to vector<16xf32>
            %max3A_292 = arith.maximumf %sub3A_289, %max3A_291 : vector<16xf32>
            %sub3A_293 = arith.subf %min3A_288, %max3A_283 : vector<16xf32>
            %max3A_294 = arith.constant 0.000000e+00 : f32
            %max3A_295 = vector.broadcast %max3A_294 : f32 to vector<16xf32>
            %max3A_296 = arith.maximumf %sub3A_293, %max3A_295 : vector<16xf32>
            %mul3A_297 = arith.mulf %max3A_292, %max3A_296 : vector<16xf32>
            %get3A_298 = arith.index_cast %mul3A_278 : i32 to index
            %get3A_299 = tpu.vector_load %arg17[%get3A_298] {strides = array<i32>} : memref<208xf32, #tpu.memory_space<vmem>>, vector<16xf32>,
            %add3A_300 = arith.addf %mul3A_238, %get3A_299 : vector<16xf32>
            %sub3A_301 = arith.subf %add3A_300, %mul3A_297 : vector<16xf32>
            %div3A_302 = arith.divf %mul3A_297, %sub3A_301 : vector<16xf32>
            %gt3A_303 = arith.cmpf ogt, %div3A_302, %broadcast_in_dim3A_165 : vector<16xf32>
            %add3A_304 = vector.broadcast %mul3A_278 : i32 to vector<16xi32>
            %add3A_305 = arith.addi %add3A_304, %iota3A : vector<16xi32>
            %gt3A_306 = vector.broadcast %scan3A_187 : i32 to vector<16xi32>
            %gt3A_307 = arith.cmpi sgt, %add3A_305, %gt3A_306 : vector<16xi32>
            %and3A_308 = arith.andi %gt3A_303, %gt3A_307 : vector<16xi1>
            %get3A_309 = arith.index_cast %mul3A_278 : i32 to index
            %get3A_310 = tpu.vector_load %arg18[%get3A_309] {strides = array<i32>} : memref<208xi32, #tpu.memory_space<vmem>>, vector<16xi32>,
            %select_n3A_311 = arith.select %and3A_308, %broadcast_in_dim3A_23, %get3A_310 : vector<16xi1>, vector<16xi32>
            %swap3A = arith.index_cast %mul3A_278 : i32 to index
            %swap3A_312 = tpu.vector_load %arg18[%swap3A] {strides = array<i32>} : memref<208xi32, #tpu.memory_space<vmem>>, vector<16xi32>,
            tpu.vector_store %arg18[%swap3A], %select_n3A_311 {strides = array<i32>} : memref<208xi32, #tpu.memory_space<vmem>>, vector<16xi32>,
            %while3A_313 = arith.constant 0 : i32
            scf.yield %while3A_313 : i32
          }
        } else {
        }
        %scan3A_231 = arith.constant 0 : i32
        scf.yield %scan3A_231 : i32
      }
      %scan3A_172 = arith.constant 200 : i32
      %scan3A_173 = arith.constant 0 : i32
      %scan3A_174 = arith.constant 0 : i32
      %scan3A_175 = arith.constant 65 : i32
      %scan3A_176 = arith.addi %scan3A_174, %scan3A_175 : i32
      %scan3A_177 = arith.constant 1 : i32
      %scan3A_178 = scf.for %scan3A_187 = %scan3A_174 to %scan3A_176 step %scan3A_177 iter_args(%scan3A_188 = %scan3A_173) -> (i32)  : i32 {
        %broadcast_in_dim3A_189 = arith.constant 0.000000e+00 : f32
        %broadcast_in_dim3A_190 = vector.broadcast %broadcast_in_dim3A_189 : f32 to vector<16xf32>
        %mul3A_191 = arith.constant 16 : i32
        %mul3A_192 = arith.muli %scan3A_187, %mul3A_191 : i32
        %swap3A = arith.index_cast %mul3A_192 : i32 to index
        %swap3A_193 = tpu.vector_load %arg19[%swap3A] {strides = array<i32>} : memref<1040xf32, #tpu.memory_space<vmem>>, vector<16xf32>,
        tpu.vector_store %arg19[%swap3A], %broadcast_in_dim3A_190 {strides = array<i32>} : memref<1040xf32, #tpu.memory_space<vmem>>, vector<16xf32>,
        %scan3A_194 = arith.constant 0 : i32
        scf.yield %scan3A_194 : i32
      }
      %scan3A_179 = arith.constant 65 : i32
      %scan3A_180 = arith.constant 0 : i32
      %scan3A_181 = arith.constant 0 : i32
      %scan3A_182 = arith.constant 13 : i32
      %scan3A_183 = arith.addi %scan3A_181, %scan3A_182 : i32
      %scan3A_184 = arith.constant 1 : i32
      %scan3A_185 = scf.for %scan3A_187 = %scan3A_181 to %scan3A_183 step %scan3A_184 iter_args(%scan3A_188 = %scan3A_180) -> (i32)  : i32 {
        %mul3A_189 = arith.constant 16 : i32
        %mul3A_190 = arith.muli %scan3A_187, %mul3A_189 : i32
        %get3A = arith.index_cast %mul3A_190 : i32 to index
        %get3A_191 = tpu.vector_load %arg18[%get3A] {strides = array<i32>} : memref<208xi32, #tpu.memory_space<vmem>>, vector<16xi32>,
        %gt3A = arith.cmpi sgt, %get3A_191, %broadcast_in_dim3A_23 : vector<16xi32>
        %select_n3A_192 = arith.select %gt3A, %broadcast_in_dim3A_21, %broadcast_in_dim3A_23 : vector<16xi1>, vector<16xi32>
        %broadcast_in_dim3A_193 = arith.constant true
        %broadcast_in_dim3A_194 = vector.broadcast %broadcast_in_dim3A_193 : i1 to vector<16xi1>
        %masked_cumsum3A = tpu.scan <sum>, %select_n3A_192 masked %broadcast_in_dim3A_194 : vector<16xi32>, vector<16xi1> -> vector<16xi32>
        %reduce_max3A = arith.constant true
        %reduce_max3A_195 = vector.broadcast %reduce_max3A : i1 to vector<16xi1>
        %reduce_max3A_196 = arith.constant -2147483648 : i32
        %reduce_max3A_197 = vector.broadcast %reduce_max3A_196 : i32 to vector<16xi32>
        %reduce_max3A_198 = arith.xori %masked_cumsum3A, %reduce_max3A_197 : vector<16xi32>
        %reduce_max3A_199 = tpu.scan <max>, %reduce_max3A_198 masked %reduce_max3A_195 : vector<16xi32>, vector<16xi1> -> vector<16xi32>
        %reduce_max3A_200 = arith.xori %reduce_max3A_199, %reduce_max3A_197 : vector<16xi32>
        %reduce_max3A_201 = vector.extract %reduce_max3A_200[15] : i32 from vector<16xi32>
        %gt3A_202 = arith.constant 0 : i32
        %gt3A_203 = arith.cmpi sgt, %reduce_max3A_201, %gt3A_202 : i32
        %convert_element_type3A_204 = arith.extui %gt3A_203 : i1 to i32
        %cond3A_205 = arith.constant 0 : i32
        %cond3A_206 = arith.cmpi ne, %convert_element_type3A_204, %cond3A_205 : i32
        scf.if %cond3A_206 {
          %add3A_208 = vector.broadcast %scan3A_188 : i32 to vector<16xi32>
          %add3A_209 = arith.addi %add3A_208, %masked_cumsum3A : vector<16xi32>
          %sub3A_210 = arith.constant 1 : i32
          %sub3A_211 = vector.broadcast %sub3A_210 : i32 to vector<16xi32>
          %sub3A_212 = arith.subi %add3A_209, %sub3A_211 : vector<16xi32>
          %get3A_213 = arith.index_cast %mul3A_190 : i32 to index
          %get3A_214 = tpu.vector_load %arg10[%get3A_213] {strides = array<i32>} : memref<208xf32, #tpu.memory_space<vmem>>, vector<16xf32>,
          tpu.vector_store_idx %arg19[%sub3A_212], %get3A_214 masked %gt3A : memref<1040xf32, #tpu.memory_space<vmem>>[vector<16xi32>], vector<16xf32>, vector<16xi1>
          %add3A_215 = arith.constant 208 : i32
          %add3A_216 = vector.broadcast %add3A_215 : i32 to vector<16xi32>
          %add3A_217 = arith.addi %sub3A_212, %add3A_216 : vector<16xi32>
          %get3A_218 = arith.index_cast %mul3A_190 : i32 to index
          %get3A_219 = tpu.vector_load %arg13[%get3A_218] {strides = array<i32>} : memref<208xf32, #tpu.memory_space<vmem>>, vector<16xf32>,
          tpu.vector_store_idx %arg19[%add3A_217], %get3A_219 masked %gt3A : memref<1040xf32, #tpu.memory_space<vmem>>[vector<16xi32>], vector<16xf32>, vector<16xi1>
          %add3A_220 = arith.constant 416 : i32
          %add3A_221 = vector.broadcast %add3A_220 : i32 to vector<16xi32>
          %add3A_222 = arith.addi %sub3A_212, %add3A_221 : vector<16xi32>
          %get3A_223 = arith.index_cast %mul3A_190 : i32 to index
          %get3A_224 = tpu.vector_load %arg14[%get3A_223] {strides = array<i32>} : memref<208xf32, #tpu.memory_space<vmem>>, vector<16xf32>,
          tpu.vector_store_idx %arg19[%add3A_222], %get3A_224 masked %gt3A : memref<1040xf32, #tpu.memory_space<vmem>>[vector<16xi32>], vector<16xf32>, vector<16xi1>
          %add3A_225 = arith.constant 624 : i32
          %add3A_226 = vector.broadcast %add3A_225 : i32 to vector<16xi32>
          %add3A_227 = arith.addi %sub3A_212, %add3A_226 : vector<16xi32>
          %get3A_228 = arith.index_cast %mul3A_190 : i32 to index
          %get3A_229 = tpu.vector_load %arg15[%get3A_228] {strides = array<i32>} : memref<208xf32, #tpu.memory_space<vmem>>, vector<16xf32>,
          tpu.vector_store_idx %arg19[%add3A_227], %get3A_229 masked %gt3A : memref<1040xf32, #tpu.memory_space<vmem>>[vector<16xi32>], vector<16xf32>, vector<16xi1>
          %add3A_230 = arith.constant 832 : i32
          %add3A_231 = vector.broadcast %add3A_230 : i32 to vector<16xi32>
          %add3A_232 = arith.addi %sub3A_212, %add3A_231 : vector<16xi32>
          %get3A_233 = arith.index_cast %mul3A_190 : i32 to index
          %get3A_234 = tpu.vector_load %arg16[%get3A_233] {strides = array<i32>} : memref<208xf32, #tpu.memory_space<vmem>>, vector<16xf32>,
          tpu.vector_store_idx %arg19[%add3A_232], %get3A_234 masked %gt3A : memref<1040xf32, #tpu.memory_space<vmem>>[vector<16xi32>], vector<16xf32>, vector<16xi1>
        } else {
        }
        %add3A_207 = arith.addi %scan3A_188, %reduce_max3A_201 : i32
        scf.yield %add3A_207 : i32
      }
      %scan3A_186 = arith.constant 13 : i32
      "tpu.region"() ({
        %run_scoped3A = tpu.sem_alloc : memref<!tpu.dma_semaphore, #tpu.memory_space<semaphore_mem>>
        %dma_start3A = arith.constant 0 : i32
        %dma_start3A_187 = tpu.memref_slice %arg5[%add3A_2, %dma_start3A] : memref<80x1040xf32, #tpu.memory_space<hbm>> -> memref<1x1040xf32, #tpu.memory_space<hbm>>
        %dma_start3A_188 = tpu.memref_squeeze %dma_start3A_187 : memref<1x1040xf32, #tpu.memory_space<hbm>> -> memref<1040xf32, #tpu.memory_space<hbm>>
        %dma_start3A_189 = arith.constant 0 : i32
        %dma_start3A_190 = tpu.memref_slice %arg5[%add3A_2, %dma_start3A_189] : memref<80x1040xf32, #tpu.memory_space<hbm>> -> memref<1x1040xf32, #tpu.memory_space<hbm>>
        %dma_start3A_191 = tpu.memref_squeeze %dma_start3A_190 : memref<1x1040xf32, #tpu.memory_space<hbm>> -> memref<1040xf32, #tpu.memory_space<hbm>>
        tpu.enqueue_dma source(%arg19 : memref<1040xf32, #tpu.memory_space<vmem>>) target(%dma_start3A_191 : memref<1040xf32, #tpu.memory_space<hbm>>) target_semaphore(%run_scoped3A : memref<!tpu.dma_semaphore, #tpu.memory_space<semaphore_mem>>)
        %dma_wait3A_192 = arith.constant 0 : i32
        %dma_wait3A_193 = tpu.memref_slice %arg5[%add3A_2, %dma_wait3A_192] : memref<80x1040xf32, #tpu.memory_space<hbm>> -> memref<1x1040xf32, #tpu.memory_space<hbm>>
        %dma_wait3A_194 = tpu.memref_squeeze %dma_wait3A_193 : memref<1x1040xf32, #tpu.memory_space<hbm>> -> memref<1040xf32, #tpu.memory_space<hbm>>
        %dma_wait3A_195 = arith.constant 0 : i32
        %dma_wait3A_196 = tpu.memref_slice %arg5[%add3A_2, %dma_wait3A_195] : memref<80x1040xf32, #tpu.memory_space<hbm>> -> memref<1x1040xf32, #tpu.memory_space<hbm>>
        %dma_wait3A_197 = tpu.memref_squeeze %dma_wait3A_196 : memref<1x1040xf32, #tpu.memory_space<hbm>> -> memref<1040xf32, #tpu.memory_space<hbm>>
        tpu.wait_dma2 semaphore(%run_scoped3A : memref<!tpu.dma_semaphore, #tpu.memory_space<semaphore_mem>>) src(%arg19 : memref<1040xf32, #tpu.memory_space<vmem>>) dst(%dma_wait3A_197 : memref<1040xf32, #tpu.memory_space<hbm>>)
        tpu.yield
      }) : () -> ()
    } else {
    }
    %add3A_5 = arith.constant 32 : i32
    %add3A_6 = arith.addi %add3A_5, %add3A : i32
    %lt3A_7 = arith.constant 80 : i32
    %lt3A_8 = arith.cmpi slt, %add3A_6, %lt3A_7 : i32
    %convert_element_type3A_9 = arith.extui %lt3A_8 : i1 to i32
    %cond3A_10 = arith.constant 0 : i32
    %cond3A_11 = arith.cmpi ne, %convert_element_type3A_9, %cond3A_10 : i32
    scf.if %cond3A_11 {
      %iota3A = tpu.iota {dimensions = array<i32: 0>} : vector<16xi32>
      %broadcast_in_dim3A = arith.constant 0xFF800000 : f32
      %broadcast_in_dim3A_19 = vector.broadcast %broadcast_in_dim3A : f32 to vector<16xf32>
      %broadcast_in_dim3A_20 = arith.constant 1 : i32
      %broadcast_in_dim3A_21 = vector.broadcast %broadcast_in_dim3A_20 : i32 to vector<16xi32>
      %broadcast_in_dim3A_22 = arith.constant 0 : i32
      %broadcast_in_dim3A_23 = vector.broadcast %broadcast_in_dim3A_22 : i32 to vector<16xi32>
      %broadcast_in_dim3A_24 = arith.constant 9.900000e-01 : f32
      %broadcast_in_dim3A_25 = vector.broadcast %broadcast_in_dim3A_24 : f32 to vector<16xf32>
      %broadcast_in_dim3A_26 = arith.constant 16 : i32
      %broadcast_in_dim3A_27 = vector.broadcast %broadcast_in_dim3A_26 : i32 to vector<16xi32>
      %lt3A_28 = arith.cmpi slt, %iota3A, %broadcast_in_dim3A_27 : vector<16xi32>
      %jit3A = arith.constant 20 : i32
      %div3A = arith.divsi %add3A_6, %jit3A : i32
      %sign3A = arith.constant 0 : i32
      %sign3A_29 = arith.cmpi sgt, %add3A_6, %sign3A : i32
      %sign3A_30 = arith.extui %sign3A_29 : i1 to i32
      %sign3A_31 = arith.constant 0 : i32
      %sign3A_32 = arith.cmpi slt, %add3A_6, %sign3A_31 : i32
      %sign3A_33 = arith.extui %sign3A_32 : i1 to i32
      %sign3A_34 = arith.subi %sign3A_30, %sign3A_33 : i32
      %sign3A_35 = arith.constant 0 : i32
      %sign3A_36 = arith.cmpi sgt, %jit3A, %sign3A_35 : i32
      %sign3A_37 = arith.extui %sign3A_36 : i1 to i32
      %sign3A_38 = arith.constant 0 : i32
      %sign3A_39 = arith.cmpi slt, %jit3A, %sign3A_38 : i32
      %sign3A_40 = arith.extui %sign3A_39 : i1 to i32
      %sign3A_41 = arith.subi %sign3A_37, %sign3A_40 : i32
      %ne3A = arith.cmpi ne, %sign3A_34, %sign3A_41 : i32
      %rem3A = arith.remsi %add3A_6, %jit3A : i32
      %ne3A_42 = arith.constant 0 : i32
      %ne3A_43 = arith.cmpi ne, %rem3A, %ne3A_42 : i32
      %and3A = arith.andi %ne3A, %ne3A_43 : i1
      %sub3A = arith.constant 1 : i32
      %sub3A_44 = arith.subi %div3A, %sub3A : i32
      %select_n3A = arith.select %and3A, %sub3A_44, %div3A : i32
      "tpu.region"() ({
        %run_scoped3A = tpu.sem_alloc : memref<!tpu.dma_semaphore, #tpu.memory_space<semaphore_mem>>
        %dma_start3A = arith.constant 0 : i32
        %dma_start3A_187 = tpu.memref_slice %arg2[%add3A_6, %dma_start3A] : memref<80x20000xf32, #tpu.memory_space<hbm>> -> memref<1x20000xf32, #tpu.memory_space<hbm>>
        %dma_start3A_188 = tpu.memref_squeeze %dma_start3A_187 : memref<1x20000xf32, #tpu.memory_space<hbm>> -> memref<20000xf32, #tpu.memory_space<hbm>>
        %dma_start3A_189 = arith.constant 0 : i32
        %dma_start3A_190 = tpu.memref_slice %arg2[%add3A_6, %dma_start3A_189] : memref<80x20000xf32, #tpu.memory_space<hbm>> -> memref<1x20000xf32, #tpu.memory_space<hbm>>
        %dma_start3A_191 = tpu.memref_squeeze %dma_start3A_190 : memref<1x20000xf32, #tpu.memory_space<hbm>> -> memref<20000xf32, #tpu.memory_space<hbm>>
        tpu.enqueue_dma source(%dma_start3A_191 : memref<20000xf32, #tpu.memory_space<hbm>>) target(%arg6 : memref<20000xf32, #tpu.memory_space<vmem>>) target_semaphore(%run_scoped3A : memref<!tpu.dma_semaphore, #tpu.memory_space<semaphore_mem>>)
        %dma_wait3A_192 = arith.constant 0 : i32
        %dma_wait3A_193 = tpu.memref_slice %arg2[%add3A_6, %dma_wait3A_192] : memref<80x20000xf32, #tpu.memory_space<hbm>> -> memref<1x20000xf32, #tpu.memory_space<hbm>>
        %dma_wait3A_194 = tpu.memref_squeeze %dma_wait3A_193 : memref<1x20000xf32, #tpu.memory_space<hbm>> -> memref<20000xf32, #tpu.memory_space<hbm>>
        %dma_wait3A_195 = arith.constant 0 : i32
        %dma_wait3A_196 = tpu.memref_slice %arg2[%add3A_6, %dma_wait3A_195] : memref<80x20000xf32, #tpu.memory_space<hbm>> -> memref<1x20000xf32, #tpu.memory_space<hbm>>
        %dma_wait3A_197 = tpu.memref_squeeze %dma_wait3A_196 : memref<1x20000xf32, #tpu.memory_space<hbm>> -> memref<20000xf32, #tpu.memory_space<hbm>>
        tpu.wait_dma2 semaphore(%run_scoped3A : memref<!tpu.dma_semaphore, #tpu.memory_space<semaphore_mem>>) src(%dma_wait3A_197 : memref<20000xf32, #tpu.memory_space<hbm>>) dst(%arg6 : memref<20000xf32, #tpu.memory_space<vmem>>)
        tpu.yield
      }) : () -> ()
      %scan3A = arith.constant 0 : i32
      %scan3A_45 = arith.constant 0 : i32
      %scan3A_46 = arith.constant 1250 : i32
      %scan3A_47 = arith.addi %scan3A_45, %scan3A_46 : i32
      %scan3A_48 = arith.constant 1 : i32
      %scan3A_49 = scf.for %scan3A_187 = %scan3A_45 to %scan3A_47 step %scan3A_48 iter_args(%scan3A_188 = %scan3A) -> (i32)  : i32 {
        %mul3A_189 = arith.constant 16 : i32
        %mul3A_190 = arith.muli %scan3A_187, %mul3A_189 : i32
        %get3A = arith.index_cast %mul3A_190 : i32 to index
        %get3A_191 = tpu.vector_load %arg6[%get3A] {strides = array<i32>} : memref<20000xf32, #tpu.memory_space<vmem>>, vector<16xf32>,
        %gt3A = arith.cmpf ogt, %get3A_191, %broadcast_in_dim3A_25 : vector<16xf32>
        %all_reduce_population_count3A = tpu.all_reduce %gt3A {dim = 0 : i64, kind = #tpu.reduction_kind<sum>} : vector<16xi1> -> vector<16xi32>
        %slice3A = vector.extract_strided_slice %all_reduce_population_count3A {offsets = [0], sizes = [1], strides = [1]} : vector<16xi32> to vector<1xi32>
        %squeeze3A = vector.extract %slice3A[0] : i32 from vector<1xi32>
        %gt3A_192 = arith.constant 0 : i32
        %gt3A_193 = arith.cmpi sgt, %squeeze3A, %gt3A_192 : i32
        %convert_element_type3A_194 = arith.extui %gt3A_193 : i1 to i32
        %cond3A_195 = arith.constant 0 : i32
        %cond3A_196 = arith.cmpi ne, %convert_element_type3A_194, %cond3A_195 : i32
        scf.if %cond3A_196 {
          %select_n3A_198 = arith.select %gt3A, %broadcast_in_dim3A_21, %broadcast_in_dim3A_23 : vector<16xi1>, vector<16xi32>
          %broadcast_in_dim3A_199 = arith.constant true
          %broadcast_in_dim3A_200 = vector.broadcast %broadcast_in_dim3A_199 : i1 to vector<16xi1>
          %masked_cumsum3A = tpu.scan <sum>, %select_n3A_198 masked %broadcast_in_dim3A_200 : vector<16xi32>, vector<16xi1> -> vector<16xi32>
          %add3A_201 = vector.broadcast %scan3A_188 : i32 to vector<16xi32>
          %add3A_202 = arith.addi %add3A_201, %masked_cumsum3A : vector<16xi32>
          %sub3A_203 = arith.constant 1 : i32
          %sub3A_204 = vector.broadcast %sub3A_203 : i32 to vector<16xi32>
          %sub3A_205 = arith.subi %add3A_202, %sub3A_204 : vector<16xi32>
          tpu.vector_store_idx %arg7[%sub3A_205], %get3A_191 masked %gt3A : memref<20032xf32, #tpu.memory_space<vmem>>[vector<16xi32>], vector<16xf32>, vector<16xi1>
          %mul3A_206 = arith.constant 16 : i32
          %mul3A_207 = arith.muli %scan3A_187, %mul3A_206 : i32
          %add3A_208 = vector.broadcast %mul3A_207 : i32 to vector<16xi32>
          %add3A_209 = arith.addi %add3A_208, %iota3A : vector<16xi32>
          tpu.vector_store_idx %arg8[%sub3A_205], %add3A_209 masked %gt3A : memref<20032xi32, #tpu.memory_space<vmem>>[vector<16xi32>], vector<16xi32>, vector<16xi1>
        } else {
        }
        %add3A_197 = arith.addi %scan3A_188, %squeeze3A : i32
        scf.yield %add3A_197 : i32
      }
      %scan3A_50 = arith.constant 1250 : i32
      %add3A_51 = vector.broadcast %scan3A_49 : i32 to vector<16xi32>
      %add3A_52 = arith.addi %add3A_51, %iota3A : vector<16xi32>
      tpu.vector_store_idx %arg7[%add3A_52], %broadcast_in_dim3A_19 masked %lt3A_28 : memref<20032xf32, #tpu.memory_space<vmem>>[vector<16xi32>], vector<16xf32>, vector<16xi1>
      %add3A_53 = vector.broadcast %scan3A_49 : i32 to vector<16xi32>
      %add3A_54 = arith.addi %add3A_53, %iota3A : vector<16xi32>
      tpu.vector_store_idx %arg8[%add3A_54], %broadcast_in_dim3A_23 masked %lt3A_28 : memref<20032xi32, #tpu.memory_space<vmem>>[vector<16xi32>], vector<16xi32>, vector<16xi1>
      %jit3A_55 = arith.constant 16 : i32
      %div3A_56 = arith.divsi %scan3A_49, %jit3A_55 : i32
      %sign3A_57 = arith.constant 0 : i32
      %sign3A_58 = arith.cmpi sgt, %scan3A_49, %sign3A_57 : i32
      %sign3A_59 = arith.extui %sign3A_58 : i1 to i32
      %sign3A_60 = arith.constant 0 : i32
      %sign3A_61 = arith.cmpi slt, %scan3A_49, %sign3A_60 : i32
      %sign3A_62 = arith.extui %sign3A_61 : i1 to i32
      %sign3A_63 = arith.subi %sign3A_59, %sign3A_62 : i32
      %sign3A_64 = arith.constant 0 : i32
      %sign3A_65 = arith.cmpi sgt, %jit3A_55, %sign3A_64 : i32
      %sign3A_66 = arith.extui %sign3A_65 : i1 to i32
      %sign3A_67 = arith.constant 0 : i32
      %sign3A_68 = arith.cmpi slt, %jit3A_55, %sign3A_67 : i32
      %sign3A_69 = arith.extui %sign3A_68 : i1 to i32
      %sign3A_70 = arith.subi %sign3A_66, %sign3A_69 : i32
      %ne3A_71 = arith.cmpi ne, %sign3A_63, %sign3A_70 : i32
      %rem3A_72 = arith.remsi %scan3A_49, %jit3A_55 : i32
      %ne3A_73 = arith.constant 0 : i32
      %ne3A_74 = arith.cmpi ne, %rem3A_72, %ne3A_73 : i32
      %and3A_75 = arith.andi %ne3A_71, %ne3A_74 : i1
      %sub3A_76 = arith.constant 1 : i32
      %sub3A_77 = arith.subi %div3A_56, %sub3A_76 : i32
      %select_n3A_78 = arith.select %and3A_75, %sub3A_77, %div3A_56 : i32
      %add3A_79 = arith.constant 1 : i32
      %add3A_80 = arith.addi %select_n3A_78, %add3A_79 : i32
      %add3A_81 = arith.constant 192 : i32
      %add3A_82 = vector.broadcast %add3A_81 : i32 to vector<16xi32>
      %add3A_83 = arith.addi %add3A_82, %iota3A : vector<16xi32>
      tpu.vector_store_idx %arg10[%add3A_83], %broadcast_in_dim3A_19 masked %lt3A_28 : memref<208xf32, #tpu.memory_space<vmem>>[vector<16xi32>], vector<16xf32>, vector<16xi1>
      %eq3A = arith.cmpi eq, %iota3A, %broadcast_in_dim3A_23 : vector<16xi32>
      %while3A = arith.constant 0 : i32
      %while3A_84 = arith.constant 0 : i32
      %while3A_85 = arith.subi %add3A_80, %while3A : i32
      %while3A_86 = arith.addi %while3A, %while3A_85 : i32
      %while3A_87 = arith.constant 1 : i32
      %while3A_88 = arith.divsi %while3A_85, %while3A_87 : i32
      %while3A_89 = arith.muli %while3A_88, %while3A_87 : i32
      %while3A_90 = arith.addi %while3A, %while3A_89 : i32
      %while3A_91 = arith.constant 1 : i32
      %while3A_92 = scf.for %while3A_187 = %while3A to %while3A_90 step %while3A_91 iter_args(%while3A_188 = %while3A_84) -> (i32)  : i32 {
        %mul3A_189 = arith.constant 16 : i32
        %mul3A_190 = arith.muli %while3A_187, %mul3A_189 : i32
        %get3A = arith.index_cast %mul3A_190 : i32 to index
        %get3A_191 = tpu.vector_load %arg7[%get3A] {strides = array<i32>} : memref<20032xf32, #tpu.memory_space<vmem>>, vector<16xf32>,
        %reduce_max3A = arith.constant true
        %reduce_max3A_192 = vector.broadcast %reduce_max3A : i1 to vector<16xi1>
        %reduce_max3A_193 = tpu.scan <max>, %get3A_191 masked %reduce_max3A_192 : vector<16xf32>, vector<16xi1> -> vector<16xf32>
        %reduce_max3A_194 = vector.extract %reduce_max3A_193[15] : f32 from vector<16xf32>
        %broadcast_in_dim3A_195 = vector.broadcast %while3A_187 : i32 to vector<16xi32>
        %broadcast_in_dim3A_196 = vector.broadcast %reduce_max3A_194 : f32 to vector<16xf32>
        tpu.vector_store_idx %arg9[%broadcast_in_dim3A_195], %broadcast_in_dim3A_196 masked %eq3A : memref<1284xf32, #tpu.memory_space<vmem>>[vector<16xi32>], vector<16xf32>, vector<16xi1>
        %while3A_197 = arith.constant 0 : i32
        scf.yield %while3A_197 : i32
      }
      %while3A_93 = arith.constant 1 : i32
      %while3A_94 = scf.for %while3A_187 = %while3A_90 to %while3A_86 step %while3A_93 iter_args(%while3A_188 = %while3A_92) -> (i32)  : i32 {
        %mul3A_189 = arith.constant 16 : i32
        %mul3A_190 = arith.muli %while3A_187, %mul3A_189 : i32
        %get3A = arith.index_cast %mul3A_190 : i32 to index
        %get3A_191 = tpu.vector_load %arg7[%get3A] {strides = array<i32>} : memref<20032xf32, #tpu.memory_space<vmem>>, vector<16xf32>,
        %reduce_max3A = arith.constant true
        %reduce_max3A_192 = vector.broadcast %reduce_max3A : i1 to vector<16xi1>
        %reduce_max3A_193 = tpu.scan <max>, %get3A_191 masked %reduce_max3A_192 : vector<16xf32>, vector<16xi1> -> vector<16xf32>
        %reduce_max3A_194 = vector.extract %reduce_max3A_193[15] : f32 from vector<16xf32>
        %broadcast_in_dim3A_195 = vector.broadcast %while3A_187 : i32 to vector<16xi32>
        %broadcast_in_dim3A_196 = vector.broadcast %reduce_max3A_194 : f32 to vector<16xf32>
        tpu.vector_store_idx %arg9[%broadcast_in_dim3A_195], %broadcast_in_dim3A_196 masked %eq3A : memref<1284xf32, #tpu.memory_space<vmem>>[vector<16xi32>], vector<16xf32>, vector<16xi1>
        %while3A_197 = arith.constant 0 : i32
        scf.yield %while3A_197 : i32
      }
      %add3A_95 = vector.broadcast %add3A_80 : i32 to vector<16xi32>
      %add3A_96 = arith.addi %add3A_95, %iota3A : vector<16xi32>
      tpu.vector_store_idx %arg9[%add3A_96], %broadcast_in_dim3A_19 masked %lt3A_28 : memref<1284xf32, #tpu.memory_space<vmem>>[vector<16xi32>], vector<16xf32>, vector<16xi1>
      %add3A_97 = arith.constant 16 : i32
      %add3A_98 = arith.addi %add3A_80, %add3A_97 : i32
      %sub3A_99 = arith.constant 1 : i32
      %sub3A_100 = arith.subi %add3A_98, %sub3A_99 : i32
      %jit3A_101 = arith.constant 16 : i32
      %div3A_102 = arith.divsi %sub3A_100, %jit3A_101 : i32
      %sign3A_103 = arith.constant 0 : i32
      %sign3A_104 = arith.cmpi sgt, %sub3A_100, %sign3A_103 : i32
      %sign3A_105 = arith.extui %sign3A_104 : i1 to i32
      %sign3A_106 = arith.constant 0 : i32
      %sign3A_107 = arith.cmpi slt, %sub3A_100, %sign3A_106 : i32
      %sign3A_108 = arith.extui %sign3A_107 : i1 to i32
      %sign3A_109 = arith.subi %sign3A_105, %sign3A_108 : i32
      %sign3A_110 = arith.constant 0 : i32
      %sign3A_111 = arith.cmpi sgt, %jit3A_101, %sign3A_110 : i32
      %sign3A_112 = arith.extui %sign3A_111 : i1 to i32
      %sign3A_113 = arith.constant 0 : i32
      %sign3A_114 = arith.cmpi slt, %jit3A_101, %sign3A_113 : i32
      %sign3A_115 = arith.extui %sign3A_114 : i1 to i32
      %sign3A_116 = arith.subi %sign3A_112, %sign3A_115 : i32
      %ne3A_117 = arith.cmpi ne, %sign3A_109, %sign3A_116 : i32
      %rem3A_118 = arith.remsi %sub3A_100, %jit3A_101 : i32
      %ne3A_119 = arith.constant 0 : i32
      %ne3A_120 = arith.cmpi ne, %rem3A_118, %ne3A_119 : i32
      %and3A_121 = arith.andi %ne3A_117, %ne3A_120 : i1
      %sub3A_122 = arith.constant 1 : i32
      %sub3A_123 = arith.subi %div3A_102, %sub3A_122 : i32
      %select_n3A_124 = arith.select %and3A_121, %sub3A_123, %div3A_102 : i32
      %broadcast_in_dim3A_125 = arith.constant 1073741824 : i32
      %broadcast_in_dim3A_126 = vector.broadcast %broadcast_in_dim3A_125 : i32 to vector<16xi32>
      %scan3A_127 = arith.constant 0 : i32
      %scan3A_128 = arith.constant 0 : i32
      %scan3A_129 = arith.constant 200 : i32
      %scan3A_130 = arith.addi %scan3A_128, %scan3A_129 : i32
      %scan3A_131 = arith.constant 1 : i32
      %scan3A_132 = scf.for %scan3A_187 = %scan3A_128 to %scan3A_130 step %scan3A_131 iter_args(%scan3A_188 = %scan3A_127) -> (i32)  : i32 {
        %while3A_189 = arith.constant 0 : i32
        %while3A_190 = arith.subi %select_n3A_124, %while3A_189 : i32
        %while3A_191 = arith.addi %while3A_189, %while3A_190 : i32
        %while3A_192 = arith.constant 1 : i32
        %while3A_193 = arith.divsi %while3A_190, %while3A_192 : i32
        %while3A_194 = arith.muli %while3A_193, %while3A_192 : i32
        %while3A_195 = arith.addi %while3A_189, %while3A_194 : i32
        %while3A_196 = arith.constant 1 : i32
        %while3A_197:2 = scf.for %while3A_280 = %while3A_189 to %while3A_195 step %while3A_196 iter_args(%while3A_281 = %broadcast_in_dim3A_19, %while3A_282 = %broadcast_in_dim3A_23) -> (vector<16xf32>, vector<16xi32>)  : i32 {
          %mul3A_283 = arith.constant 16 : i32
          %mul3A_284 = arith.muli %while3A_280, %mul3A_283 : i32
          %get3A_285 = arith.index_cast %mul3A_284 : i32 to index
          %get3A_286 = tpu.vector_load %arg9[%get3A_285] {strides = array<i32>} : memref<1284xf32, #tpu.memory_space<vmem>>, vector<16xf32>,
          %gt3A = arith.cmpf ogt, %get3A_286, %while3A_281 : vector<16xf32>
          %select_n3A_287 = arith.select %gt3A, %get3A_286, %while3A_281 : vector<16xi1>, vector<16xf32>
          %broadcast_in_dim3A_288 = vector.broadcast %while3A_280 : i32 to vector<16xi32>
          %select_n3A_289 = arith.select %gt3A, %broadcast_in_dim3A_288, %while3A_282 : vector<16xi1>, vector<16xi32>
          scf.yield %select_n3A_287, %select_n3A_289 : vector<16xf32>, vector<16xi32>
        }
        %while3A_198 = arith.constant 1 : i32
        %while3A_199:2 = scf.for %while3A_280 = %while3A_195 to %while3A_191 step %while3A_198 iter_args(%while3A_281 = %while3A_197#0, %while3A_282 = %while3A_197#1) -> (vector<16xf32>, vector<16xi32>)  : i32 {
          %mul3A_283 = arith.constant 16 : i32
          %mul3A_284 = arith.muli %while3A_280, %mul3A_283 : i32
          %get3A_285 = arith.index_cast %mul3A_284 : i32 to index
          %get3A_286 = tpu.vector_load %arg9[%get3A_285] {strides = array<i32>} : memref<1284xf32, #tpu.memory_space<vmem>>, vector<16xf32>,
          %gt3A = arith.cmpf ogt, %get3A_286, %while3A_281 : vector<16xf32>
          %select_n3A_287 = arith.select %gt3A, %get3A_286, %while3A_281 : vector<16xi1>, vector<16xf32>
          %broadcast_in_dim3A_288 = vector.broadcast %while3A_280 : i32 to vector<16xi32>
          %select_n3A_289 = arith.select %gt3A, %broadcast_in_dim3A_288, %while3A_282 : vector<16xi1>, vector<16xi32>
          scf.yield %select_n3A_287, %select_n3A_289 : vector<16xf32>, vector<16xi32>
        }
        %reduce_max3A = arith.constant true
        %reduce_max3A_200 = vector.broadcast %reduce_max3A : i1 to vector<16xi1>
        %reduce_max3A_201 = tpu.scan <max>, %while3A_199#0 masked %reduce_max3A_200 : vector<16xf32>, vector<16xi1> -> vector<16xf32>
        %reduce_max3A_202 = vector.extract %reduce_max3A_201[15] : f32 from vector<16xf32>
        %broadcast_in_dim3A_203 = vector.broadcast %reduce_max3A_202 : f32 to vector<16xf32>
        %eq3A_204 = arith.cmpf oeq, %while3A_199#0, %broadcast_in_dim3A_203 : vector<16xf32>
        %mul3A_205 = arith.constant 16 : i32
        %mul3A_206 = vector.broadcast %mul3A_205 : i32 to vector<16xi32>
        %mul3A_207 = arith.muli %while3A_199#1, %mul3A_206 : vector<16xi32>
        %add3A_208 = arith.addi %mul3A_207, %iota3A : vector<16xi32>
        %select_n3A_209 = arith.select %eq3A_204, %add3A_208, %broadcast_in_dim3A_126 : vector<16xi1>, vector<16xi32>
        %reduce_min3A = arith.constant true
        %reduce_min3A_210 = vector.broadcast %reduce_min3A : i1 to vector<16xi1>
        %reduce_min3A_211 = arith.constant -2147483648 : i32
        %reduce_min3A_212 = vector.broadcast %reduce_min3A_211 : i32 to vector<16xi32>
        %reduce_min3A_213 = arith.xori %select_n3A_209, %reduce_min3A_212 : vector<16xi32>
        %reduce_min3A_214 = tpu.scan <min>, %reduce_min3A_213 masked %reduce_min3A_210 : vector<16xi32>, vector<16xi1> -> vector<16xi32>
        %reduce_min3A_215 = arith.xori %reduce_min3A_214, %reduce_min3A_212 : vector<16xi32>
        %reduce_min3A_216 = vector.extract %reduce_min3A_215[15] : i32 from vector<16xi32>
        %mul3A_217 = arith.constant 16 : i32
        %mul3A_218 = arith.muli %reduce_min3A_216, %mul3A_217 : i32
        %get3A = arith.index_cast %mul3A_218 : i32 to index
        %get3A_219 = tpu.vector_load %arg7[%get3A] {strides = array<i32>} : memref<20032xf32, #tpu.memory_space<vmem>>, vector<16xf32>,
        %eq3A_220 = arith.cmpf oeq, %get3A_219, %broadcast_in_dim3A_203 : vector<16xf32>
        %select_n3A_221 = arith.select %eq3A_220, %iota3A, %broadcast_in_dim3A_126 : vector<16xi1>, vector<16xi32>
        %reduce_min3A_222 = arith.constant true
        %reduce_min3A_223 = vector.broadcast %reduce_min3A_222 : i1 to vector<16xi1>
        %reduce_min3A_224 = arith.constant -2147483648 : i32
        %reduce_min3A_225 = vector.broadcast %reduce_min3A_224 : i32 to vector<16xi32>
        %reduce_min3A_226 = arith.xori %select_n3A_221, %reduce_min3A_225 : vector<16xi32>
        %reduce_min3A_227 = tpu.scan <min>, %reduce_min3A_226 masked %reduce_min3A_223 : vector<16xi32>, vector<16xi1> -> vector<16xi32>
        %reduce_min3A_228 = arith.xori %reduce_min3A_227, %reduce_min3A_225 : vector<16xi32>
        %reduce_min3A_229 = vector.extract %reduce_min3A_228[15] : i32 from vector<16xi32>
        %mul3A_230 = arith.constant 16 : i32
        %mul3A_231 = arith.muli %reduce_min3A_216, %mul3A_230 : i32
        %add3A_232 = arith.addi %mul3A_231, %reduce_min3A_229 : i32
        %broadcast_in_dim3A_233 = vector.broadcast %add3A_232 : i32 to vector<16xi32>
        %gather3A = tpu.vector_load_idx %arg8[%broadcast_in_dim3A_233] : memref<20032xi32, #tpu.memory_space<vmem>>[vector<16xi32>], vector<16xi32>,
        %reduce_max3A_234 = arith.constant true
        %reduce_max3A_235 = vector.broadcast %reduce_max3A_234 : i1 to vector<16xi1>
        %reduce_max3A_236 = arith.constant -2147483648 : i32
        %reduce_max3A_237 = vector.broadcast %reduce_max3A_236 : i32 to vector<16xi32>
        %reduce_max3A_238 = arith.xori %gather3A, %reduce_max3A_237 : vector<16xi32>
        %reduce_max3A_239 = tpu.scan <max>, %reduce_max3A_238 masked %reduce_max3A_235 : vector<16xi32>, vector<16xi1> -> vector<16xi32>
        %reduce_max3A_240 = arith.xori %reduce_max3A_239, %reduce_max3A_237 : vector<16xi32>
        %reduce_max3A_241 = vector.extract %reduce_max3A_240[15] : i32 from vector<16xi32>
        %broadcast_in_dim3A_242 = vector.broadcast %add3A_232 : i32 to vector<16xi32>
        tpu.vector_store_idx %arg7[%broadcast_in_dim3A_242], %broadcast_in_dim3A_19 masked %eq3A : memref<20032xf32, #tpu.memory_space<vmem>>[vector<16xi32>], vector<16xf32>, vector<16xi1>
        %broadcast_in_dim3A_243 = vector.broadcast %reduce_min3A_229 : i32 to vector<16xi32>
        %eq3A_244 = arith.cmpi eq, %iota3A, %broadcast_in_dim3A_243 : vector<16xi32>
        %select_n3A_245 = arith.select %eq3A_244, %broadcast_in_dim3A_19, %get3A_219 : vector<16xi1>, vector<16xf32>
        %reduce_max3A_246 = arith.constant true
        %reduce_max3A_247 = vector.broadcast %reduce_max3A_246 : i1 to vector<16xi1>
        %reduce_max3A_248 = tpu.scan <max>, %select_n3A_245 masked %reduce_max3A_247 : vector<16xf32>, vector<16xi1> -> vector<16xf32>
        %reduce_max3A_249 = vector.extract %reduce_max3A_248[15] : f32 from vector<16xf32>
        %broadcast_in_dim3A_250 = vector.broadcast %reduce_min3A_216 : i32 to vector<16xi32>
        %broadcast_in_dim3A_251 = vector.broadcast %reduce_max3A_249 : f32 to vector<16xf32>
        tpu.vector_store_idx %arg9[%broadcast_in_dim3A_250], %broadcast_in_dim3A_251 masked %eq3A : memref<1284xf32, #tpu.memory_space<vmem>>[vector<16xi32>], vector<16xf32>, vector<16xi1>
        %broadcast_in_dim3A_252 = vector.broadcast %scan3A_187 : i32 to vector<16xi32>
        tpu.vector_store_idx %arg10[%broadcast_in_dim3A_252], %broadcast_in_dim3A_203 masked %eq3A : memref<208xf32, #tpu.memory_space<vmem>>[vector<16xi32>], vector<16xf32>, vector<16xi1>
        %dma_start3A = arith.constant 0 : i32
        %dma_start3A_253 = tpu.memref_slice %arg12[%scan3A_187, %dma_start3A] : memref<208x4xf32, #tpu.memory_space<vmem>> -> memref<1x4xf32, #tpu.memory_space<vmem>>
        %dma_start3A_254 = tpu.memref_squeeze %dma_start3A_253 : memref<1x4xf32, #tpu.memory_space<vmem>> -> memref<4xf32, #tpu.memory_space<vmem>>
        %dma_start3A_255 = arith.constant 0 : i32
        %dma_start3A_256 = tpu.memref_slice %arg4[%reduce_max3A_241, %dma_start3A_255] : memref<20000x4xf32, #tpu.memory_space<hbm>> -> memref<1x4xf32, #tpu.memory_space<hbm>>
        %dma_start3A_257 = tpu.memref_squeeze %dma_start3A_256 : memref<1x4xf32, #tpu.memory_space<hbm>> -> memref<4xf32, #tpu.memory_space<hbm>>
        %dma_start3A_258 = arith.constant 0 : i32
        %dma_start3A_259 = tpu.memref_slice %arg12[%scan3A_187, %dma_start3A_258] : memref<208x4xf32, #tpu.memory_space<vmem>> -> memref<1x4xf32, #tpu.memory_space<vmem>>
        %dma_start3A_260 = tpu.memref_squeeze %dma_start3A_259 : memref<1x4xf32, #tpu.memory_space<vmem>> -> memref<4xf32, #tpu.memory_space<vmem>>
        %dma_start3A_261 = arith.constant 0 : i32
        %dma_start3A_262 = tpu.memref_slice %arg4[%reduce_max3A_241, %dma_start3A_261] : memref<20000x4xf32, #tpu.memory_space<hbm>> -> memref<1x4xf32, #tpu.memory_space<hbm>>
        %dma_start3A_263 = tpu.memref_squeeze %dma_start3A_262 : memref<1x4xf32, #tpu.memory_space<hbm>> -> memref<4xf32, #tpu.memory_space<hbm>>
        tpu.enqueue_dma source(%dma_start3A_263 : memref<4xf32, #tpu.memory_space<hbm>>) target(%dma_start3A_260 : memref<4xf32, #tpu.memory_space<vmem>>) target_semaphore(%arg20 : memref<!tpu.dma_semaphore, #tpu.memory_space<semaphore_mem>>)
        %mul3A_264 = arith.constant 20000 : i32
        %mul3A_265 = arith.muli %select_n3A, %mul3A_264 : i32
        %add3A_266 = arith.addi %reduce_max3A_241, %mul3A_265 : i32
        %dma_start3A_267 = arith.constant 0 : i32
        %dma_start3A_268 = tpu.memref_slice %arg11[%scan3A_187, %dma_start3A_267] : memref<208x4xf32, #tpu.memory_space<vmem>> -> memref<1x4xf32, #tpu.memory_space<vmem>>
        %dma_start3A_269 = tpu.memref_squeeze %dma_start3A_268 : memref<1x4xf32, #tpu.memory_space<vmem>> -> memref<4xf32, #tpu.memory_space<vmem>>
        %dma_start3A_270 = arith.constant 0 : i32
        %dma_start3A_271 = tpu.memref_slice %arg3[%add3A_266, %dma_start3A_270] : memref<80000x4xf32, #tpu.memory_space<hbm>> -> memref<1x4xf32, #tpu.memory_space<hbm>>
        %dma_start3A_272 = tpu.memref_squeeze %dma_start3A_271 : memref<1x4xf32, #tpu.memory_space<hbm>> -> memref<4xf32, #tpu.memory_space<hbm>>
        %dma_start3A_273 = arith.constant 0 : i32
        %dma_start3A_274 = tpu.memref_slice %arg11[%scan3A_187, %dma_start3A_273] : memref<208x4xf32, #tpu.memory_space<vmem>> -> memref<1x4xf32, #tpu.memory_space<vmem>>
        %dma_start3A_275 = tpu.memref_squeeze %dma_start3A_274 : memref<1x4xf32, #tpu.memory_space<vmem>> -> memref<4xf32, #tpu.memory_space<vmem>>
        %dma_start3A_276 = arith.constant 0 : i32
        %dma_start3A_277 = tpu.memref_slice %arg3[%add3A_266, %dma_start3A_276] : memref<80000x4xf32, #tpu.memory_space<hbm>> -> memref<1x4xf32, #tpu.memory_space<hbm>>
        %dma_start3A_278 = tpu.memref_squeeze %dma_start3A_277 : memref<1x4xf32, #tpu.memory_space<hbm>> -> memref<4xf32, #tpu.memory_space<hbm>>
        tpu.enqueue_dma source(%dma_start3A_278 : memref<4xf32, #tpu.memory_space<hbm>>) target(%dma_start3A_275 : memref<4xf32, #tpu.memory_space<vmem>>) target_semaphore(%arg20 : memref<!tpu.dma_semaphore, #tpu.memory_space<semaphore_mem>>)
        %scan3A_279 = arith.constant 0 : i32
        scf.yield %scan3A_279 : i32
      }
      %scan3A_133 = arith.constant 200 : i32
      %dma_wait3A = arith.constant 0 : i32
      %dma_wait3A_134 = arith.constant 0 : i32
      %dma_wait3A_135 = tpu.memref_slice %arg12[%dma_wait3A, %dma_wait3A_134] : memref<208x4xf32, #tpu.memory_space<vmem>> -> memref<200x4xf32, #tpu.memory_space<vmem>>
      %dma_wait3A_136 = arith.constant 0 : i32
      %dma_wait3A_137 = arith.constant 0 : i32
      %dma_wait3A_138 = tpu.memref_slice %arg4[%dma_wait3A_136, %dma_wait3A_137] : memref<20000x4xf32, #tpu.memory_space<hbm>> -> memref<200x4xf32, #tpu.memory_space<hbm>>
      %dma_wait3A_139 = arith.constant 0 : i32
      %dma_wait3A_140 = arith.constant 0 : i32
      %dma_wait3A_141 = tpu.memref_slice %arg12[%dma_wait3A_139, %dma_wait3A_140] : memref<208x4xf32, #tpu.memory_space<vmem>> -> memref<200x4xf32, #tpu.memory_space<vmem>>
      %dma_wait3A_142 = arith.constant 0 : i32
      %dma_wait3A_143 = arith.constant 0 : i32
      %dma_wait3A_144 = tpu.memref_slice %arg4[%dma_wait3A_142, %dma_wait3A_143] : memref<20000x4xf32, #tpu.memory_space<hbm>> -> memref<200x4xf32, #tpu.memory_space<hbm>>
      tpu.wait_dma2 semaphore(%arg20 : memref<!tpu.dma_semaphore, #tpu.memory_space<semaphore_mem>>) src(%dma_wait3A_144 : memref<200x4xf32, #tpu.memory_space<hbm>>) dst(%dma_wait3A_141 : memref<200x4xf32, #tpu.memory_space<vmem>>)
      %dma_wait3A_145 = arith.constant 0 : i32
      %dma_wait3A_146 = arith.constant 0 : i32
      %dma_wait3A_147 = tpu.memref_slice %arg11[%dma_wait3A_145, %dma_wait3A_146] : memref<208x4xf32, #tpu.memory_space<vmem>> -> memref<200x4xf32, #tpu.memory_space<vmem>>
      %dma_wait3A_148 = arith.constant 0 : i32
      %dma_wait3A_149 = arith.constant 0 : i32
      %dma_wait3A_150 = tpu.memref_slice %arg3[%dma_wait3A_148, %dma_wait3A_149] : memref<80000x4xf32, #tpu.memory_space<hbm>> -> memref<200x4xf32, #tpu.memory_space<hbm>>
      %dma_wait3A_151 = arith.constant 0 : i32
      %dma_wait3A_152 = arith.constant 0 : i32
      %dma_wait3A_153 = tpu.memref_slice %arg11[%dma_wait3A_151, %dma_wait3A_152] : memref<208x4xf32, #tpu.memory_space<vmem>> -> memref<200x4xf32, #tpu.memory_space<vmem>>
      %dma_wait3A_154 = arith.constant 0 : i32
      %dma_wait3A_155 = arith.constant 0 : i32
      %dma_wait3A_156 = tpu.memref_slice %arg3[%dma_wait3A_154, %dma_wait3A_155] : memref<80000x4xf32, #tpu.memory_space<hbm>> -> memref<200x4xf32, #tpu.memory_space<hbm>>
      tpu.wait_dma2 semaphore(%arg20 : memref<!tpu.dma_semaphore, #tpu.memory_space<semaphore_mem>>) src(%dma_wait3A_156 : memref<200x4xf32, #tpu.memory_space<hbm>>) dst(%dma_wait3A_153 : memref<200x4xf32, #tpu.memory_space<vmem>>)
      %scan3A_157 = arith.constant 0 : i32
      %scan3A_158 = arith.constant 0 : i32
      %scan3A_159 = arith.constant 13 : i32
      %scan3A_160 = arith.addi %scan3A_158, %scan3A_159 : i32
      %scan3A_161 = arith.constant 1 : i32
      %scan3A_162 = scf.for %scan3A_187 = %scan3A_158 to %scan3A_160 step %scan3A_161 iter_args(%scan3A_188 = %scan3A_157) -> (i32)  : i32 {
        %mul3A_189 = arith.constant 16 : i32
        %mul3A_190 = arith.muli %scan3A_187, %mul3A_189 : i32
        %add3A_191 = vector.broadcast %mul3A_190 : i32 to vector<16xi32>
        %add3A_192 = arith.addi %add3A_191, %iota3A : vector<16xi32>
        %gather3A = tpu.vector_load_idx %arg12[%add3A_192, %broadcast_in_dim3A_23] : memref<208x4xf32, #tpu.memory_space<vmem>>[vector<16xi32>, vector<16xi32>], vector<16xf32>,
        %add3A_193 = arith.constant 1 : i32
        %add3A_194 = vector.broadcast %add3A_193 : i32 to vector<16xi32>
        %add3A_195 = arith.addi %broadcast_in_dim3A_23, %add3A_194 : vector<16xi32>
        %gather3A_196 = tpu.vector_load_idx %arg12[%add3A_192, %add3A_195] : memref<208x4xf32, #tpu.memory_space<vmem>>[vector<16xi32>, vector<16xi32>], vector<16xf32>,
        %add3A_197 = arith.constant 2 : i32
        %add3A_198 = vector.broadcast %add3A_197 : i32 to vector<16xi32>
        %add3A_199 = arith.addi %broadcast_in_dim3A_23, %add3A_198 : vector<16xi32>
        %gather3A_200 = tpu.vector_load_idx %arg12[%add3A_192, %add3A_199] : memref<208x4xf32, #tpu.memory_space<vmem>>[vector<16xi32>, vector<16xi32>], vector<16xf32>,
        %add3A_201 = arith.constant 3 : i32
        %add3A_202 = vector.broadcast %add3A_201 : i32 to vector<16xi32>
        %add3A_203 = arith.addi %broadcast_in_dim3A_23, %add3A_202 : vector<16xi32>
        %gather3A_204 = tpu.vector_load_idx %arg12[%add3A_192, %add3A_203] : memref<208x4xf32, #tpu.memory_space<vmem>>[vector<16xi32>, vector<16xi32>], vector<16xf32>,
        %gather3A_205 = tpu.vector_load_idx %arg11[%add3A_192, %broadcast_in_dim3A_23] : memref<208x4xf32, #tpu.memory_space<vmem>>[vector<16xi32>, vector<16xi32>], vector<16xf32>,
        %add3A_206 = arith.constant 1 : i32
        %add3A_207 = vector.broadcast %add3A_206 : i32 to vector<16xi32>
        %add3A_208 = arith.addi %broadcast_in_dim3A_23, %add3A_207 : vector<16xi32>
        %gather3A_209 = tpu.vector_load_idx %arg11[%add3A_192, %add3A_208] : memref<208x4xf32, #tpu.memory_space<vmem>>[vector<16xi32>, vector<16xi32>], vector<16xf32>,
        %add3A_210 = arith.constant 2 : i32
        %add3A_211 = vector.broadcast %add3A_210 : i32 to vector<16xi32>
        %add3A_212 = arith.addi %broadcast_in_dim3A_23, %add3A_211 : vector<16xi32>
        %gather3A_213 = tpu.vector_load_idx %arg11[%add3A_192, %add3A_212] : memref<208x4xf32, #tpu.memory_space<vmem>>[vector<16xi32>, vector<16xi32>], vector<16xf32>,
        %add3A_214 = arith.constant 3 : i32
        %add3A_215 = vector.broadcast %add3A_214 : i32 to vector<16xi32>
        %add3A_216 = arith.addi %broadcast_in_dim3A_23, %add3A_215 : vector<16xi32>
        %gather3A_217 = tpu.vector_load_idx %arg11[%add3A_192, %add3A_216] : memref<208x4xf32, #tpu.memory_space<vmem>>[vector<16xi32>, vector<16xi32>], vector<16xf32>,
        %mul3A_218 = arith.constant 1.000000e-01 : f32
        %mul3A_219 = vector.broadcast %mul3A_218 : f32 to vector<16xf32>
        %mul3A_220 = arith.mulf %gather3A_205, %mul3A_219 : vector<16xf32>
        %mul3A_221 = arith.mulf %mul3A_220, %gather3A_200 : vector<16xf32>
        %add3A_222 = arith.addf %gather3A, %mul3A_221 : vector<16xf32>
        %mul3A_223 = arith.constant 1.000000e-01 : f32
        %mul3A_224 = vector.broadcast %mul3A_223 : f32 to vector<16xf32>
        %mul3A_225 = arith.mulf %gather3A_209, %mul3A_224 : vector<16xf32>
        %mul3A_226 = arith.mulf %mul3A_225, %gather3A_204 : vector<16xf32>
        %add3A_227 = arith.addf %gather3A_196, %mul3A_226 : vector<16xf32>
        %mul3A_228 = arith.constant 2.000000e-01 : f32
        %mul3A_229 = vector.broadcast %mul3A_228 : f32 to vector<16xf32>
        %mul3A_230 = arith.mulf %gather3A_213, %mul3A_229 : vector<16xf32>
        %exp3A = math.exp %mul3A_230 : vector<16xf32>
        %mul3A_231 = arith.mulf %gather3A_200, %exp3A : vector<16xf32>
        %mul3A_232 = arith.constant 2.000000e-01 : f32
        %mul3A_233 = vector.broadcast %mul3A_232 : f32 to vector<16xf32>
        %mul3A_234 = arith.mulf %gather3A_217, %mul3A_233 : vector<16xf32>
        %exp3A_235 = math.exp %mul3A_234 : vector<16xf32>
        %mul3A_236 = arith.mulf %gather3A_204, %exp3A_235 : vector<16xf32>
        %div3A_237 = arith.constant 2.000000e+00 : f32
        %div3A_238 = vector.broadcast %div3A_237 : f32 to vector<16xf32>
        %div3A_239 = arith.divf %mul3A_231, %div3A_238 : vector<16xf32>
        %sub3A_240 = arith.subf %add3A_222, %div3A_239 : vector<16xf32>
        %div3A_241 = arith.constant 2.000000e+00 : f32
        %div3A_242 = vector.broadcast %div3A_241 : f32 to vector<16xf32>
        %div3A_243 = arith.divf %mul3A_236, %div3A_242 : vector<16xf32>
        %sub3A_244 = arith.subf %add3A_227, %div3A_243 : vector<16xf32>
        %div3A_245 = arith.constant 2.000000e+00 : f32
        %div3A_246 = vector.broadcast %div3A_245 : f32 to vector<16xf32>
        %div3A_247 = arith.divf %mul3A_231, %div3A_246 : vector<16xf32>
        %add3A_248 = arith.addf %add3A_222, %div3A_247 : vector<16xf32>
        %div3A_249 = arith.constant 2.000000e+00 : f32
        %div3A_250 = vector.broadcast %div3A_249 : f32 to vector<16xf32>
        %div3A_251 = arith.divf %mul3A_236, %div3A_250 : vector<16xf32>
        %add3A_252 = arith.addf %add3A_227, %div3A_251 : vector<16xf32>
        %swap3A = arith.index_cast %mul3A_190 : i32 to index
        %swap3A_253 = tpu.vector_load %arg13[%swap3A] {strides = array<i32>} : memref<208xf32, #tpu.memory_space<vmem>>, vector<16xf32>,
        tpu.vector_store %arg13[%swap3A], %sub3A_240 {strides = array<i32>} : memref<208xf32, #tpu.memory_space<vmem>>, vector<16xf32>,
        %swap3A_254 = arith.index_cast %mul3A_190 : i32 to index
        %swap3A_255 = tpu.vector_load %arg14[%swap3A_254] {strides = array<i32>} : memref<208xf32, #tpu.memory_space<vmem>>, vector<16xf32>,
        tpu.vector_store %arg14[%swap3A_254], %sub3A_244 {strides = array<i32>} : memref<208xf32, #tpu.memory_space<vmem>>, vector<16xf32>,
        %swap3A_256 = arith.index_cast %mul3A_190 : i32 to index
        %swap3A_257 = tpu.vector_load %arg15[%swap3A_256] {strides = array<i32>} : memref<208xf32, #tpu.memory_space<vmem>>, vector<16xf32>,
        tpu.vector_store %arg15[%swap3A_256], %add3A_248 {strides = array<i32>} : memref<208xf32, #tpu.memory_space<vmem>>, vector<16xf32>,
        %swap3A_258 = arith.index_cast %mul3A_190 : i32 to index
        %swap3A_259 = tpu.vector_load %arg16[%swap3A_258] {strides = array<i32>} : memref<208xf32, #tpu.memory_space<vmem>>, vector<16xf32>,
        tpu.vector_store %arg16[%swap3A_258], %add3A_252 {strides = array<i32>} : memref<208xf32, #tpu.memory_space<vmem>>, vector<16xf32>,
        %sub3A_260 = arith.subf %add3A_248, %sub3A_240 : vector<16xf32>
        %sub3A_261 = arith.subf %add3A_252, %sub3A_244 : vector<16xf32>
        %mul3A_262 = arith.mulf %sub3A_260, %sub3A_261 : vector<16xf32>
        %swap3A_263 = arith.index_cast %mul3A_190 : i32 to index
        %swap3A_264 = tpu.vector_load %arg17[%swap3A_263] {strides = array<i32>} : memref<208xf32, #tpu.memory_space<vmem>>, vector<16xf32>,
        tpu.vector_store %arg17[%swap3A_263], %mul3A_262 {strides = array<i32>} : memref<208xf32, #tpu.memory_space<vmem>>, vector<16xf32>,
        %get3A = arith.index_cast %mul3A_190 : i32 to index
        %get3A_265 = tpu.vector_load %arg10[%get3A] {strides = array<i32>} : memref<208xf32, #tpu.memory_space<vmem>>, vector<16xf32>,
        %gt3A = arith.cmpf ogt, %get3A_265, %broadcast_in_dim3A_25 : vector<16xf32>
        %select_n3A_266 = arith.select %gt3A, %broadcast_in_dim3A_21, %broadcast_in_dim3A_23 : vector<16xi1>, vector<16xi32>
        %swap3A_267 = arith.index_cast %mul3A_190 : i32 to index
        %swap3A_268 = tpu.vector_load %arg18[%swap3A_267] {strides = array<i32>} : memref<208xi32, #tpu.memory_space<vmem>>, vector<16xi32>,
        tpu.vector_store %arg18[%swap3A_267], %select_n3A_266 {strides = array<i32>} : memref<208xi32, #tpu.memory_space<vmem>>, vector<16xi32>,
        %scan3A_269 = arith.constant 0 : i32
        scf.yield %scan3A_269 : i32
      }
      %scan3A_163 = arith.constant 13 : i32
      %broadcast_in_dim3A_164 = arith.constant 4.500000e-01 : f32
      %broadcast_in_dim3A_165 = vector.broadcast %broadcast_in_dim3A_164 : f32 to vector<16xf32>
      %scan3A_166 = arith.constant 0 : i32
      %scan3A_167 = arith.constant 0 : i32
      %scan3A_168 = arith.constant 200 : i32
      %scan3A_169 = arith.addi %scan3A_167, %scan3A_168 : i32
      %scan3A_170 = arith.constant 1 : i32
      %scan3A_171 = scf.for %scan3A_187 = %scan3A_167 to %scan3A_169 step %scan3A_170 iter_args(%scan3A_188 = %scan3A_166) -> (i32)  : i32 {
        %jit3A_189 = arith.constant 16 : i32
        %div3A_190 = arith.divsi %scan3A_187, %jit3A_189 : i32
        %sign3A_191 = arith.constant 0 : i32
        %sign3A_192 = arith.cmpi sgt, %scan3A_187, %sign3A_191 : i32
        %sign3A_193 = arith.extui %sign3A_192 : i1 to i32
        %sign3A_194 = arith.constant 0 : i32
        %sign3A_195 = arith.cmpi slt, %scan3A_187, %sign3A_194 : i32
        %sign3A_196 = arith.extui %sign3A_195 : i1 to i32
        %sign3A_197 = arith.subi %sign3A_193, %sign3A_196 : i32
        %sign3A_198 = arith.constant 0 : i32
        %sign3A_199 = arith.cmpi sgt, %jit3A_189, %sign3A_198 : i32
        %sign3A_200 = arith.extui %sign3A_199 : i1 to i32
        %sign3A_201 = arith.constant 0 : i32
        %sign3A_202 = arith.cmpi slt, %jit3A_189, %sign3A_201 : i32
        %sign3A_203 = arith.extui %sign3A_202 : i1 to i32
        %sign3A_204 = arith.subi %sign3A_200, %sign3A_203 : i32
        %ne3A_205 = arith.cmpi ne, %sign3A_197, %sign3A_204 : i32
        %rem3A_206 = arith.remsi %scan3A_187, %jit3A_189 : i32
        %ne3A_207 = arith.constant 0 : i32
        %ne3A_208 = arith.cmpi ne, %rem3A_206, %ne3A_207 : i32
        %and3A_209 = arith.andi %ne3A_205, %ne3A_208 : i1
        %sub3A_210 = arith.constant 1 : i32
        %sub3A_211 = arith.subi %div3A_190, %sub3A_210 : i32
        %select_n3A_212 = arith.select %and3A_209, %sub3A_211, %div3A_190 : i32
        %mul3A_213 = arith.constant 16 : i32
        %mul3A_214 = arith.muli %select_n3A_212, %mul3A_213 : i32
        %sub3A_215 = arith.subi %scan3A_187, %mul3A_214 : i32
        %broadcast_in_dim3A_216 = vector.broadcast %sub3A_215 : i32 to vector<16xi32>
        %eq3A_217 = arith.cmpi eq, %iota3A, %broadcast_in_dim3A_216 : vector<16xi32>
        %get3A = arith.index_cast %mul3A_214 : i32 to index
        %get3A_218 = tpu.vector_load %arg18[%get3A] {strides = array<i32>} : memref<208xi32, #tpu.memory_space<vmem>>, vector<16xi32>,
        %select_n3A_219 = arith.select %eq3A_217, %get3A_218, %broadcast_in_dim3A_23 : vector<16xi1>, vector<16xi32>
        %reduce_max3A = arith.constant true
        %reduce_max3A_220 = vector.broadcast %reduce_max3A : i1 to vector<16xi1>
        %reduce_max3A_221 = arith.constant -2147483648 : i32
        %reduce_max3A_222 = vector.broadcast %reduce_max3A_221 : i32 to vector<16xi32>
        %reduce_max3A_223 = arith.xori %select_n3A_219, %reduce_max3A_222 : vector<16xi32>
        %reduce_max3A_224 = tpu.scan <max>, %reduce_max3A_223 masked %reduce_max3A_220 : vector<16xi32>, vector<16xi1> -> vector<16xi32>
        %reduce_max3A_225 = arith.xori %reduce_max3A_224, %reduce_max3A_222 : vector<16xi32>
        %reduce_max3A_226 = vector.extract %reduce_max3A_225[15] : i32 from vector<16xi32>
        %gt3A = arith.constant 0 : i32
        %gt3A_227 = arith.cmpi sgt, %reduce_max3A_226, %gt3A : i32
        %convert_element_type3A_228 = arith.extui %gt3A_227 : i1 to i32
        %cond3A_229 = arith.constant 0 : i32
        %cond3A_230 = arith.cmpi ne, %convert_element_type3A_228, %cond3A_229 : i32
        scf.if %cond3A_230 {
          %broadcast_in_dim3A_232 = vector.broadcast %scan3A_187 : i32 to vector<16xi32>
          %gather3A = tpu.vector_load_idx %arg13[%broadcast_in_dim3A_232] : memref<208xf32, #tpu.memory_space<vmem>>[vector<16xi32>], vector<16xf32>,
          %gather3A_233 = tpu.vector_load_idx %arg14[%broadcast_in_dim3A_232] : memref<208xf32, #tpu.memory_space<vmem>>[vector<16xi32>], vector<16xf32>,
          %gather3A_234 = tpu.vector_load_idx %arg15[%broadcast_in_dim3A_232] : memref<208xf32, #tpu.memory_space<vmem>>[vector<16xi32>], vector<16xf32>,
          %gather3A_235 = tpu.vector_load_idx %arg16[%broadcast_in_dim3A_232] : memref<208xf32, #tpu.memory_space<vmem>>[vector<16xi32>], vector<16xf32>,
          %sub3A_236 = arith.subf %gather3A_234, %gather3A : vector<16xf32>
          %sub3A_237 = arith.subf %gather3A_235, %gather3A_233 : vector<16xf32>
          %mul3A_238 = arith.mulf %sub3A_236, %sub3A_237 : vector<16xf32>
          %jit3A_239 = arith.constant 16 : i32
          %div3A_240 = arith.divsi %scan3A_187, %jit3A_239 : i32
          %sign3A_241 = arith.constant 0 : i32
          %sign3A_242 = arith.cmpi sgt, %scan3A_187, %sign3A_241 : i32
          %sign3A_243 = arith.extui %sign3A_242 : i1 to i32
          %sign3A_244 = arith.constant 0 : i32
          %sign3A_245 = arith.cmpi slt, %scan3A_187, %sign3A_244 : i32
          %sign3A_246 = arith.extui %sign3A_245 : i1 to i32
          %sign3A_247 = arith.subi %sign3A_243, %sign3A_246 : i32
          %sign3A_248 = arith.constant 0 : i32
          %sign3A_249 = arith.cmpi sgt, %jit3A_239, %sign3A_248 : i32
          %sign3A_250 = arith.extui %sign3A_249 : i1 to i32
          %sign3A_251 = arith.constant 0 : i32
          %sign3A_252 = arith.cmpi slt, %jit3A_239, %sign3A_251 : i32
          %sign3A_253 = arith.extui %sign3A_252 : i1 to i32
          %sign3A_254 = arith.subi %sign3A_250, %sign3A_253 : i32
          %ne3A_255 = arith.cmpi ne, %sign3A_247, %sign3A_254 : i32
          %rem3A_256 = arith.remsi %scan3A_187, %jit3A_239 : i32
          %ne3A_257 = arith.constant 0 : i32
          %ne3A_258 = arith.cmpi ne, %rem3A_256, %ne3A_257 : i32
          %and3A_259 = arith.andi %ne3A_255, %ne3A_258 : i1
          %sub3A_260 = arith.constant 1 : i32
          %sub3A_261 = arith.subi %div3A_240, %sub3A_260 : i32
          %select_n3A_262 = arith.select %and3A_259, %sub3A_261, %div3A_240 : i32
          %while3A_263 = arith.constant 13 : i32
          %while3A_264 = arith.constant 0 : i32
          %while3A_265 = arith.subi %while3A_263, %select_n3A_262 : i32
          %while3A_266 = arith.addi %select_n3A_262, %while3A_265 : i32
          %while3A_267 = arith.constant 1 : i32
          %while3A_268 = arith.divsi %while3A_265, %while3A_267 : i32
          %while3A_269 = arith.muli %while3A_268, %while3A_267 : i32
          %while3A_270 = arith.addi %select_n3A_262, %while3A_269 : i32
          %while3A_271 = arith.constant 1 : i32
          %while3A_272 = scf.for %while3A_275 = %select_n3A_262 to %while3A_270 step %while3A_271 iter_args(%while3A_276 = %while3A_264) -> (i32)  : i32 {
            %mul3A_277 = arith.constant 16 : i32
            %mul3A_278 = arith.muli %while3A_275, %mul3A_277 : i32
            %get3A_279 = arith.index_cast %mul3A_278 : i32 to index
            %get3A_280 = tpu.vector_load %arg13[%get3A_279] {strides = array<i32>} : memref<208xf32, #tpu.memory_space<vmem>>, vector<16xf32>,
            %max3A = arith.maximumf %gather3A, %get3A_280 : vector<16xf32>
            %get3A_281 = arith.index_cast %mul3A_278 : i32 to index
            %get3A_282 = tpu.vector_load %arg14[%get3A_281] {strides = array<i32>} : memref<208xf32, #tpu.memory_space<vmem>>, vector<16xf32>,
            %max3A_283 = arith.maximumf %gather3A_233, %get3A_282 : vector<16xf32>
            %get3A_284 = arith.index_cast %mul3A_278 : i32 to index
            %get3A_285 = tpu.vector_load %arg15[%get3A_284] {strides = array<i32>} : memref<208xf32, #tpu.memory_space<vmem>>, vector<16xf32>,
            %min3A = arith.minimumf %gather3A_234, %get3A_285 : vector<16xf32>
            %get3A_286 = arith.index_cast %mul3A_278 : i32 to index
            %get3A_287 = tpu.vector_load %arg16[%get3A_286] {strides = array<i32>} : memref<208xf32, #tpu.memory_space<vmem>>, vector<16xf32>,
            %min3A_288 = arith.minimumf %gather3A_235, %get3A_287 : vector<16xf32>
            %sub3A_289 = arith.subf %min3A, %max3A : vector<16xf32>
            %max3A_290 = arith.constant 0.000000e+00 : f32
            %max3A_291 = vector.broadcast %max3A_290 : f32 to vector<16xf32>
            %max3A_292 = arith.maximumf %sub3A_289, %max3A_291 : vector<16xf32>
            %sub3A_293 = arith.subf %min3A_288, %max3A_283 : vector<16xf32>
            %max3A_294 = arith.constant 0.000000e+00 : f32
            %max3A_295 = vector.broadcast %max3A_294 : f32 to vector<16xf32>
            %max3A_296 = arith.maximumf %sub3A_293, %max3A_295 : vector<16xf32>
            %mul3A_297 = arith.mulf %max3A_292, %max3A_296 : vector<16xf32>
            %get3A_298 = arith.index_cast %mul3A_278 : i32 to index
            %get3A_299 = tpu.vector_load %arg17[%get3A_298] {strides = array<i32>} : memref<208xf32, #tpu.memory_space<vmem>>, vector<16xf32>,
            %add3A_300 = arith.addf %mul3A_238, %get3A_299 : vector<16xf32>
            %sub3A_301 = arith.subf %add3A_300, %mul3A_297 : vector<16xf32>
            %div3A_302 = arith.divf %mul3A_297, %sub3A_301 : vector<16xf32>
            %gt3A_303 = arith.cmpf ogt, %div3A_302, %broadcast_in_dim3A_165 : vector<16xf32>
            %add3A_304 = vector.broadcast %mul3A_278 : i32 to vector<16xi32>
            %add3A_305 = arith.addi %add3A_304, %iota3A : vector<16xi32>
            %gt3A_306 = vector.broadcast %scan3A_187 : i32 to vector<16xi32>
            %gt3A_307 = arith.cmpi sgt, %add3A_305, %gt3A_306 : vector<16xi32>
            %and3A_308 = arith.andi %gt3A_303, %gt3A_307 : vector<16xi1>
            %get3A_309 = arith.index_cast %mul3A_278 : i32 to index
            %get3A_310 = tpu.vector_load %arg18[%get3A_309] {strides = array<i32>} : memref<208xi32, #tpu.memory_space<vmem>>, vector<16xi32>,
            %select_n3A_311 = arith.select %and3A_308, %broadcast_in_dim3A_23, %get3A_310 : vector<16xi1>, vector<16xi32>
            %swap3A = arith.index_cast %mul3A_278 : i32 to index
            %swap3A_312 = tpu.vector_load %arg18[%swap3A] {strides = array<i32>} : memref<208xi32, #tpu.memory_space<vmem>>, vector<16xi32>,
            tpu.vector_store %arg18[%swap3A], %select_n3A_311 {strides = array<i32>} : memref<208xi32, #tpu.memory_space<vmem>>, vector<16xi32>,
            %while3A_313 = arith.constant 0 : i32
            scf.yield %while3A_313 : i32
          }
          %while3A_273 = arith.constant 1 : i32
          %while3A_274 = scf.for %while3A_275 = %while3A_270 to %while3A_266 step %while3A_273 iter_args(%while3A_276 = %while3A_272) -> (i32)  : i32 {
            %mul3A_277 = arith.constant 16 : i32
            %mul3A_278 = arith.muli %while3A_275, %mul3A_277 : i32
            %get3A_279 = arith.index_cast %mul3A_278 : i32 to index
            %get3A_280 = tpu.vector_load %arg13[%get3A_279] {strides = array<i32>} : memref<208xf32, #tpu.memory_space<vmem>>, vector<16xf32>,
            %max3A = arith.maximumf %gather3A, %get3A_280 : vector<16xf32>
            %get3A_281 = arith.index_cast %mul3A_278 : i32 to index
            %get3A_282 = tpu.vector_load %arg14[%get3A_281] {strides = array<i32>} : memref<208xf32, #tpu.memory_space<vmem>>, vector<16xf32>,
            %max3A_283 = arith.maximumf %gather3A_233, %get3A_282 : vector<16xf32>
            %get3A_284 = arith.index_cast %mul3A_278 : i32 to index
            %get3A_285 = tpu.vector_load %arg15[%get3A_284] {strides = array<i32>} : memref<208xf32, #tpu.memory_space<vmem>>, vector<16xf32>,
            %min3A = arith.minimumf %gather3A_234, %get3A_285 : vector<16xf32>
            %get3A_286 = arith.index_cast %mul3A_278 : i32 to index
            %get3A_287 = tpu.vector_load %arg16[%get3A_286] {strides = array<i32>} : memref<208xf32, #tpu.memory_space<vmem>>, vector<16xf32>,
            %min3A_288 = arith.minimumf %gather3A_235, %get3A_287 : vector<16xf32>
            %sub3A_289 = arith.subf %min3A, %max3A : vector<16xf32>
            %max3A_290 = arith.constant 0.000000e+00 : f32
            %max3A_291 = vector.broadcast %max3A_290 : f32 to vector<16xf32>
            %max3A_292 = arith.maximumf %sub3A_289, %max3A_291 : vector<16xf32>
            %sub3A_293 = arith.subf %min3A_288, %max3A_283 : vector<16xf32>
            %max3A_294 = arith.constant 0.000000e+00 : f32
            %max3A_295 = vector.broadcast %max3A_294 : f32 to vector<16xf32>
            %max3A_296 = arith.maximumf %sub3A_293, %max3A_295 : vector<16xf32>
            %mul3A_297 = arith.mulf %max3A_292, %max3A_296 : vector<16xf32>
            %get3A_298 = arith.index_cast %mul3A_278 : i32 to index
            %get3A_299 = tpu.vector_load %arg17[%get3A_298] {strides = array<i32>} : memref<208xf32, #tpu.memory_space<vmem>>, vector<16xf32>,
            %add3A_300 = arith.addf %mul3A_238, %get3A_299 : vector<16xf32>
            %sub3A_301 = arith.subf %add3A_300, %mul3A_297 : vector<16xf32>
            %div3A_302 = arith.divf %mul3A_297, %sub3A_301 : vector<16xf32>
            %gt3A_303 = arith.cmpf ogt, %div3A_302, %broadcast_in_dim3A_165 : vector<16xf32>
            %add3A_304 = vector.broadcast %mul3A_278 : i32 to vector<16xi32>
            %add3A_305 = arith.addi %add3A_304, %iota3A : vector<16xi32>
            %gt3A_306 = vector.broadcast %scan3A_187 : i32 to vector<16xi32>
            %gt3A_307 = arith.cmpi sgt, %add3A_305, %gt3A_306 : vector<16xi32>
            %and3A_308 = arith.andi %gt3A_303, %gt3A_307 : vector<16xi1>
            %get3A_309 = arith.index_cast %mul3A_278 : i32 to index
            %get3A_310 = tpu.vector_load %arg18[%get3A_309] {strides = array<i32>} : memref<208xi32, #tpu.memory_space<vmem>>, vector<16xi32>,
            %select_n3A_311 = arith.select %and3A_308, %broadcast_in_dim3A_23, %get3A_310 : vector<16xi1>, vector<16xi32>
            %swap3A = arith.index_cast %mul3A_278 : i32 to index
            %swap3A_312 = tpu.vector_load %arg18[%swap3A] {strides = array<i32>} : memref<208xi32, #tpu.memory_space<vmem>>, vector<16xi32>,
            tpu.vector_store %arg18[%swap3A], %select_n3A_311 {strides = array<i32>} : memref<208xi32, #tpu.memory_space<vmem>>, vector<16xi32>,
            %while3A_313 = arith.constant 0 : i32
            scf.yield %while3A_313 : i32
          }
        } else {
        }
        %scan3A_231 = arith.constant 0 : i32
        scf.yield %scan3A_231 : i32
      }
      %scan3A_172 = arith.constant 200 : i32
      %scan3A_173 = arith.constant 0 : i32
      %scan3A_174 = arith.constant 0 : i32
      %scan3A_175 = arith.constant 65 : i32
      %scan3A_176 = arith.addi %scan3A_174, %scan3A_175 : i32
      %scan3A_177 = arith.constant 1 : i32
      %scan3A_178 = scf.for %scan3A_187 = %scan3A_174 to %scan3A_176 step %scan3A_177 iter_args(%scan3A_188 = %scan3A_173) -> (i32)  : i32 {
        %broadcast_in_dim3A_189 = arith.constant 0.000000e+00 : f32
        %broadcast_in_dim3A_190 = vector.broadcast %broadcast_in_dim3A_189 : f32 to vector<16xf32>
        %mul3A_191 = arith.constant 16 : i32
        %mul3A_192 = arith.muli %scan3A_187, %mul3A_191 : i32
        %swap3A = arith.index_cast %mul3A_192 : i32 to index
        %swap3A_193 = tpu.vector_load %arg19[%swap3A] {strides = array<i32>} : memref<1040xf32, #tpu.memory_space<vmem>>, vector<16xf32>,
        tpu.vector_store %arg19[%swap3A], %broadcast_in_dim3A_190 {strides = array<i32>} : memref<1040xf32, #tpu.memory_space<vmem>>, vector<16xf32>,
        %scan3A_194 = arith.constant 0 : i32
        scf.yield %scan3A_194 : i32
      }
      %scan3A_179 = arith.constant 65 : i32
      %scan3A_180 = arith.constant 0 : i32
      %scan3A_181 = arith.constant 0 : i32
      %scan3A_182 = arith.constant 13 : i32
      %scan3A_183 = arith.addi %scan3A_181, %scan3A_182 : i32
      %scan3A_184 = arith.constant 1 : i32
      %scan3A_185 = scf.for %scan3A_187 = %scan3A_181 to %scan3A_183 step %scan3A_184 iter_args(%scan3A_188 = %scan3A_180) -> (i32)  : i32 {
        %mul3A_189 = arith.constant 16 : i32
        %mul3A_190 = arith.muli %scan3A_187, %mul3A_189 : i32
        %get3A = arith.index_cast %mul3A_190 : i32 to index
        %get3A_191 = tpu.vector_load %arg18[%get3A] {strides = array<i32>} : memref<208xi32, #tpu.memory_space<vmem>>, vector<16xi32>,
        %gt3A = arith.cmpi sgt, %get3A_191, %broadcast_in_dim3A_23 : vector<16xi32>
        %select_n3A_192 = arith.select %gt3A, %broadcast_in_dim3A_21, %broadcast_in_dim3A_23 : vector<16xi1>, vector<16xi32>
        %broadcast_in_dim3A_193 = arith.constant true
        %broadcast_in_dim3A_194 = vector.broadcast %broadcast_in_dim3A_193 : i1 to vector<16xi1>
        %masked_cumsum3A = tpu.scan <sum>, %select_n3A_192 masked %broadcast_in_dim3A_194 : vector<16xi32>, vector<16xi1> -> vector<16xi32>
        %reduce_max3A = arith.constant true
        %reduce_max3A_195 = vector.broadcast %reduce_max3A : i1 to vector<16xi1>
        %reduce_max3A_196 = arith.constant -2147483648 : i32
        %reduce_max3A_197 = vector.broadcast %reduce_max3A_196 : i32 to vector<16xi32>
        %reduce_max3A_198 = arith.xori %masked_cumsum3A, %reduce_max3A_197 : vector<16xi32>
        %reduce_max3A_199 = tpu.scan <max>, %reduce_max3A_198 masked %reduce_max3A_195 : vector<16xi32>, vector<16xi1> -> vector<16xi32>
        %reduce_max3A_200 = arith.xori %reduce_max3A_199, %reduce_max3A_197 : vector<16xi32>
        %reduce_max3A_201 = vector.extract %reduce_max3A_200[15] : i32 from vector<16xi32>
        %gt3A_202 = arith.constant 0 : i32
        %gt3A_203 = arith.cmpi sgt, %reduce_max3A_201, %gt3A_202 : i32
        %convert_element_type3A_204 = arith.extui %gt3A_203 : i1 to i32
        %cond3A_205 = arith.constant 0 : i32
        %cond3A_206 = arith.cmpi ne, %convert_element_type3A_204, %cond3A_205 : i32
        scf.if %cond3A_206 {
          %add3A_208 = vector.broadcast %scan3A_188 : i32 to vector<16xi32>
          %add3A_209 = arith.addi %add3A_208, %masked_cumsum3A : vector<16xi32>
          %sub3A_210 = arith.constant 1 : i32
          %sub3A_211 = vector.broadcast %sub3A_210 : i32 to vector<16xi32>
          %sub3A_212 = arith.subi %add3A_209, %sub3A_211 : vector<16xi32>
          %get3A_213 = arith.index_cast %mul3A_190 : i32 to index
          %get3A_214 = tpu.vector_load %arg10[%get3A_213] {strides = array<i32>} : memref<208xf32, #tpu.memory_space<vmem>>, vector<16xf32>,
          tpu.vector_store_idx %arg19[%sub3A_212], %get3A_214 masked %gt3A : memref<1040xf32, #tpu.memory_space<vmem>>[vector<16xi32>], vector<16xf32>, vector<16xi1>
          %add3A_215 = arith.constant 208 : i32
          %add3A_216 = vector.broadcast %add3A_215 : i32 to vector<16xi32>
          %add3A_217 = arith.addi %sub3A_212, %add3A_216 : vector<16xi32>
          %get3A_218 = arith.index_cast %mul3A_190 : i32 to index
          %get3A_219 = tpu.vector_load %arg13[%get3A_218] {strides = array<i32>} : memref<208xf32, #tpu.memory_space<vmem>>, vector<16xf32>,
          tpu.vector_store_idx %arg19[%add3A_217], %get3A_219 masked %gt3A : memref<1040xf32, #tpu.memory_space<vmem>>[vector<16xi32>], vector<16xf32>, vector<16xi1>
          %add3A_220 = arith.constant 416 : i32
          %add3A_221 = vector.broadcast %add3A_220 : i32 to vector<16xi32>
          %add3A_222 = arith.addi %sub3A_212, %add3A_221 : vector<16xi32>
          %get3A_223 = arith.index_cast %mul3A_190 : i32 to index
          %get3A_224 = tpu.vector_load %arg14[%get3A_223] {strides = array<i32>} : memref<208xf32, #tpu.memory_space<vmem>>, vector<16xf32>,
          tpu.vector_store_idx %arg19[%add3A_222], %get3A_224 masked %gt3A : memref<1040xf32, #tpu.memory_space<vmem>>[vector<16xi32>], vector<16xf32>, vector<16xi1>
          %add3A_225 = arith.constant 624 : i32
          %add3A_226 = vector.broadcast %add3A_225 : i32 to vector<16xi32>
          %add3A_227 = arith.addi %sub3A_212, %add3A_226 : vector<16xi32>
          %get3A_228 = arith.index_cast %mul3A_190 : i32 to index
          %get3A_229 = tpu.vector_load %arg15[%get3A_228] {strides = array<i32>} : memref<208xf32, #tpu.memory_space<vmem>>, vector<16xf32>,
          tpu.vector_store_idx %arg19[%add3A_227], %get3A_229 masked %gt3A : memref<1040xf32, #tpu.memory_space<vmem>>[vector<16xi32>], vector<16xf32>, vector<16xi1>
          %add3A_230 = arith.constant 832 : i32
          %add3A_231 = vector.broadcast %add3A_230 : i32 to vector<16xi32>
          %add3A_232 = arith.addi %sub3A_212, %add3A_231 : vector<16xi32>
          %get3A_233 = arith.index_cast %mul3A_190 : i32 to index
          %get3A_234 = tpu.vector_load %arg16[%get3A_233] {strides = array<i32>} : memref<208xf32, #tpu.memory_space<vmem>>, vector<16xf32>,
          tpu.vector_store_idx %arg19[%add3A_232], %get3A_234 masked %gt3A : memref<1040xf32, #tpu.memory_space<vmem>>[vector<16xi32>], vector<16xf32>, vector<16xi1>
        } else {
        }
        %add3A_207 = arith.addi %scan3A_188, %reduce_max3A_201 : i32
        scf.yield %add3A_207 : i32
      }
      %scan3A_186 = arith.constant 13 : i32
      "tpu.region"() ({
        %run_scoped3A = tpu.sem_alloc : memref<!tpu.dma_semaphore, #tpu.memory_space<semaphore_mem>>
        %dma_start3A = arith.constant 0 : i32
        %dma_start3A_187 = tpu.memref_slice %arg5[%add3A_6, %dma_start3A] : memref<80x1040xf32, #tpu.memory_space<hbm>> -> memref<1x1040xf32, #tpu.memory_space<hbm>>
        %dma_start3A_188 = tpu.memref_squeeze %dma_start3A_187 : memref<1x1040xf32, #tpu.memory_space<hbm>> -> memref<1040xf32, #tpu.memory_space<hbm>>
        %dma_start3A_189 = arith.constant 0 : i32
        %dma_start3A_190 = tpu.memref_slice %arg5[%add3A_6, %dma_start3A_189] : memref<80x1040xf32, #tpu.memory_space<hbm>> -> memref<1x1040xf32, #tpu.memory_space<hbm>>
        %dma_start3A_191 = tpu.memref_squeeze %dma_start3A_190 : memref<1x1040xf32, #tpu.memory_space<hbm>> -> memref<1040xf32, #tpu.memory_space<hbm>>
        tpu.enqueue_dma source(%arg19 : memref<1040xf32, #tpu.memory_space<vmem>>) target(%dma_start3A_191 : memref<1040xf32, #tpu.memory_space<hbm>>) target_semaphore(%run_scoped3A : memref<!tpu.dma_semaphore, #tpu.memory_space<semaphore_mem>>)
        %dma_wait3A_192 = arith.constant 0 : i32
        %dma_wait3A_193 = tpu.memref_slice %arg5[%add3A_6, %dma_wait3A_192] : memref<80x1040xf32, #tpu.memory_space<hbm>> -> memref<1x1040xf32, #tpu.memory_space<hbm>>
        %dma_wait3A_194 = tpu.memref_squeeze %dma_wait3A_193 : memref<1x1040xf32, #tpu.memory_space<hbm>> -> memref<1040xf32, #tpu.memory_space<hbm>>
        %dma_wait3A_195 = arith.constant 0 : i32
        %dma_wait3A_196 = tpu.memref_slice %arg5[%add3A_6, %dma_wait3A_195] : memref<80x1040xf32, #tpu.memory_space<hbm>> -> memref<1x1040xf32, #tpu.memory_space<hbm>>
        %dma_wait3A_197 = tpu.memref_squeeze %dma_wait3A_196 : memref<1x1040xf32, #tpu.memory_space<hbm>> -> memref<1040xf32, #tpu.memory_space<hbm>>
        tpu.wait_dma2 semaphore(%run_scoped3A : memref<!tpu.dma_semaphore, #tpu.memory_space<semaphore_mem>>) src(%arg19 : memref<1040xf32, #tpu.memory_space<vmem>>) dst(%dma_wait3A_197 : memref<1040xf32, #tpu.memory_space<hbm>>)
        tpu.yield
      }) : () -> ()
    } else {
    }
    %add3A_12 = arith.constant 64 : i32
    %add3A_13 = arith.addi %add3A_12, %add3A : i32
    %lt3A_14 = arith.constant 80 : i32
    %lt3A_15 = arith.cmpi slt, %add3A_13, %lt3A_14 : i32
    %convert_element_type3A_16 = arith.extui %lt3A_15 : i1 to i32
    %cond3A_17 = arith.constant 0 : i32
    %cond3A_18 = arith.cmpi ne, %convert_element_type3A_16, %cond3A_17 : i32
    scf.if %cond3A_18 {
      %iota3A = tpu.iota {dimensions = array<i32: 0>} : vector<16xi32>
      %broadcast_in_dim3A = arith.constant 0xFF800000 : f32
      %broadcast_in_dim3A_19 = vector.broadcast %broadcast_in_dim3A : f32 to vector<16xf32>
      %broadcast_in_dim3A_20 = arith.constant 1 : i32
      %broadcast_in_dim3A_21 = vector.broadcast %broadcast_in_dim3A_20 : i32 to vector<16xi32>
      %broadcast_in_dim3A_22 = arith.constant 0 : i32
      %broadcast_in_dim3A_23 = vector.broadcast %broadcast_in_dim3A_22 : i32 to vector<16xi32>
      %broadcast_in_dim3A_24 = arith.constant 9.900000e-01 : f32
      %broadcast_in_dim3A_25 = vector.broadcast %broadcast_in_dim3A_24 : f32 to vector<16xf32>
      %broadcast_in_dim3A_26 = arith.constant 16 : i32
      %broadcast_in_dim3A_27 = vector.broadcast %broadcast_in_dim3A_26 : i32 to vector<16xi32>
      %lt3A_28 = arith.cmpi slt, %iota3A, %broadcast_in_dim3A_27 : vector<16xi32>
      %jit3A = arith.constant 20 : i32
      %div3A = arith.divsi %add3A_13, %jit3A : i32
      %sign3A = arith.constant 0 : i32
      %sign3A_29 = arith.cmpi sgt, %add3A_13, %sign3A : i32
      %sign3A_30 = arith.extui %sign3A_29 : i1 to i32
      %sign3A_31 = arith.constant 0 : i32
      %sign3A_32 = arith.cmpi slt, %add3A_13, %sign3A_31 : i32
      %sign3A_33 = arith.extui %sign3A_32 : i1 to i32
      %sign3A_34 = arith.subi %sign3A_30, %sign3A_33 : i32
      %sign3A_35 = arith.constant 0 : i32
      %sign3A_36 = arith.cmpi sgt, %jit3A, %sign3A_35 : i32
      %sign3A_37 = arith.extui %sign3A_36 : i1 to i32
      %sign3A_38 = arith.constant 0 : i32
      %sign3A_39 = arith.cmpi slt, %jit3A, %sign3A_38 : i32
      %sign3A_40 = arith.extui %sign3A_39 : i1 to i32
      %sign3A_41 = arith.subi %sign3A_37, %sign3A_40 : i32
      %ne3A = arith.cmpi ne, %sign3A_34, %sign3A_41 : i32
      %rem3A = arith.remsi %add3A_13, %jit3A : i32
      %ne3A_42 = arith.constant 0 : i32
      %ne3A_43 = arith.cmpi ne, %rem3A, %ne3A_42 : i32
      %and3A = arith.andi %ne3A, %ne3A_43 : i1
      %sub3A = arith.constant 1 : i32
      %sub3A_44 = arith.subi %div3A, %sub3A : i32
      %select_n3A = arith.select %and3A, %sub3A_44, %div3A : i32
      "tpu.region"() ({
        %run_scoped3A = tpu.sem_alloc : memref<!tpu.dma_semaphore, #tpu.memory_space<semaphore_mem>>
        %dma_start3A = arith.constant 0 : i32
        %dma_start3A_187 = tpu.memref_slice %arg2[%add3A_13, %dma_start3A] : memref<80x20000xf32, #tpu.memory_space<hbm>> -> memref<1x20000xf32, #tpu.memory_space<hbm>>
        %dma_start3A_188 = tpu.memref_squeeze %dma_start3A_187 : memref<1x20000xf32, #tpu.memory_space<hbm>> -> memref<20000xf32, #tpu.memory_space<hbm>>
        %dma_start3A_189 = arith.constant 0 : i32
        %dma_start3A_190 = tpu.memref_slice %arg2[%add3A_13, %dma_start3A_189] : memref<80x20000xf32, #tpu.memory_space<hbm>> -> memref<1x20000xf32, #tpu.memory_space<hbm>>
        %dma_start3A_191 = tpu.memref_squeeze %dma_start3A_190 : memref<1x20000xf32, #tpu.memory_space<hbm>> -> memref<20000xf32, #tpu.memory_space<hbm>>
        tpu.enqueue_dma source(%dma_start3A_191 : memref<20000xf32, #tpu.memory_space<hbm>>) target(%arg6 : memref<20000xf32, #tpu.memory_space<vmem>>) target_semaphore(%run_scoped3A : memref<!tpu.dma_semaphore, #tpu.memory_space<semaphore_mem>>)
        %dma_wait3A_192 = arith.constant 0 : i32
        %dma_wait3A_193 = tpu.memref_slice %arg2[%add3A_13, %dma_wait3A_192] : memref<80x20000xf32, #tpu.memory_space<hbm>> -> memref<1x20000xf32, #tpu.memory_space<hbm>>
        %dma_wait3A_194 = tpu.memref_squeeze %dma_wait3A_193 : memref<1x20000xf32, #tpu.memory_space<hbm>> -> memref<20000xf32, #tpu.memory_space<hbm>>
        %dma_wait3A_195 = arith.constant 0 : i32
        %dma_wait3A_196 = tpu.memref_slice %arg2[%add3A_13, %dma_wait3A_195] : memref<80x20000xf32, #tpu.memory_space<hbm>> -> memref<1x20000xf32, #tpu.memory_space<hbm>>
        %dma_wait3A_197 = tpu.memref_squeeze %dma_wait3A_196 : memref<1x20000xf32, #tpu.memory_space<hbm>> -> memref<20000xf32, #tpu.memory_space<hbm>>
        tpu.wait_dma2 semaphore(%run_scoped3A : memref<!tpu.dma_semaphore, #tpu.memory_space<semaphore_mem>>) src(%dma_wait3A_197 : memref<20000xf32, #tpu.memory_space<hbm>>) dst(%arg6 : memref<20000xf32, #tpu.memory_space<vmem>>)
        tpu.yield
      }) : () -> ()
      %scan3A = arith.constant 0 : i32
      %scan3A_45 = arith.constant 0 : i32
      %scan3A_46 = arith.constant 1250 : i32
      %scan3A_47 = arith.addi %scan3A_45, %scan3A_46 : i32
      %scan3A_48 = arith.constant 1 : i32
      %scan3A_49 = scf.for %scan3A_187 = %scan3A_45 to %scan3A_47 step %scan3A_48 iter_args(%scan3A_188 = %scan3A) -> (i32)  : i32 {
        %mul3A_189 = arith.constant 16 : i32
        %mul3A_190 = arith.muli %scan3A_187, %mul3A_189 : i32
        %get3A = arith.index_cast %mul3A_190 : i32 to index
        %get3A_191 = tpu.vector_load %arg6[%get3A] {strides = array<i32>} : memref<20000xf32, #tpu.memory_space<vmem>>, vector<16xf32>,
        %gt3A = arith.cmpf ogt, %get3A_191, %broadcast_in_dim3A_25 : vector<16xf32>
        %all_reduce_population_count3A = tpu.all_reduce %gt3A {dim = 0 : i64, kind = #tpu.reduction_kind<sum>} : vector<16xi1> -> vector<16xi32>
        %slice3A = vector.extract_strided_slice %all_reduce_population_count3A {offsets = [0], sizes = [1], strides = [1]} : vector<16xi32> to vector<1xi32>
        %squeeze3A = vector.extract %slice3A[0] : i32 from vector<1xi32>
        %gt3A_192 = arith.constant 0 : i32
        %gt3A_193 = arith.cmpi sgt, %squeeze3A, %gt3A_192 : i32
        %convert_element_type3A_194 = arith.extui %gt3A_193 : i1 to i32
        %cond3A_195 = arith.constant 0 : i32
        %cond3A_196 = arith.cmpi ne, %convert_element_type3A_194, %cond3A_195 : i32
        scf.if %cond3A_196 {
          %select_n3A_198 = arith.select %gt3A, %broadcast_in_dim3A_21, %broadcast_in_dim3A_23 : vector<16xi1>, vector<16xi32>
          %broadcast_in_dim3A_199 = arith.constant true
          %broadcast_in_dim3A_200 = vector.broadcast %broadcast_in_dim3A_199 : i1 to vector<16xi1>
          %masked_cumsum3A = tpu.scan <sum>, %select_n3A_198 masked %broadcast_in_dim3A_200 : vector<16xi32>, vector<16xi1> -> vector<16xi32>
          %add3A_201 = vector.broadcast %scan3A_188 : i32 to vector<16xi32>
          %add3A_202 = arith.addi %add3A_201, %masked_cumsum3A : vector<16xi32>
          %sub3A_203 = arith.constant 1 : i32
          %sub3A_204 = vector.broadcast %sub3A_203 : i32 to vector<16xi32>
          %sub3A_205 = arith.subi %add3A_202, %sub3A_204 : vector<16xi32>
          tpu.vector_store_idx %arg7[%sub3A_205], %get3A_191 masked %gt3A : memref<20032xf32, #tpu.memory_space<vmem>>[vector<16xi32>], vector<16xf32>, vector<16xi1>
          %mul3A_206 = arith.constant 16 : i32
          %mul3A_207 = arith.muli %scan3A_187, %mul3A_206 : i32
          %add3A_208 = vector.broadcast %mul3A_207 : i32 to vector<16xi32>
          %add3A_209 = arith.addi %add3A_208, %iota3A : vector<16xi32>
          tpu.vector_store_idx %arg8[%sub3A_205], %add3A_209 masked %gt3A : memref<20032xi32, #tpu.memory_space<vmem>>[vector<16xi32>], vector<16xi32>, vector<16xi1>
        } else {
        }
        %add3A_197 = arith.addi %scan3A_188, %squeeze3A : i32
        scf.yield %add3A_197 : i32
      }
      %scan3A_50 = arith.constant 1250 : i32
      %add3A_51 = vector.broadcast %scan3A_49 : i32 to vector<16xi32>
      %add3A_52 = arith.addi %add3A_51, %iota3A : vector<16xi32>
      tpu.vector_store_idx %arg7[%add3A_52], %broadcast_in_dim3A_19 masked %lt3A_28 : memref<20032xf32, #tpu.memory_space<vmem>>[vector<16xi32>], vector<16xf32>, vector<16xi1>
      %add3A_53 = vector.broadcast %scan3A_49 : i32 to vector<16xi32>
      %add3A_54 = arith.addi %add3A_53, %iota3A : vector<16xi32>
      tpu.vector_store_idx %arg8[%add3A_54], %broadcast_in_dim3A_23 masked %lt3A_28 : memref<20032xi32, #tpu.memory_space<vmem>>[vector<16xi32>], vector<16xi32>, vector<16xi1>
      %jit3A_55 = arith.constant 16 : i32
      %div3A_56 = arith.divsi %scan3A_49, %jit3A_55 : i32
      %sign3A_57 = arith.constant 0 : i32
      %sign3A_58 = arith.cmpi sgt, %scan3A_49, %sign3A_57 : i32
      %sign3A_59 = arith.extui %sign3A_58 : i1 to i32
      %sign3A_60 = arith.constant 0 : i32
      %sign3A_61 = arith.cmpi slt, %scan3A_49, %sign3A_60 : i32
      %sign3A_62 = arith.extui %sign3A_61 : i1 to i32
      %sign3A_63 = arith.subi %sign3A_59, %sign3A_62 : i32
      %sign3A_64 = arith.constant 0 : i32
      %sign3A_65 = arith.cmpi sgt, %jit3A_55, %sign3A_64 : i32
      %sign3A_66 = arith.extui %sign3A_65 : i1 to i32
      %sign3A_67 = arith.constant 0 : i32
      %sign3A_68 = arith.cmpi slt, %jit3A_55, %sign3A_67 : i32
      %sign3A_69 = arith.extui %sign3A_68 : i1 to i32
      %sign3A_70 = arith.subi %sign3A_66, %sign3A_69 : i32
      %ne3A_71 = arith.cmpi ne, %sign3A_63, %sign3A_70 : i32
      %rem3A_72 = arith.remsi %scan3A_49, %jit3A_55 : i32
      %ne3A_73 = arith.constant 0 : i32
      %ne3A_74 = arith.cmpi ne, %rem3A_72, %ne3A_73 : i32
      %and3A_75 = arith.andi %ne3A_71, %ne3A_74 : i1
      %sub3A_76 = arith.constant 1 : i32
      %sub3A_77 = arith.subi %div3A_56, %sub3A_76 : i32
      %select_n3A_78 = arith.select %and3A_75, %sub3A_77, %div3A_56 : i32
      %add3A_79 = arith.constant 1 : i32
      %add3A_80 = arith.addi %select_n3A_78, %add3A_79 : i32
      %add3A_81 = arith.constant 192 : i32
      %add3A_82 = vector.broadcast %add3A_81 : i32 to vector<16xi32>
      %add3A_83 = arith.addi %add3A_82, %iota3A : vector<16xi32>
      tpu.vector_store_idx %arg10[%add3A_83], %broadcast_in_dim3A_19 masked %lt3A_28 : memref<208xf32, #tpu.memory_space<vmem>>[vector<16xi32>], vector<16xf32>, vector<16xi1>
      %eq3A = arith.cmpi eq, %iota3A, %broadcast_in_dim3A_23 : vector<16xi32>
      %while3A = arith.constant 0 : i32
      %while3A_84 = arith.constant 0 : i32
      %while3A_85 = arith.subi %add3A_80, %while3A : i32
      %while3A_86 = arith.addi %while3A, %while3A_85 : i32
      %while3A_87 = arith.constant 1 : i32
      %while3A_88 = arith.divsi %while3A_85, %while3A_87 : i32
      %while3A_89 = arith.muli %while3A_88, %while3A_87 : i32
      %while3A_90 = arith.addi %while3A, %while3A_89 : i32
      %while3A_91 = arith.constant 1 : i32
      %while3A_92 = scf.for %while3A_187 = %while3A to %while3A_90 step %while3A_91 iter_args(%while3A_188 = %while3A_84) -> (i32)  : i32 {
        %mul3A_189 = arith.constant 16 : i32
        %mul3A_190 = arith.muli %while3A_187, %mul3A_189 : i32
        %get3A = arith.index_cast %mul3A_190 : i32 to index
        %get3A_191 = tpu.vector_load %arg7[%get3A] {strides = array<i32>} : memref<20032xf32, #tpu.memory_space<vmem>>, vector<16xf32>,
        %reduce_max3A = arith.constant true
        %reduce_max3A_192 = vector.broadcast %reduce_max3A : i1 to vector<16xi1>
        %reduce_max3A_193 = tpu.scan <max>, %get3A_191 masked %reduce_max3A_192 : vector<16xf32>, vector<16xi1> -> vector<16xf32>
        %reduce_max3A_194 = vector.extract %reduce_max3A_193[15] : f32 from vector<16xf32>
        %broadcast_in_dim3A_195 = vector.broadcast %while3A_187 : i32 to vector<16xi32>
        %broadcast_in_dim3A_196 = vector.broadcast %reduce_max3A_194 : f32 to vector<16xf32>
        tpu.vector_store_idx %arg9[%broadcast_in_dim3A_195], %broadcast_in_dim3A_196 masked %eq3A : memref<1284xf32, #tpu.memory_space<vmem>>[vector<16xi32>], vector<16xf32>, vector<16xi1>
        %while3A_197 = arith.constant 0 : i32
        scf.yield %while3A_197 : i32
      }
      %while3A_93 = arith.constant 1 : i32
      %while3A_94 = scf.for %while3A_187 = %while3A_90 to %while3A_86 step %while3A_93 iter_args(%while3A_188 = %while3A_92) -> (i32)  : i32 {
        %mul3A_189 = arith.constant 16 : i32
        %mul3A_190 = arith.muli %while3A_187, %mul3A_189 : i32
        %get3A = arith.index_cast %mul3A_190 : i32 to index
        %get3A_191 = tpu.vector_load %arg7[%get3A] {strides = array<i32>} : memref<20032xf32, #tpu.memory_space<vmem>>, vector<16xf32>,
        %reduce_max3A = arith.constant true
        %reduce_max3A_192 = vector.broadcast %reduce_max3A : i1 to vector<16xi1>
        %reduce_max3A_193 = tpu.scan <max>, %get3A_191 masked %reduce_max3A_192 : vector<16xf32>, vector<16xi1> -> vector<16xf32>
        %reduce_max3A_194 = vector.extract %reduce_max3A_193[15] : f32 from vector<16xf32>
        %broadcast_in_dim3A_195 = vector.broadcast %while3A_187 : i32 to vector<16xi32>
        %broadcast_in_dim3A_196 = vector.broadcast %reduce_max3A_194 : f32 to vector<16xf32>
        tpu.vector_store_idx %arg9[%broadcast_in_dim3A_195], %broadcast_in_dim3A_196 masked %eq3A : memref<1284xf32, #tpu.memory_space<vmem>>[vector<16xi32>], vector<16xf32>, vector<16xi1>
        %while3A_197 = arith.constant 0 : i32
        scf.yield %while3A_197 : i32
      }
      %add3A_95 = vector.broadcast %add3A_80 : i32 to vector<16xi32>
      %add3A_96 = arith.addi %add3A_95, %iota3A : vector<16xi32>
      tpu.vector_store_idx %arg9[%add3A_96], %broadcast_in_dim3A_19 masked %lt3A_28 : memref<1284xf32, #tpu.memory_space<vmem>>[vector<16xi32>], vector<16xf32>, vector<16xi1>
      %add3A_97 = arith.constant 16 : i32
      %add3A_98 = arith.addi %add3A_80, %add3A_97 : i32
      %sub3A_99 = arith.constant 1 : i32
      %sub3A_100 = arith.subi %add3A_98, %sub3A_99 : i32
      %jit3A_101 = arith.constant 16 : i32
      %div3A_102 = arith.divsi %sub3A_100, %jit3A_101 : i32
      %sign3A_103 = arith.constant 0 : i32
      %sign3A_104 = arith.cmpi sgt, %sub3A_100, %sign3A_103 : i32
      %sign3A_105 = arith.extui %sign3A_104 : i1 to i32
      %sign3A_106 = arith.constant 0 : i32
      %sign3A_107 = arith.cmpi slt, %sub3A_100, %sign3A_106 : i32
      %sign3A_108 = arith.extui %sign3A_107 : i1 to i32
      %sign3A_109 = arith.subi %sign3A_105, %sign3A_108 : i32
      %sign3A_110 = arith.constant 0 : i32
      %sign3A_111 = arith.cmpi sgt, %jit3A_101, %sign3A_110 : i32
      %sign3A_112 = arith.extui %sign3A_111 : i1 to i32
      %sign3A_113 = arith.constant 0 : i32
      %sign3A_114 = arith.cmpi slt, %jit3A_101, %sign3A_113 : i32
      %sign3A_115 = arith.extui %sign3A_114 : i1 to i32
      %sign3A_116 = arith.subi %sign3A_112, %sign3A_115 : i32
      %ne3A_117 = arith.cmpi ne, %sign3A_109, %sign3A_116 : i32
      %rem3A_118 = arith.remsi %sub3A_100, %jit3A_101 : i32
      %ne3A_119 = arith.constant 0 : i32
      %ne3A_120 = arith.cmpi ne, %rem3A_118, %ne3A_119 : i32
      %and3A_121 = arith.andi %ne3A_117, %ne3A_120 : i1
      %sub3A_122 = arith.constant 1 : i32
      %sub3A_123 = arith.subi %div3A_102, %sub3A_122 : i32
      %select_n3A_124 = arith.select %and3A_121, %sub3A_123, %div3A_102 : i32
      %broadcast_in_dim3A_125 = arith.constant 1073741824 : i32
      %broadcast_in_dim3A_126 = vector.broadcast %broadcast_in_dim3A_125 : i32 to vector<16xi32>
      %scan3A_127 = arith.constant 0 : i32
      %scan3A_128 = arith.constant 0 : i32
      %scan3A_129 = arith.constant 200 : i32
      %scan3A_130 = arith.addi %scan3A_128, %scan3A_129 : i32
      %scan3A_131 = arith.constant 1 : i32
      %scan3A_132 = scf.for %scan3A_187 = %scan3A_128 to %scan3A_130 step %scan3A_131 iter_args(%scan3A_188 = %scan3A_127) -> (i32)  : i32 {
        %while3A_189 = arith.constant 0 : i32
        %while3A_190 = arith.subi %select_n3A_124, %while3A_189 : i32
        %while3A_191 = arith.addi %while3A_189, %while3A_190 : i32
        %while3A_192 = arith.constant 1 : i32
        %while3A_193 = arith.divsi %while3A_190, %while3A_192 : i32
        %while3A_194 = arith.muli %while3A_193, %while3A_192 : i32
        %while3A_195 = arith.addi %while3A_189, %while3A_194 : i32
        %while3A_196 = arith.constant 1 : i32
        %while3A_197:2 = scf.for %while3A_280 = %while3A_189 to %while3A_195 step %while3A_196 iter_args(%while3A_281 = %broadcast_in_dim3A_19, %while3A_282 = %broadcast_in_dim3A_23) -> (vector<16xf32>, vector<16xi32>)  : i32 {
          %mul3A_283 = arith.constant 16 : i32
          %mul3A_284 = arith.muli %while3A_280, %mul3A_283 : i32
          %get3A_285 = arith.index_cast %mul3A_284 : i32 to index
          %get3A_286 = tpu.vector_load %arg9[%get3A_285] {strides = array<i32>} : memref<1284xf32, #tpu.memory_space<vmem>>, vector<16xf32>,
          %gt3A = arith.cmpf ogt, %get3A_286, %while3A_281 : vector<16xf32>
          %select_n3A_287 = arith.select %gt3A, %get3A_286, %while3A_281 : vector<16xi1>, vector<16xf32>
          %broadcast_in_dim3A_288 = vector.broadcast %while3A_280 : i32 to vector<16xi32>
          %select_n3A_289 = arith.select %gt3A, %broadcast_in_dim3A_288, %while3A_282 : vector<16xi1>, vector<16xi32>
          scf.yield %select_n3A_287, %select_n3A_289 : vector<16xf32>, vector<16xi32>
        }
        %while3A_198 = arith.constant 1 : i32
        %while3A_199:2 = scf.for %while3A_280 = %while3A_195 to %while3A_191 step %while3A_198 iter_args(%while3A_281 = %while3A_197#0, %while3A_282 = %while3A_197#1) -> (vector<16xf32>, vector<16xi32>)  : i32 {
          %mul3A_283 = arith.constant 16 : i32
          %mul3A_284 = arith.muli %while3A_280, %mul3A_283 : i32
          %get3A_285 = arith.index_cast %mul3A_284 : i32 to index
          %get3A_286 = tpu.vector_load %arg9[%get3A_285] {strides = array<i32>} : memref<1284xf32, #tpu.memory_space<vmem>>, vector<16xf32>,
          %gt3A = arith.cmpf ogt, %get3A_286, %while3A_281 : vector<16xf32>
          %select_n3A_287 = arith.select %gt3A, %get3A_286, %while3A_281 : vector<16xi1>, vector<16xf32>
          %broadcast_in_dim3A_288 = vector.broadcast %while3A_280 : i32 to vector<16xi32>
          %select_n3A_289 = arith.select %gt3A, %broadcast_in_dim3A_288, %while3A_282 : vector<16xi1>, vector<16xi32>
          scf.yield %select_n3A_287, %select_n3A_289 : vector<16xf32>, vector<16xi32>
        }
        %reduce_max3A = arith.constant true
        %reduce_max3A_200 = vector.broadcast %reduce_max3A : i1 to vector<16xi1>
        %reduce_max3A_201 = tpu.scan <max>, %while3A_199#0 masked %reduce_max3A_200 : vector<16xf32>, vector<16xi1> -> vector<16xf32>
        %reduce_max3A_202 = vector.extract %reduce_max3A_201[15] : f32 from vector<16xf32>
        %broadcast_in_dim3A_203 = vector.broadcast %reduce_max3A_202 : f32 to vector<16xf32>
        %eq3A_204 = arith.cmpf oeq, %while3A_199#0, %broadcast_in_dim3A_203 : vector<16xf32>
        %mul3A_205 = arith.constant 16 : i32
        %mul3A_206 = vector.broadcast %mul3A_205 : i32 to vector<16xi32>
        %mul3A_207 = arith.muli %while3A_199#1, %mul3A_206 : vector<16xi32>
        %add3A_208 = arith.addi %mul3A_207, %iota3A : vector<16xi32>
        %select_n3A_209 = arith.select %eq3A_204, %add3A_208, %broadcast_in_dim3A_126 : vector<16xi1>, vector<16xi32>
        %reduce_min3A = arith.constant true
        %reduce_min3A_210 = vector.broadcast %reduce_min3A : i1 to vector<16xi1>
        %reduce_min3A_211 = arith.constant -2147483648 : i32
        %reduce_min3A_212 = vector.broadcast %reduce_min3A_211 : i32 to vector<16xi32>
        %reduce_min3A_213 = arith.xori %select_n3A_209, %reduce_min3A_212 : vector<16xi32>
        %reduce_min3A_214 = tpu.scan <min>, %reduce_min3A_213 masked %reduce_min3A_210 : vector<16xi32>, vector<16xi1> -> vector<16xi32>
        %reduce_min3A_215 = arith.xori %reduce_min3A_214, %reduce_min3A_212 : vector<16xi32>
        %reduce_min3A_216 = vector.extract %reduce_min3A_215[15] : i32 from vector<16xi32>
        %mul3A_217 = arith.constant 16 : i32
        %mul3A_218 = arith.muli %reduce_min3A_216, %mul3A_217 : i32
        %get3A = arith.index_cast %mul3A_218 : i32 to index
        %get3A_219 = tpu.vector_load %arg7[%get3A] {strides = array<i32>} : memref<20032xf32, #tpu.memory_space<vmem>>, vector<16xf32>,
        %eq3A_220 = arith.cmpf oeq, %get3A_219, %broadcast_in_dim3A_203 : vector<16xf32>
        %select_n3A_221 = arith.select %eq3A_220, %iota3A, %broadcast_in_dim3A_126 : vector<16xi1>, vector<16xi32>
        %reduce_min3A_222 = arith.constant true
        %reduce_min3A_223 = vector.broadcast %reduce_min3A_222 : i1 to vector<16xi1>
        %reduce_min3A_224 = arith.constant -2147483648 : i32
        %reduce_min3A_225 = vector.broadcast %reduce_min3A_224 : i32 to vector<16xi32>
        %reduce_min3A_226 = arith.xori %select_n3A_221, %reduce_min3A_225 : vector<16xi32>
        %reduce_min3A_227 = tpu.scan <min>, %reduce_min3A_226 masked %reduce_min3A_223 : vector<16xi32>, vector<16xi1> -> vector<16xi32>
        %reduce_min3A_228 = arith.xori %reduce_min3A_227, %reduce_min3A_225 : vector<16xi32>
        %reduce_min3A_229 = vector.extract %reduce_min3A_228[15] : i32 from vector<16xi32>
        %mul3A_230 = arith.constant 16 : i32
        %mul3A_231 = arith.muli %reduce_min3A_216, %mul3A_230 : i32
        %add3A_232 = arith.addi %mul3A_231, %reduce_min3A_229 : i32
        %broadcast_in_dim3A_233 = vector.broadcast %add3A_232 : i32 to vector<16xi32>
        %gather3A = tpu.vector_load_idx %arg8[%broadcast_in_dim3A_233] : memref<20032xi32, #tpu.memory_space<vmem>>[vector<16xi32>], vector<16xi32>,
        %reduce_max3A_234 = arith.constant true
        %reduce_max3A_235 = vector.broadcast %reduce_max3A_234 : i1 to vector<16xi1>
        %reduce_max3A_236 = arith.constant -2147483648 : i32
        %reduce_max3A_237 = vector.broadcast %reduce_max3A_236 : i32 to vector<16xi32>
        %reduce_max3A_238 = arith.xori %gather3A, %reduce_max3A_237 : vector<16xi32>
        %reduce_max3A_239 = tpu.scan <max>, %reduce_max3A_238 masked %reduce_max3A_235 : vector<16xi32>, vector<16xi1> -> vector<16xi32>
        %reduce_max3A_240 = arith.xori %reduce_max3A_239, %reduce_max3A_237 : vector<16xi32>
        %reduce_max3A_241 = vector.extract %reduce_max3A_240[15] : i32 from vector<16xi32>
        %broadcast_in_dim3A_242 = vector.broadcast %add3A_232 : i32 to vector<16xi32>
        tpu.vector_store_idx %arg7[%broadcast_in_dim3A_242], %broadcast_in_dim3A_19 masked %eq3A : memref<20032xf32, #tpu.memory_space<vmem>>[vector<16xi32>], vector<16xf32>, vector<16xi1>
        %broadcast_in_dim3A_243 = vector.broadcast %reduce_min3A_229 : i32 to vector<16xi32>
        %eq3A_244 = arith.cmpi eq, %iota3A, %broadcast_in_dim3A_243 : vector<16xi32>
        %select_n3A_245 = arith.select %eq3A_244, %broadcast_in_dim3A_19, %get3A_219 : vector<16xi1>, vector<16xf32>
        %reduce_max3A_246 = arith.constant true
        %reduce_max3A_247 = vector.broadcast %reduce_max3A_246 : i1 to vector<16xi1>
        %reduce_max3A_248 = tpu.scan <max>, %select_n3A_245 masked %reduce_max3A_247 : vector<16xf32>, vector<16xi1> -> vector<16xf32>
        %reduce_max3A_249 = vector.extract %reduce_max3A_248[15] : f32 from vector<16xf32>
        %broadcast_in_dim3A_250 = vector.broadcast %reduce_min3A_216 : i32 to vector<16xi32>
        %broadcast_in_dim3A_251 = vector.broadcast %reduce_max3A_249 : f32 to vector<16xf32>
        tpu.vector_store_idx %arg9[%broadcast_in_dim3A_250], %broadcast_in_dim3A_251 masked %eq3A : memref<1284xf32, #tpu.memory_space<vmem>>[vector<16xi32>], vector<16xf32>, vector<16xi1>
        %broadcast_in_dim3A_252 = vector.broadcast %scan3A_187 : i32 to vector<16xi32>
        tpu.vector_store_idx %arg10[%broadcast_in_dim3A_252], %broadcast_in_dim3A_203 masked %eq3A : memref<208xf32, #tpu.memory_space<vmem>>[vector<16xi32>], vector<16xf32>, vector<16xi1>
        %dma_start3A = arith.constant 0 : i32
        %dma_start3A_253 = tpu.memref_slice %arg12[%scan3A_187, %dma_start3A] : memref<208x4xf32, #tpu.memory_space<vmem>> -> memref<1x4xf32, #tpu.memory_space<vmem>>
        %dma_start3A_254 = tpu.memref_squeeze %dma_start3A_253 : memref<1x4xf32, #tpu.memory_space<vmem>> -> memref<4xf32, #tpu.memory_space<vmem>>
        %dma_start3A_255 = arith.constant 0 : i32
        %dma_start3A_256 = tpu.memref_slice %arg4[%reduce_max3A_241, %dma_start3A_255] : memref<20000x4xf32, #tpu.memory_space<hbm>> -> memref<1x4xf32, #tpu.memory_space<hbm>>
        %dma_start3A_257 = tpu.memref_squeeze %dma_start3A_256 : memref<1x4xf32, #tpu.memory_space<hbm>> -> memref<4xf32, #tpu.memory_space<hbm>>
        %dma_start3A_258 = arith.constant 0 : i32
        %dma_start3A_259 = tpu.memref_slice %arg12[%scan3A_187, %dma_start3A_258] : memref<208x4xf32, #tpu.memory_space<vmem>> -> memref<1x4xf32, #tpu.memory_space<vmem>>
        %dma_start3A_260 = tpu.memref_squeeze %dma_start3A_259 : memref<1x4xf32, #tpu.memory_space<vmem>> -> memref<4xf32, #tpu.memory_space<vmem>>
        %dma_start3A_261 = arith.constant 0 : i32
        %dma_start3A_262 = tpu.memref_slice %arg4[%reduce_max3A_241, %dma_start3A_261] : memref<20000x4xf32, #tpu.memory_space<hbm>> -> memref<1x4xf32, #tpu.memory_space<hbm>>
        %dma_start3A_263 = tpu.memref_squeeze %dma_start3A_262 : memref<1x4xf32, #tpu.memory_space<hbm>> -> memref<4xf32, #tpu.memory_space<hbm>>
        tpu.enqueue_dma source(%dma_start3A_263 : memref<4xf32, #tpu.memory_space<hbm>>) target(%dma_start3A_260 : memref<4xf32, #tpu.memory_space<vmem>>) target_semaphore(%arg20 : memref<!tpu.dma_semaphore, #tpu.memory_space<semaphore_mem>>)
        %mul3A_264 = arith.constant 20000 : i32
        %mul3A_265 = arith.muli %select_n3A, %mul3A_264 : i32
        %add3A_266 = arith.addi %reduce_max3A_241, %mul3A_265 : i32
        %dma_start3A_267 = arith.constant 0 : i32
        %dma_start3A_268 = tpu.memref_slice %arg11[%scan3A_187, %dma_start3A_267] : memref<208x4xf32, #tpu.memory_space<vmem>> -> memref<1x4xf32, #tpu.memory_space<vmem>>
        %dma_start3A_269 = tpu.memref_squeeze %dma_start3A_268 : memref<1x4xf32, #tpu.memory_space<vmem>> -> memref<4xf32, #tpu.memory_space<vmem>>
        %dma_start3A_270 = arith.constant 0 : i32
        %dma_start3A_271 = tpu.memref_slice %arg3[%add3A_266, %dma_start3A_270] : memref<80000x4xf32, #tpu.memory_space<hbm>> -> memref<1x4xf32, #tpu.memory_space<hbm>>
        %dma_start3A_272 = tpu.memref_squeeze %dma_start3A_271 : memref<1x4xf32, #tpu.memory_space<hbm>> -> memref<4xf32, #tpu.memory_space<hbm>>
        %dma_start3A_273 = arith.constant 0 : i32
        %dma_start3A_274 = tpu.memref_slice %arg11[%scan3A_187, %dma_start3A_273] : memref<208x4xf32, #tpu.memory_space<vmem>> -> memref<1x4xf32, #tpu.memory_space<vmem>>
        %dma_start3A_275 = tpu.memref_squeeze %dma_start3A_274 : memref<1x4xf32, #tpu.memory_space<vmem>> -> memref<4xf32, #tpu.memory_space<vmem>>
        %dma_start3A_276 = arith.constant 0 : i32
        %dma_start3A_277 = tpu.memref_slice %arg3[%add3A_266, %dma_start3A_276] : memref<80000x4xf32, #tpu.memory_space<hbm>> -> memref<1x4xf32, #tpu.memory_space<hbm>>
        %dma_start3A_278 = tpu.memref_squeeze %dma_start3A_277 : memref<1x4xf32, #tpu.memory_space<hbm>> -> memref<4xf32, #tpu.memory_space<hbm>>
        tpu.enqueue_dma source(%dma_start3A_278 : memref<4xf32, #tpu.memory_space<hbm>>) target(%dma_start3A_275 : memref<4xf32, #tpu.memory_space<vmem>>) target_semaphore(%arg20 : memref<!tpu.dma_semaphore, #tpu.memory_space<semaphore_mem>>)
        %scan3A_279 = arith.constant 0 : i32
        scf.yield %scan3A_279 : i32
      }
      %scan3A_133 = arith.constant 200 : i32
      %dma_wait3A = arith.constant 0 : i32
      %dma_wait3A_134 = arith.constant 0 : i32
      %dma_wait3A_135 = tpu.memref_slice %arg12[%dma_wait3A, %dma_wait3A_134] : memref<208x4xf32, #tpu.memory_space<vmem>> -> memref<200x4xf32, #tpu.memory_space<vmem>>
      %dma_wait3A_136 = arith.constant 0 : i32
      %dma_wait3A_137 = arith.constant 0 : i32
      %dma_wait3A_138 = tpu.memref_slice %arg4[%dma_wait3A_136, %dma_wait3A_137] : memref<20000x4xf32, #tpu.memory_space<hbm>> -> memref<200x4xf32, #tpu.memory_space<hbm>>
      %dma_wait3A_139 = arith.constant 0 : i32
      %dma_wait3A_140 = arith.constant 0 : i32
      %dma_wait3A_141 = tpu.memref_slice %arg12[%dma_wait3A_139, %dma_wait3A_140] : memref<208x4xf32, #tpu.memory_space<vmem>> -> memref<200x4xf32, #tpu.memory_space<vmem>>
      %dma_wait3A_142 = arith.constant 0 : i32
      %dma_wait3A_143 = arith.constant 0 : i32
      %dma_wait3A_144 = tpu.memref_slice %arg4[%dma_wait3A_142, %dma_wait3A_143] : memref<20000x4xf32, #tpu.memory_space<hbm>> -> memref<200x4xf32, #tpu.memory_space<hbm>>
      tpu.wait_dma2 semaphore(%arg20 : memref<!tpu.dma_semaphore, #tpu.memory_space<semaphore_mem>>) src(%dma_wait3A_144 : memref<200x4xf32, #tpu.memory_space<hbm>>) dst(%dma_wait3A_141 : memref<200x4xf32, #tpu.memory_space<vmem>>)
      %dma_wait3A_145 = arith.constant 0 : i32
      %dma_wait3A_146 = arith.constant 0 : i32
      %dma_wait3A_147 = tpu.memref_slice %arg11[%dma_wait3A_145, %dma_wait3A_146] : memref<208x4xf32, #tpu.memory_space<vmem>> -> memref<200x4xf32, #tpu.memory_space<vmem>>
      %dma_wait3A_148 = arith.constant 0 : i32
      %dma_wait3A_149 = arith.constant 0 : i32
      %dma_wait3A_150 = tpu.memref_slice %arg3[%dma_wait3A_148, %dma_wait3A_149] : memref<80000x4xf32, #tpu.memory_space<hbm>> -> memref<200x4xf32, #tpu.memory_space<hbm>>
      %dma_wait3A_151 = arith.constant 0 : i32
      %dma_wait3A_152 = arith.constant 0 : i32
      %dma_wait3A_153 = tpu.memref_slice %arg11[%dma_wait3A_151, %dma_wait3A_152] : memref<208x4xf32, #tpu.memory_space<vmem>> -> memref<200x4xf32, #tpu.memory_space<vmem>>
      %dma_wait3A_154 = arith.constant 0 : i32
      %dma_wait3A_155 = arith.constant 0 : i32
      %dma_wait3A_156 = tpu.memref_slice %arg3[%dma_wait3A_154, %dma_wait3A_155] : memref<80000x4xf32, #tpu.memory_space<hbm>> -> memref<200x4xf32, #tpu.memory_space<hbm>>
      tpu.wait_dma2 semaphore(%arg20 : memref<!tpu.dma_semaphore, #tpu.memory_space<semaphore_mem>>) src(%dma_wait3A_156 : memref<200x4xf32, #tpu.memory_space<hbm>>) dst(%dma_wait3A_153 : memref<200x4xf32, #tpu.memory_space<vmem>>)
      %scan3A_157 = arith.constant 0 : i32
      %scan3A_158 = arith.constant 0 : i32
      %scan3A_159 = arith.constant 13 : i32
      %scan3A_160 = arith.addi %scan3A_158, %scan3A_159 : i32
      %scan3A_161 = arith.constant 1 : i32
      %scan3A_162 = scf.for %scan3A_187 = %scan3A_158 to %scan3A_160 step %scan3A_161 iter_args(%scan3A_188 = %scan3A_157) -> (i32)  : i32 {
        %mul3A_189 = arith.constant 16 : i32
        %mul3A_190 = arith.muli %scan3A_187, %mul3A_189 : i32
        %add3A_191 = vector.broadcast %mul3A_190 : i32 to vector<16xi32>
        %add3A_192 = arith.addi %add3A_191, %iota3A : vector<16xi32>
        %gather3A = tpu.vector_load_idx %arg12[%add3A_192, %broadcast_in_dim3A_23] : memref<208x4xf32, #tpu.memory_space<vmem>>[vector<16xi32>, vector<16xi32>], vector<16xf32>,
        %add3A_193 = arith.constant 1 : i32
        %add3A_194 = vector.broadcast %add3A_193 : i32 to vector<16xi32>
        %add3A_195 = arith.addi %broadcast_in_dim3A_23, %add3A_194 : vector<16xi32>
        %gather3A_196 = tpu.vector_load_idx %arg12[%add3A_192, %add3A_195] : memref<208x4xf32, #tpu.memory_space<vmem>>[vector<16xi32>, vector<16xi32>], vector<16xf32>,
        %add3A_197 = arith.constant 2 : i32
        %add3A_198 = vector.broadcast %add3A_197 : i32 to vector<16xi32>
        %add3A_199 = arith.addi %broadcast_in_dim3A_23, %add3A_198 : vector<16xi32>
        %gather3A_200 = tpu.vector_load_idx %arg12[%add3A_192, %add3A_199] : memref<208x4xf32, #tpu.memory_space<vmem>>[vector<16xi32>, vector<16xi32>], vector<16xf32>,
        %add3A_201 = arith.constant 3 : i32
        %add3A_202 = vector.broadcast %add3A_201 : i32 to vector<16xi32>
        %add3A_203 = arith.addi %broadcast_in_dim3A_23, %add3A_202 : vector<16xi32>
        %gather3A_204 = tpu.vector_load_idx %arg12[%add3A_192, %add3A_203] : memref<208x4xf32, #tpu.memory_space<vmem>>[vector<16xi32>, vector<16xi32>], vector<16xf32>,
        %gather3A_205 = tpu.vector_load_idx %arg11[%add3A_192, %broadcast_in_dim3A_23] : memref<208x4xf32, #tpu.memory_space<vmem>>[vector<16xi32>, vector<16xi32>], vector<16xf32>,
        %add3A_206 = arith.constant 1 : i32
        %add3A_207 = vector.broadcast %add3A_206 : i32 to vector<16xi32>
        %add3A_208 = arith.addi %broadcast_in_dim3A_23, %add3A_207 : vector<16xi32>
        %gather3A_209 = tpu.vector_load_idx %arg11[%add3A_192, %add3A_208] : memref<208x4xf32, #tpu.memory_space<vmem>>[vector<16xi32>, vector<16xi32>], vector<16xf32>,
        %add3A_210 = arith.constant 2 : i32
        %add3A_211 = vector.broadcast %add3A_210 : i32 to vector<16xi32>
        %add3A_212 = arith.addi %broadcast_in_dim3A_23, %add3A_211 : vector<16xi32>
        %gather3A_213 = tpu.vector_load_idx %arg11[%add3A_192, %add3A_212] : memref<208x4xf32, #tpu.memory_space<vmem>>[vector<16xi32>, vector<16xi32>], vector<16xf32>,
        %add3A_214 = arith.constant 3 : i32
        %add3A_215 = vector.broadcast %add3A_214 : i32 to vector<16xi32>
        %add3A_216 = arith.addi %broadcast_in_dim3A_23, %add3A_215 : vector<16xi32>
        %gather3A_217 = tpu.vector_load_idx %arg11[%add3A_192, %add3A_216] : memref<208x4xf32, #tpu.memory_space<vmem>>[vector<16xi32>, vector<16xi32>], vector<16xf32>,
        %mul3A_218 = arith.constant 1.000000e-01 : f32
        %mul3A_219 = vector.broadcast %mul3A_218 : f32 to vector<16xf32>
        %mul3A_220 = arith.mulf %gather3A_205, %mul3A_219 : vector<16xf32>
        %mul3A_221 = arith.mulf %mul3A_220, %gather3A_200 : vector<16xf32>
        %add3A_222 = arith.addf %gather3A, %mul3A_221 : vector<16xf32>
        %mul3A_223 = arith.constant 1.000000e-01 : f32
        %mul3A_224 = vector.broadcast %mul3A_223 : f32 to vector<16xf32>
        %mul3A_225 = arith.mulf %gather3A_209, %mul3A_224 : vector<16xf32>
        %mul3A_226 = arith.mulf %mul3A_225, %gather3A_204 : vector<16xf32>
        %add3A_227 = arith.addf %gather3A_196, %mul3A_226 : vector<16xf32>
        %mul3A_228 = arith.constant 2.000000e-01 : f32
        %mul3A_229 = vector.broadcast %mul3A_228 : f32 to vector<16xf32>
        %mul3A_230 = arith.mulf %gather3A_213, %mul3A_229 : vector<16xf32>
        %exp3A = math.exp %mul3A_230 : vector<16xf32>
        %mul3A_231 = arith.mulf %gather3A_200, %exp3A : vector<16xf32>
        %mul3A_232 = arith.constant 2.000000e-01 : f32
        %mul3A_233 = vector.broadcast %mul3A_232 : f32 to vector<16xf32>
        %mul3A_234 = arith.mulf %gather3A_217, %mul3A_233 : vector<16xf32>
        %exp3A_235 = math.exp %mul3A_234 : vector<16xf32>
        %mul3A_236 = arith.mulf %gather3A_204, %exp3A_235 : vector<16xf32>
        %div3A_237 = arith.constant 2.000000e+00 : f32
        %div3A_238 = vector.broadcast %div3A_237 : f32 to vector<16xf32>
        %div3A_239 = arith.divf %mul3A_231, %div3A_238 : vector<16xf32>
        %sub3A_240 = arith.subf %add3A_222, %div3A_239 : vector<16xf32>
        %div3A_241 = arith.constant 2.000000e+00 : f32
        %div3A_242 = vector.broadcast %div3A_241 : f32 to vector<16xf32>
        %div3A_243 = arith.divf %mul3A_236, %div3A_242 : vector<16xf32>
        %sub3A_244 = arith.subf %add3A_227, %div3A_243 : vector<16xf32>
        %div3A_245 = arith.constant 2.000000e+00 : f32
        %div3A_246 = vector.broadcast %div3A_245 : f32 to vector<16xf32>
        %div3A_247 = arith.divf %mul3A_231, %div3A_246 : vector<16xf32>
        %add3A_248 = arith.addf %add3A_222, %div3A_247 : vector<16xf32>
        %div3A_249 = arith.constant 2.000000e+00 : f32
        %div3A_250 = vector.broadcast %div3A_249 : f32 to vector<16xf32>
        %div3A_251 = arith.divf %mul3A_236, %div3A_250 : vector<16xf32>
        %add3A_252 = arith.addf %add3A_227, %div3A_251 : vector<16xf32>
        %swap3A = arith.index_cast %mul3A_190 : i32 to index
        %swap3A_253 = tpu.vector_load %arg13[%swap3A] {strides = array<i32>} : memref<208xf32, #tpu.memory_space<vmem>>, vector<16xf32>,
        tpu.vector_store %arg13[%swap3A], %sub3A_240 {strides = array<i32>} : memref<208xf32, #tpu.memory_space<vmem>>, vector<16xf32>,
        %swap3A_254 = arith.index_cast %mul3A_190 : i32 to index
        %swap3A_255 = tpu.vector_load %arg14[%swap3A_254] {strides = array<i32>} : memref<208xf32, #tpu.memory_space<vmem>>, vector<16xf32>,
        tpu.vector_store %arg14[%swap3A_254], %sub3A_244 {strides = array<i32>} : memref<208xf32, #tpu.memory_space<vmem>>, vector<16xf32>,
        %swap3A_256 = arith.index_cast %mul3A_190 : i32 to index
        %swap3A_257 = tpu.vector_load %arg15[%swap3A_256] {strides = array<i32>} : memref<208xf32, #tpu.memory_space<vmem>>, vector<16xf32>,
        tpu.vector_store %arg15[%swap3A_256], %add3A_248 {strides = array<i32>} : memref<208xf32, #tpu.memory_space<vmem>>, vector<16xf32>,
        %swap3A_258 = arith.index_cast %mul3A_190 : i32 to index
        %swap3A_259 = tpu.vector_load %arg16[%swap3A_258] {strides = array<i32>} : memref<208xf32, #tpu.memory_space<vmem>>, vector<16xf32>,
        tpu.vector_store %arg16[%swap3A_258], %add3A_252 {strides = array<i32>} : memref<208xf32, #tpu.memory_space<vmem>>, vector<16xf32>,
        %sub3A_260 = arith.subf %add3A_248, %sub3A_240 : vector<16xf32>
        %sub3A_261 = arith.subf %add3A_252, %sub3A_244 : vector<16xf32>
        %mul3A_262 = arith.mulf %sub3A_260, %sub3A_261 : vector<16xf32>
        %swap3A_263 = arith.index_cast %mul3A_190 : i32 to index
        %swap3A_264 = tpu.vector_load %arg17[%swap3A_263] {strides = array<i32>} : memref<208xf32, #tpu.memory_space<vmem>>, vector<16xf32>,
        tpu.vector_store %arg17[%swap3A_263], %mul3A_262 {strides = array<i32>} : memref<208xf32, #tpu.memory_space<vmem>>, vector<16xf32>,
        %get3A = arith.index_cast %mul3A_190 : i32 to index
        %get3A_265 = tpu.vector_load %arg10[%get3A] {strides = array<i32>} : memref<208xf32, #tpu.memory_space<vmem>>, vector<16xf32>,
        %gt3A = arith.cmpf ogt, %get3A_265, %broadcast_in_dim3A_25 : vector<16xf32>
        %select_n3A_266 = arith.select %gt3A, %broadcast_in_dim3A_21, %broadcast_in_dim3A_23 : vector<16xi1>, vector<16xi32>
        %swap3A_267 = arith.index_cast %mul3A_190 : i32 to index
        %swap3A_268 = tpu.vector_load %arg18[%swap3A_267] {strides = array<i32>} : memref<208xi32, #tpu.memory_space<vmem>>, vector<16xi32>,
        tpu.vector_store %arg18[%swap3A_267], %select_n3A_266 {strides = array<i32>} : memref<208xi32, #tpu.memory_space<vmem>>, vector<16xi32>,
        %scan3A_269 = arith.constant 0 : i32
        scf.yield %scan3A_269 : i32
      }
      %scan3A_163 = arith.constant 13 : i32
      %broadcast_in_dim3A_164 = arith.constant 4.500000e-01 : f32
      %broadcast_in_dim3A_165 = vector.broadcast %broadcast_in_dim3A_164 : f32 to vector<16xf32>
      %scan3A_166 = arith.constant 0 : i32
      %scan3A_167 = arith.constant 0 : i32
      %scan3A_168 = arith.constant 200 : i32
      %scan3A_169 = arith.addi %scan3A_167, %scan3A_168 : i32
      %scan3A_170 = arith.constant 1 : i32
      %scan3A_171 = scf.for %scan3A_187 = %scan3A_167 to %scan3A_169 step %scan3A_170 iter_args(%scan3A_188 = %scan3A_166) -> (i32)  : i32 {
        %jit3A_189 = arith.constant 16 : i32
        %div3A_190 = arith.divsi %scan3A_187, %jit3A_189 : i32
        %sign3A_191 = arith.constant 0 : i32
        %sign3A_192 = arith.cmpi sgt, %scan3A_187, %sign3A_191 : i32
        %sign3A_193 = arith.extui %sign3A_192 : i1 to i32
        %sign3A_194 = arith.constant 0 : i32
        %sign3A_195 = arith.cmpi slt, %scan3A_187, %sign3A_194 : i32
        %sign3A_196 = arith.extui %sign3A_195 : i1 to i32
        %sign3A_197 = arith.subi %sign3A_193, %sign3A_196 : i32
        %sign3A_198 = arith.constant 0 : i32
        %sign3A_199 = arith.cmpi sgt, %jit3A_189, %sign3A_198 : i32
        %sign3A_200 = arith.extui %sign3A_199 : i1 to i32
        %sign3A_201 = arith.constant 0 : i32
        %sign3A_202 = arith.cmpi slt, %jit3A_189, %sign3A_201 : i32
        %sign3A_203 = arith.extui %sign3A_202 : i1 to i32
        %sign3A_204 = arith.subi %sign3A_200, %sign3A_203 : i32
        %ne3A_205 = arith.cmpi ne, %sign3A_197, %sign3A_204 : i32
        %rem3A_206 = arith.remsi %scan3A_187, %jit3A_189 : i32
        %ne3A_207 = arith.constant 0 : i32
        %ne3A_208 = arith.cmpi ne, %rem3A_206, %ne3A_207 : i32
        %and3A_209 = arith.andi %ne3A_205, %ne3A_208 : i1
        %sub3A_210 = arith.constant 1 : i32
        %sub3A_211 = arith.subi %div3A_190, %sub3A_210 : i32
        %select_n3A_212 = arith.select %and3A_209, %sub3A_211, %div3A_190 : i32
        %mul3A_213 = arith.constant 16 : i32
        %mul3A_214 = arith.muli %select_n3A_212, %mul3A_213 : i32
        %sub3A_215 = arith.subi %scan3A_187, %mul3A_214 : i32
        %broadcast_in_dim3A_216 = vector.broadcast %sub3A_215 : i32 to vector<16xi32>
        %eq3A_217 = arith.cmpi eq, %iota3A, %broadcast_in_dim3A_216 : vector<16xi32>
        %get3A = arith.index_cast %mul3A_214 : i32 to index
        %get3A_218 = tpu.vector_load %arg18[%get3A] {strides = array<i32>} : memref<208xi32, #tpu.memory_space<vmem>>, vector<16xi32>,
        %select_n3A_219 = arith.select %eq3A_217, %get3A_218, %broadcast_in_dim3A_23 : vector<16xi1>, vector<16xi32>
        %reduce_max3A = arith.constant true
        %reduce_max3A_220 = vector.broadcast %reduce_max3A : i1 to vector<16xi1>
        %reduce_max3A_221 = arith.constant -2147483648 : i32
        %reduce_max3A_222 = vector.broadcast %reduce_max3A_221 : i32 to vector<16xi32>
        %reduce_max3A_223 = arith.xori %select_n3A_219, %reduce_max3A_222 : vector<16xi32>
        %reduce_max3A_224 = tpu.scan <max>, %reduce_max3A_223 masked %reduce_max3A_220 : vector<16xi32>, vector<16xi1> -> vector<16xi32>
        %reduce_max3A_225 = arith.xori %reduce_max3A_224, %reduce_max3A_222 : vector<16xi32>
        %reduce_max3A_226 = vector.extract %reduce_max3A_225[15] : i32 from vector<16xi32>
        %gt3A = arith.constant 0 : i32
        %gt3A_227 = arith.cmpi sgt, %reduce_max3A_226, %gt3A : i32
        %convert_element_type3A_228 = arith.extui %gt3A_227 : i1 to i32
        %cond3A_229 = arith.constant 0 : i32
        %cond3A_230 = arith.cmpi ne, %convert_element_type3A_228, %cond3A_229 : i32
        scf.if %cond3A_230 {
          %broadcast_in_dim3A_232 = vector.broadcast %scan3A_187 : i32 to vector<16xi32>
          %gather3A = tpu.vector_load_idx %arg13[%broadcast_in_dim3A_232] : memref<208xf32, #tpu.memory_space<vmem>>[vector<16xi32>], vector<16xf32>,
          %gather3A_233 = tpu.vector_load_idx %arg14[%broadcast_in_dim3A_232] : memref<208xf32, #tpu.memory_space<vmem>>[vector<16xi32>], vector<16xf32>,
          %gather3A_234 = tpu.vector_load_idx %arg15[%broadcast_in_dim3A_232] : memref<208xf32, #tpu.memory_space<vmem>>[vector<16xi32>], vector<16xf32>,
          %gather3A_235 = tpu.vector_load_idx %arg16[%broadcast_in_dim3A_232] : memref<208xf32, #tpu.memory_space<vmem>>[vector<16xi32>], vector<16xf32>,
          %sub3A_236 = arith.subf %gather3A_234, %gather3A : vector<16xf32>
          %sub3A_237 = arith.subf %gather3A_235, %gather3A_233 : vector<16xf32>
          %mul3A_238 = arith.mulf %sub3A_236, %sub3A_237 : vector<16xf32>
          %jit3A_239 = arith.constant 16 : i32
          %div3A_240 = arith.divsi %scan3A_187, %jit3A_239 : i32
          %sign3A_241 = arith.constant 0 : i32
          %sign3A_242 = arith.cmpi sgt, %scan3A_187, %sign3A_241 : i32
          %sign3A_243 = arith.extui %sign3A_242 : i1 to i32
          %sign3A_244 = arith.constant 0 : i32
          %sign3A_245 = arith.cmpi slt, %scan3A_187, %sign3A_244 : i32
          %sign3A_246 = arith.extui %sign3A_245 : i1 to i32
          %sign3A_247 = arith.subi %sign3A_243, %sign3A_246 : i32
          %sign3A_248 = arith.constant 0 : i32
          %sign3A_249 = arith.cmpi sgt, %jit3A_239, %sign3A_248 : i32
          %sign3A_250 = arith.extui %sign3A_249 : i1 to i32
          %sign3A_251 = arith.constant 0 : i32
          %sign3A_252 = arith.cmpi slt, %jit3A_239, %sign3A_251 : i32
          %sign3A_253 = arith.extui %sign3A_252 : i1 to i32
          %sign3A_254 = arith.subi %sign3A_250, %sign3A_253 : i32
          %ne3A_255 = arith.cmpi ne, %sign3A_247, %sign3A_254 : i32
          %rem3A_256 = arith.remsi %scan3A_187, %jit3A_239 : i32
          %ne3A_257 = arith.constant 0 : i32
          %ne3A_258 = arith.cmpi ne, %rem3A_256, %ne3A_257 : i32
          %and3A_259 = arith.andi %ne3A_255, %ne3A_258 : i1
          %sub3A_260 = arith.constant 1 : i32
          %sub3A_261 = arith.subi %div3A_240, %sub3A_260 : i32
          %select_n3A_262 = arith.select %and3A_259, %sub3A_261, %div3A_240 : i32
          %while3A_263 = arith.constant 13 : i32
          %while3A_264 = arith.constant 0 : i32
          %while3A_265 = arith.subi %while3A_263, %select_n3A_262 : i32
          %while3A_266 = arith.addi %select_n3A_262, %while3A_265 : i32
          %while3A_267 = arith.constant 1 : i32
          %while3A_268 = arith.divsi %while3A_265, %while3A_267 : i32
          %while3A_269 = arith.muli %while3A_268, %while3A_267 : i32
          %while3A_270 = arith.addi %select_n3A_262, %while3A_269 : i32
          %while3A_271 = arith.constant 1 : i32
          %while3A_272 = scf.for %while3A_275 = %select_n3A_262 to %while3A_270 step %while3A_271 iter_args(%while3A_276 = %while3A_264) -> (i32)  : i32 {
            %mul3A_277 = arith.constant 16 : i32
            %mul3A_278 = arith.muli %while3A_275, %mul3A_277 : i32
            %get3A_279 = arith.index_cast %mul3A_278 : i32 to index
            %get3A_280 = tpu.vector_load %arg13[%get3A_279] {strides = array<i32>} : memref<208xf32, #tpu.memory_space<vmem>>, vector<16xf32>,
            %max3A = arith.maximumf %gather3A, %get3A_280 : vector<16xf32>
            %get3A_281 = arith.index_cast %mul3A_278 : i32 to index
            %get3A_282 = tpu.vector_load %arg14[%get3A_281] {strides = array<i32>} : memref<208xf32, #tpu.memory_space<vmem>>, vector<16xf32>,
            %max3A_283 = arith.maximumf %gather3A_233, %get3A_282 : vector<16xf32>
            %get3A_284 = arith.index_cast %mul3A_278 : i32 to index
            %get3A_285 = tpu.vector_load %arg15[%get3A_284] {strides = array<i32>} : memref<208xf32, #tpu.memory_space<vmem>>, vector<16xf32>,
            %min3A = arith.minimumf %gather3A_234, %get3A_285 : vector<16xf32>
            %get3A_286 = arith.index_cast %mul3A_278 : i32 to index
            %get3A_287 = tpu.vector_load %arg16[%get3A_286] {strides = array<i32>} : memref<208xf32, #tpu.memory_space<vmem>>, vector<16xf32>,
            %min3A_288 = arith.minimumf %gather3A_235, %get3A_287 : vector<16xf32>
            %sub3A_289 = arith.subf %min3A, %max3A : vector<16xf32>
            %max3A_290 = arith.constant 0.000000e+00 : f32
            %max3A_291 = vector.broadcast %max3A_290 : f32 to vector<16xf32>
            %max3A_292 = arith.maximumf %sub3A_289, %max3A_291 : vector<16xf32>
            %sub3A_293 = arith.subf %min3A_288, %max3A_283 : vector<16xf32>
            %max3A_294 = arith.constant 0.000000e+00 : f32
            %max3A_295 = vector.broadcast %max3A_294 : f32 to vector<16xf32>
            %max3A_296 = arith.maximumf %sub3A_293, %max3A_295 : vector<16xf32>
            %mul3A_297 = arith.mulf %max3A_292, %max3A_296 : vector<16xf32>
            %get3A_298 = arith.index_cast %mul3A_278 : i32 to index
            %get3A_299 = tpu.vector_load %arg17[%get3A_298] {strides = array<i32>} : memref<208xf32, #tpu.memory_space<vmem>>, vector<16xf32>,
            %add3A_300 = arith.addf %mul3A_238, %get3A_299 : vector<16xf32>
            %sub3A_301 = arith.subf %add3A_300, %mul3A_297 : vector<16xf32>
            %div3A_302 = arith.divf %mul3A_297, %sub3A_301 : vector<16xf32>
            %gt3A_303 = arith.cmpf ogt, %div3A_302, %broadcast_in_dim3A_165 : vector<16xf32>
            %add3A_304 = vector.broadcast %mul3A_278 : i32 to vector<16xi32>
            %add3A_305 = arith.addi %add3A_304, %iota3A : vector<16xi32>
            %gt3A_306 = vector.broadcast %scan3A_187 : i32 to vector<16xi32>
            %gt3A_307 = arith.cmpi sgt, %add3A_305, %gt3A_306 : vector<16xi32>
            %and3A_308 = arith.andi %gt3A_303, %gt3A_307 : vector<16xi1>
            %get3A_309 = arith.index_cast %mul3A_278 : i32 to index
            %get3A_310 = tpu.vector_load %arg18[%get3A_309] {strides = array<i32>} : memref<208xi32, #tpu.memory_space<vmem>>, vector<16xi32>,
            %select_n3A_311 = arith.select %and3A_308, %broadcast_in_dim3A_23, %get3A_310 : vector<16xi1>, vector<16xi32>
            %swap3A = arith.index_cast %mul3A_278 : i32 to index
            %swap3A_312 = tpu.vector_load %arg18[%swap3A] {strides = array<i32>} : memref<208xi32, #tpu.memory_space<vmem>>, vector<16xi32>,
            tpu.vector_store %arg18[%swap3A], %select_n3A_311 {strides = array<i32>} : memref<208xi32, #tpu.memory_space<vmem>>, vector<16xi32>,
            %while3A_313 = arith.constant 0 : i32
            scf.yield %while3A_313 : i32
          }
          %while3A_273 = arith.constant 1 : i32
          %while3A_274 = scf.for %while3A_275 = %while3A_270 to %while3A_266 step %while3A_273 iter_args(%while3A_276 = %while3A_272) -> (i32)  : i32 {
            %mul3A_277 = arith.constant 16 : i32
            %mul3A_278 = arith.muli %while3A_275, %mul3A_277 : i32
            %get3A_279 = arith.index_cast %mul3A_278 : i32 to index
            %get3A_280 = tpu.vector_load %arg13[%get3A_279] {strides = array<i32>} : memref<208xf32, #tpu.memory_space<vmem>>, vector<16xf32>,
            %max3A = arith.maximumf %gather3A, %get3A_280 : vector<16xf32>
            %get3A_281 = arith.index_cast %mul3A_278 : i32 to index
            %get3A_282 = tpu.vector_load %arg14[%get3A_281] {strides = array<i32>} : memref<208xf32, #tpu.memory_space<vmem>>, vector<16xf32>,
            %max3A_283 = arith.maximumf %gather3A_233, %get3A_282 : vector<16xf32>
            %get3A_284 = arith.index_cast %mul3A_278 : i32 to index
            %get3A_285 = tpu.vector_load %arg15[%get3A_284] {strides = array<i32>} : memref<208xf32, #tpu.memory_space<vmem>>, vector<16xf32>,
            %min3A = arith.minimumf %gather3A_234, %get3A_285 : vector<16xf32>
            %get3A_286 = arith.index_cast %mul3A_278 : i32 to index
            %get3A_287 = tpu.vector_load %arg16[%get3A_286] {strides = array<i32>} : memref<208xf32, #tpu.memory_space<vmem>>, vector<16xf32>,
            %min3A_288 = arith.minimumf %gather3A_235, %get3A_287 : vector<16xf32>
            %sub3A_289 = arith.subf %min3A, %max3A : vector<16xf32>
            %max3A_290 = arith.constant 0.000000e+00 : f32
            %max3A_291 = vector.broadcast %max3A_290 : f32 to vector<16xf32>
            %max3A_292 = arith.maximumf %sub3A_289, %max3A_291 : vector<16xf32>
            %sub3A_293 = arith.subf %min3A_288, %max3A_283 : vector<16xf32>
            %max3A_294 = arith.constant 0.000000e+00 : f32
            %max3A_295 = vector.broadcast %max3A_294 : f32 to vector<16xf32>
            %max3A_296 = arith.maximumf %sub3A_293, %max3A_295 : vector<16xf32>
            %mul3A_297 = arith.mulf %max3A_292, %max3A_296 : vector<16xf32>
            %get3A_298 = arith.index_cast %mul3A_278 : i32 to index
            %get3A_299 = tpu.vector_load %arg17[%get3A_298] {strides = array<i32>} : memref<208xf32, #tpu.memory_space<vmem>>, vector<16xf32>,
            %add3A_300 = arith.addf %mul3A_238, %get3A_299 : vector<16xf32>
            %sub3A_301 = arith.subf %add3A_300, %mul3A_297 : vector<16xf32>
            %div3A_302 = arith.divf %mul3A_297, %sub3A_301 : vector<16xf32>
            %gt3A_303 = arith.cmpf ogt, %div3A_302, %broadcast_in_dim3A_165 : vector<16xf32>
            %add3A_304 = vector.broadcast %mul3A_278 : i32 to vector<16xi32>
            %add3A_305 = arith.addi %add3A_304, %iota3A : vector<16xi32>
            %gt3A_306 = vector.broadcast %scan3A_187 : i32 to vector<16xi32>
            %gt3A_307 = arith.cmpi sgt, %add3A_305, %gt3A_306 : vector<16xi32>
            %and3A_308 = arith.andi %gt3A_303, %gt3A_307 : vector<16xi1>
            %get3A_309 = arith.index_cast %mul3A_278 : i32 to index
            %get3A_310 = tpu.vector_load %arg18[%get3A_309] {strides = array<i32>} : memref<208xi32, #tpu.memory_space<vmem>>, vector<16xi32>,
            %select_n3A_311 = arith.select %and3A_308, %broadcast_in_dim3A_23, %get3A_310 : vector<16xi1>, vector<16xi32>
            %swap3A = arith.index_cast %mul3A_278 : i32 to index
            %swap3A_312 = tpu.vector_load %arg18[%swap3A] {strides = array<i32>} : memref<208xi32, #tpu.memory_space<vmem>>, vector<16xi32>,
            tpu.vector_store %arg18[%swap3A], %select_n3A_311 {strides = array<i32>} : memref<208xi32, #tpu.memory_space<vmem>>, vector<16xi32>,
            %while3A_313 = arith.constant 0 : i32
            scf.yield %while3A_313 : i32
          }
        } else {
        }
        %scan3A_231 = arith.constant 0 : i32
        scf.yield %scan3A_231 : i32
      }
      %scan3A_172 = arith.constant 200 : i32
      %scan3A_173 = arith.constant 0 : i32
      %scan3A_174 = arith.constant 0 : i32
      %scan3A_175 = arith.constant 65 : i32
      %scan3A_176 = arith.addi %scan3A_174, %scan3A_175 : i32
      %scan3A_177 = arith.constant 1 : i32
      %scan3A_178 = scf.for %scan3A_187 = %scan3A_174 to %scan3A_176 step %scan3A_177 iter_args(%scan3A_188 = %scan3A_173) -> (i32)  : i32 {
        %broadcast_in_dim3A_189 = arith.constant 0.000000e+00 : f32
        %broadcast_in_dim3A_190 = vector.broadcast %broadcast_in_dim3A_189 : f32 to vector<16xf32>
        %mul3A_191 = arith.constant 16 : i32
        %mul3A_192 = arith.muli %scan3A_187, %mul3A_191 : i32
        %swap3A = arith.index_cast %mul3A_192 : i32 to index
        %swap3A_193 = tpu.vector_load %arg19[%swap3A] {strides = array<i32>} : memref<1040xf32, #tpu.memory_space<vmem>>, vector<16xf32>,
        tpu.vector_store %arg19[%swap3A], %broadcast_in_dim3A_190 {strides = array<i32>} : memref<1040xf32, #tpu.memory_space<vmem>>, vector<16xf32>,
        %scan3A_194 = arith.constant 0 : i32
        scf.yield %scan3A_194 : i32
      }
      %scan3A_179 = arith.constant 65 : i32
      %scan3A_180 = arith.constant 0 : i32
      %scan3A_181 = arith.constant 0 : i32
      %scan3A_182 = arith.constant 13 : i32
      %scan3A_183 = arith.addi %scan3A_181, %scan3A_182 : i32
      %scan3A_184 = arith.constant 1 : i32
      %scan3A_185 = scf.for %scan3A_187 = %scan3A_181 to %scan3A_183 step %scan3A_184 iter_args(%scan3A_188 = %scan3A_180) -> (i32)  : i32 {
        %mul3A_189 = arith.constant 16 : i32
        %mul3A_190 = arith.muli %scan3A_187, %mul3A_189 : i32
        %get3A = arith.index_cast %mul3A_190 : i32 to index
        %get3A_191 = tpu.vector_load %arg18[%get3A] {strides = array<i32>} : memref<208xi32, #tpu.memory_space<vmem>>, vector<16xi32>,
        %gt3A = arith.cmpi sgt, %get3A_191, %broadcast_in_dim3A_23 : vector<16xi32>
        %select_n3A_192 = arith.select %gt3A, %broadcast_in_dim3A_21, %broadcast_in_dim3A_23 : vector<16xi1>, vector<16xi32>
        %broadcast_in_dim3A_193 = arith.constant true
        %broadcast_in_dim3A_194 = vector.broadcast %broadcast_in_dim3A_193 : i1 to vector<16xi1>
        %masked_cumsum3A = tpu.scan <sum>, %select_n3A_192 masked %broadcast_in_dim3A_194 : vector<16xi32>, vector<16xi1> -> vector<16xi32>
        %reduce_max3A = arith.constant true
        %reduce_max3A_195 = vector.broadcast %reduce_max3A : i1 to vector<16xi1>
        %reduce_max3A_196 = arith.constant -2147483648 : i32
        %reduce_max3A_197 = vector.broadcast %reduce_max3A_196 : i32 to vector<16xi32>
        %reduce_max3A_198 = arith.xori %masked_cumsum3A, %reduce_max3A_197 : vector<16xi32>
        %reduce_max3A_199 = tpu.scan <max>, %reduce_max3A_198 masked %reduce_max3A_195 : vector<16xi32>, vector<16xi1> -> vector<16xi32>
        %reduce_max3A_200 = arith.xori %reduce_max3A_199, %reduce_max3A_197 : vector<16xi32>
        %reduce_max3A_201 = vector.extract %reduce_max3A_200[15] : i32 from vector<16xi32>
        %gt3A_202 = arith.constant 0 : i32
        %gt3A_203 = arith.cmpi sgt, %reduce_max3A_201, %gt3A_202 : i32
        %convert_element_type3A_204 = arith.extui %gt3A_203 : i1 to i32
        %cond3A_205 = arith.constant 0 : i32
        %cond3A_206 = arith.cmpi ne, %convert_element_type3A_204, %cond3A_205 : i32
        scf.if %cond3A_206 {
          %add3A_208 = vector.broadcast %scan3A_188 : i32 to vector<16xi32>
          %add3A_209 = arith.addi %add3A_208, %masked_cumsum3A : vector<16xi32>
          %sub3A_210 = arith.constant 1 : i32
          %sub3A_211 = vector.broadcast %sub3A_210 : i32 to vector<16xi32>
          %sub3A_212 = arith.subi %add3A_209, %sub3A_211 : vector<16xi32>
          %get3A_213 = arith.index_cast %mul3A_190 : i32 to index
          %get3A_214 = tpu.vector_load %arg10[%get3A_213] {strides = array<i32>} : memref<208xf32, #tpu.memory_space<vmem>>, vector<16xf32>,
          tpu.vector_store_idx %arg19[%sub3A_212], %get3A_214 masked %gt3A : memref<1040xf32, #tpu.memory_space<vmem>>[vector<16xi32>], vector<16xf32>, vector<16xi1>
          %add3A_215 = arith.constant 208 : i32
          %add3A_216 = vector.broadcast %add3A_215 : i32 to vector<16xi32>
          %add3A_217 = arith.addi %sub3A_212, %add3A_216 : vector<16xi32>
          %get3A_218 = arith.index_cast %mul3A_190 : i32 to index
          %get3A_219 = tpu.vector_load %arg13[%get3A_218] {strides = array<i32>} : memref<208xf32, #tpu.memory_space<vmem>>, vector<16xf32>,
          tpu.vector_store_idx %arg19[%add3A_217], %get3A_219 masked %gt3A : memref<1040xf32, #tpu.memory_space<vmem>>[vector<16xi32>], vector<16xf32>, vector<16xi1>
          %add3A_220 = arith.constant 416 : i32
          %add3A_221 = vector.broadcast %add3A_220 : i32 to vector<16xi32>
          %add3A_222 = arith.addi %sub3A_212, %add3A_221 : vector<16xi32>
          %get3A_223 = arith.index_cast %mul3A_190 : i32 to index
          %get3A_224 = tpu.vector_load %arg14[%get3A_223] {strides = array<i32>} : memref<208xf32, #tpu.memory_space<vmem>>, vector<16xf32>,
          tpu.vector_store_idx %arg19[%add3A_222], %get3A_224 masked %gt3A : memref<1040xf32, #tpu.memory_space<vmem>>[vector<16xi32>], vector<16xf32>, vector<16xi1>
          %add3A_225 = arith.constant 624 : i32
          %add3A_226 = vector.broadcast %add3A_225 : i32 to vector<16xi32>
          %add3A_227 = arith.addi %sub3A_212, %add3A_226 : vector<16xi32>
          %get3A_228 = arith.index_cast %mul3A_190 : i32 to index
          %get3A_229 = tpu.vector_load %arg15[%get3A_228] {strides = array<i32>} : memref<208xf32, #tpu.memory_space<vmem>>, vector<16xf32>,
          tpu.vector_store_idx %arg19[%add3A_227], %get3A_229 masked %gt3A : memref<1040xf32, #tpu.memory_space<vmem>>[vector<16xi32>], vector<16xf32>, vector<16xi1>
          %add3A_230 = arith.constant 832 : i32
          %add3A_231 = vector.broadcast %add3A_230 : i32 to vector<16xi32>
          %add3A_232 = arith.addi %sub3A_212, %add3A_231 : vector<16xi32>
          %get3A_233 = arith.index_cast %mul3A_190 : i32 to index
          %get3A_234 = tpu.vector_load %arg16[%get3A_233] {strides = array<i32>} : memref<208xf32, #tpu.memory_space<vmem>>, vector<16xf32>,
          tpu.vector_store_idx %arg19[%add3A_232], %get3A_234 masked %gt3A : memref<1040xf32, #tpu.memory_space<vmem>>[vector<16xi32>], vector<16xf32>, vector<16xi1>
        } else {
        }
        %add3A_207 = arith.addi %scan3A_188, %reduce_max3A_201 : i32
        scf.yield %add3A_207 : i32
      }
      %scan3A_186 = arith.constant 13 : i32
      "tpu.region"() ({
        %run_scoped3A = tpu.sem_alloc : memref<!tpu.dma_semaphore, #tpu.memory_space<semaphore_mem>>
        %dma_start3A = arith.constant 0 : i32
        %dma_start3A_187 = tpu.memref_slice %arg5[%add3A_13, %dma_start3A] : memref<80x1040xf32, #tpu.memory_space<hbm>> -> memref<1x1040xf32, #tpu.memory_space<hbm>>
        %dma_start3A_188 = tpu.memref_squeeze %dma_start3A_187 : memref<1x1040xf32, #tpu.memory_space<hbm>> -> memref<1040xf32, #tpu.memory_space<hbm>>
        %dma_start3A_189 = arith.constant 0 : i32
        %dma_start3A_190 = tpu.memref_slice %arg5[%add3A_13, %dma_start3A_189] : memref<80x1040xf32, #tpu.memory_space<hbm>> -> memref<1x1040xf32, #tpu.memory_space<hbm>>
        %dma_start3A_191 = tpu.memref_squeeze %dma_start3A_190 : memref<1x1040xf32, #tpu.memory_space<hbm>> -> memref<1040xf32, #tpu.memory_space<hbm>>
        tpu.enqueue_dma source(%arg19 : memref<1040xf32, #tpu.memory_space<vmem>>) target(%dma_start3A_191 : memref<1040xf32, #tpu.memory_space<hbm>>) target_semaphore(%run_scoped3A : memref<!tpu.dma_semaphore, #tpu.memory_space<semaphore_mem>>)
        %dma_wait3A_192 = arith.constant 0 : i32
        %dma_wait3A_193 = tpu.memref_slice %arg5[%add3A_13, %dma_wait3A_192] : memref<80x1040xf32, #tpu.memory_space<hbm>> -> memref<1x1040xf32, #tpu.memory_space<hbm>>
        %dma_wait3A_194 = tpu.memref_squeeze %dma_wait3A_193 : memref<1x1040xf32, #tpu.memory_space<hbm>> -> memref<1040xf32, #tpu.memory_space<hbm>>
        %dma_wait3A_195 = arith.constant 0 : i32
        %dma_wait3A_196 = tpu.memref_slice %arg5[%add3A_13, %dma_wait3A_195] : memref<80x1040xf32, #tpu.memory_space<hbm>> -> memref<1x1040xf32, #tpu.memory_space<hbm>>
        %dma_wait3A_197 = tpu.memref_squeeze %dma_wait3A_196 : memref<1x1040xf32, #tpu.memory_space<hbm>> -> memref<1040xf32, #tpu.memory_space<hbm>>
        tpu.wait_dma2 semaphore(%run_scoped3A : memref<!tpu.dma_semaphore, #tpu.memory_space<semaphore_mem>>) src(%arg19 : memref<1040xf32, #tpu.memory_space<vmem>>) dst(%dma_wait3A_197 : memref<1040xf32, #tpu.memory_space<hbm>>)
        tpu.yield
      }) : () -> ()
    } else {
    }
    return
  }
}

</mosaic_0001>

<sc_bundles>
// kernel: _detect_sc.3.cloned.1.call-start
scs
__scs_entry_jumppad:
0x0: {  	(pc) =	sbr.rel $0x88, $3  }
0x1: {  	(tag) =	ssettag $0x0;
	lr =	simm.s32 $0x1  }
0x2: {  	[smem:$0x3F9E] =	sst lr;
	_ =	strace $0xD0000000  }
0x3: {  	_ = 	snop  }
0x4: {  	_ = 	snop  }
0x5: {  	_ = 	snop  }
0x6: {  	_ = 	snop  }
0x7: {  	_ = 	snop  }
__scs_overlays_trampoline_lowered:
0x8: {  	[smem:$0x3FAD] =	sst s0  }
0x9: {  	[smem:$0x3FAE] =	sst s1  }
0xa: {  	[smem:$0x3FAF] =	sst s2  }
0xb: {  	[smem:$0x3FB0] =	sst s3  }
0xc: {  	[smem:$0x3FB1] =	sst s4  }
0xd: {  	[smem:$0x3FB2] =	sst s5  }
0xe: {  	[smem:$0x3FB3] =	sst s6  }
0xf: {  	[smem:$0x3FB4] =	sst s7  }
0x10: {  	[smem:$0x3FB5] =	sst s8  }
0x11: {  	[smem:$0x3FB6] =	sst s9;
	s0 =	simm.s32 @!p0 $0x0  }
0x12: {  	s1 =	sld [smem:$0x3F9C];
	s0 =	simm.s32 @p0 $0x1  }
0x13: {  	[smem:$0x3FB7] =	sst s0;
	s0 =	simm.s32 @!p1 $0x0  }
0x14: {  	s2 =	sld [smem:$0x3F9B];
	s0 =	simm.s32 @p1 $0x1  }
0x15: {  	[smem:$0x3FB8] =	sst s0;
	s0 =	simm.s32 @!p2 $0x0  }
0x16: {  	s3 =	sld [smem:$0x3FDB];
	s0 =	simm.s32 @p2 $0x1  }
0x17: {  	s4 =	simm.s32 $0x1BF5;
	[smem:$0x3FBA] =	sst s0  }
0x18: {  	s0 =	sld [smem:$0x3F9D];
	_ =	swait.ge [sflag:s4], $0x0  }
0x19: {  	s7 =	sld [smem:$0x3F9E]  }
0x1a: {  	s8 =	sadd.s32 $0xFFFFE003, lr  }
0x1b: {  	s9 =	sadd.s32 $0xFFFFFEF7, lr;
	s5 =	simm.s32 $0xFFFFFFFF;
	p2 =	slt.u32 s8, $0xFFFFF086  }
0x1c: {  	p1 =	slt.u32 s9, $0xF7A;
	s5 =	simm.s32 @!p2 $0x0  }
0x1d: {  	s5 =	simm.s32 @p1 $0x1;
	p0 =	seq.s32 s7, s2  }
0x1e: {  	s7 =	smul.u32 @!p0 $0xF7A, s2;
	p2 =	seq.s32 @!p0 s5, $0x0  }
0x1f: {  	s9 =	smul.u32 $0xF7A, s1;
	s8 =	simm.s32 @!p0 $0x1BF5;
	p2 =	por !p2, p0  }
0x20: {  	[sflag:s8] =	ssyncset.s32 @!p0 $0xFFFFF086;
	s6 =	sadd.s32 @!p0 s3, s7;
	s7 =	simm.s32 @!p0 $0x108  }
0x21: {  	s3 =	sadd.s32 s3, s9;
	s6 =	sadd.s32 @!p0 $0x88, s6;
	s7 =	simm.s32 @p2 $0x1082  }
0x22: {  	[simem:s7], [sflag:s8] =	dma.local @!p0 [hbm:s6], $0xF7A  }
0x23: {  	s9 =	sor.u32 $0xD0000000, s2;
	s6 =	simm.s32 $0x108;
	_ =	swait.ge @!p0 [sflag:s8], $0x0  }
0x24: {  	s3 =	sadd.s32 $0x88, s3;
	s6 =	simm.s32 @!p1 $0x1082;
	[sflag:s4] =	ssyncset.s32 $0xFFFFF086  }
0x25: {  	[simem:s6], [sflag:s4] =	dma.local [hbm:s3], $0xF7A  }
0x26: {  	[smem:$0x3F9E] =	sst s1;
	(tag) =	ssettag s2;
	_ =	strace s9  }
0x27: {  	s1 =	sld [smem:$0x3FAE]  }
0x28: {  	s2 =	sld [smem:$0x3FAF]  }
0x29: {  	s4 =	sld [smem:$0x3FB1]  }
0x2a: {  	p0 =	seq.s32 s5, $0x0;
	s5 =	sld [smem:$0x3FB2]  }
0x2b: {  	s6 =	sld [smem:$0x3FB3]  }
0x2c: {  	s7 =	sld [smem:$0x3FB4]  }
0x2d: {  	s3 =	simm.s32 $0x108;
	s8 =	sld [smem:$0x3FB5]  }
0x2e: {  	s3 =	simm.s32 @!p0 $0x1082;
	s9 =	sld [smem:$0x3FB6]  }
0x2f: {  	lr =	sadd.s32 s0, s3;
	s0 =	sld [smem:$0x3FAD]  }
0x30: {  	s3 =	sld [smem:$0x3FB0]  }
0x31: {  	[smem:$0x3FB9] =	sst s10  }
0x32: {  	s10 =	sld [smem:$0x3FB7];
	_ =	sdelay $0x3  }
0x33: {  	p0 =	seq.s32 s10, $0x1;
	s10 =	sld [smem:$0x3FB9];
	_ =	sdelay $0x3  }
0x34: {  	[smem:$0x3FB9] =	sst s10  }
0x35: {  	s10 =	sld [smem:$0x3FB8];
	_ =	sdelay $0x3  }
0x36: {  	p1 =	seq.s32 s10, $0x1;
	s10 =	sld [smem:$0x3FB9];
	_ =	sdelay $0x3  }
0x37: {  	[smem:$0x3FB9] =	sst s10  }
0x38: {  	s10 =	sld [smem:$0x3FBA]  }
0x39: {  	_ = 	snop;
	(pc) =	sbr.ind lr, $3  }
0x3a: {  	_ = 	snop  }
0x3b: {  	_ = 	snop  }
0x3c: {  	p2 =	seq.s32 s10, $0x1;
	s10 =	sld [smem:$0x3FB9]  }
0x3d: {  	_ =	shalt  }
0x3e: {  	_ =	shalt  }
0x3f: {  	_ =	shalt  }
0x40: {  	_ =	shalt  }
0x41: {  	_ =	shalt  }
0x42: {  	_ =	shalt  }
0x43: {  	_ =	shalt  }
0x44: {  	_ =	shalt  }
0x45: {  	_ =	shalt  }
0x46: {  	_ =	shalt  }
0x47: {  	_ =	shalt  }
0x48: {  	_ =	shalt  }
0x49: {  	_ =	shalt  }
0x4a: {  	_ =	shalt  }
0x4b: {  	_ =	shalt  }
0x4c: {  	_ =	shalt  }
0x4d: {  	_ =	shalt  }
0x4e: {  	_ =	shalt  }
0x4f: {  	_ =	shalt  }
0x50: {  	_ =	shalt  }
0x51: {  	_ =	shalt  }
0x52: {  	_ =	shalt  }
0x53: {  	_ =	shalt  }
0x54: {  	_ =	shalt  }
0x55: {  	_ =	shalt  }
0x56: {  	_ =	shalt  }
0x57: {  	_ =	shalt  }
0x58: {  	_ =	shalt  }
0x59: {  	_ =	shalt  }
0x5a: {  	_ =	shalt  }
0x5b: {  	_ =	shalt  }
0x5c: {  	_ =	shalt  }
0x5d: {  	_ =	shalt  }
0x5e: {  	_ =	shalt  }
0x5f: {  	_ =	shalt  }
0x60: {  	_ =	shalt  }
0x61: {  	_ =	shalt  }
0x62: {  	_ =	shalt  }
0x63: {  	_ =	shalt  }
0x64: {  	_ =	shalt  }
0x65: {  	_ =	shalt  }
0x66: {  	_ =	shalt  }
0x67: {  	_ =	shalt  }
0x68: {  	_ =	shalt  }
0x69: {  	_ =	shalt  }
0x6a: {  	_ =	shalt  }
0x6b: {  	_ =	shalt  }
0x6c: {  	_ =	shalt  }
0x6d: {  	_ =	shalt  }
0x6e: {  	_ =	shalt  }
0x6f: {  	_ =	shalt  }
0x70: {  	_ =	shalt  }
0x71: {  	_ =	shalt  }
0x72: {  	_ =	shalt  }
0x73: {  	_ =	shalt  }
0x74: {  	_ =	shalt  }
0x75: {  	_ =	shalt  }
0x76: {  	_ =	shalt  }
0x77: {  	_ =	shalt  }
0x78: {  	_ =	shalt  }
0x79: {  	_ =	shalt  }
0x7a: {  	_ =	shalt  }
0x7b: {  	_ =	shalt  }
0x7c: {  	_ =	shalt  }
0x7d: {  	_ =	shalt  }
0x7e: {  	_ =	shalt  }
0x7f: {  	_ =	shalt  }
0x80: {  	_ =	shalt  }
0x81: {  	_ =	shalt  }
0x82: {  	_ =	shalt  }
0x83: {  	_ =	shalt  }
0x84: {  	_ =	shalt  }
0x85: {  	_ =	shalt  }
0x86: {  	_ =	shalt  }
0x87: {  	_ =	shalt  }
.Lfunc_end0:
.L_simem_size_0:
called_computation_lowered:
.L_overlay_start_0:
0x88: {  	s2 =	sld [smem:$0x3FD9]  }
0x89: {  	s3 =	sld [smem:$0x3FFE];
	_ =	sdelay $0x1  }
0x8a: {  	s1 =	srdreg.scid  }
0x8b: {  	s0 =	sand.u32 $0x1, s1  }
0x8c: {  	s16 =	sshll.u32 s0, $0xA;
	s2 =	sadd.s32 s3, s2  }
0x8d: {  	s2 =	sadd.s32 s2, s16  }
0x8e: {  	[smem:$0x3FC5] =	sst s2  }
0x8f: {  	_ = 	snop  }
0x90: {  	(tm) =	ssettm $0x1  }
0x91: {  	s17 =	sld [smem:$0x3FFB];
	_ =	sdelay $0x3  }
0x92: {  	_ =	strace s17  }
0x93: {  	s2 =	sld [smem:$0x3FFC];
	_ =	sdelay $0x3  }
0x94: {  	_ =	strace s2  }
0x95: {  	s2 =	sld [smem:$0x3FFD];
	_ =	sdelay $0x3  }
0x96: {  	_ =	strace s2  }
0x97: {  	_ =	strace $0x8FFFFFFF  }
0x98: {  	s18 =	sld [smem:$0x3FDB];
	_ =	sdelay $0x1  }
0x99: {  	s19 =	simm.s32 $_scs_section_size  }
0x9a: {  	s4 =	simm.s32 $_size__tile_overlayer_lowered;
	s5 =	simm.s32 $_tile_overlayer_lowered  }
0x9b: {  	s22 =	simm.s32 $0x1BFF;
	s21 =	sshll.u32 s5, $0x1;
	s2 =	sadd.s32 s19, s18  }
0x9c: {  	s6 =	simm.s32 $0x0;
	s20 =	sshll.u32 s4, $0x1;
	s4 =	sadd.s32 s21, s2  }
0x9d: {  	[timem:s6], [sflag:s22] =	dma.local [hbm:s4], s20  }
0x9e: {  	_ =	swait.ge [sflag:s22], s20  }
0x9f: {  	s3 =	ssub.s32 $0x0, s20;
	[sflag:s22] =	ssyncset.done $0x0  }
0xa0: {  	[sflag:s22] =	ssyncadd.s32 s3;
	_ =	sdelay $0x1  }
0xa1: {  	s23 =	simm.s32 $0x1B8B  }
0xa2: {  	_ =	swait.ge [sflag:s23], $0x1  }
0xa3: {  	[sflag:s23] =	ssyncset.done $0x0  }
0xa4: {  	s25 =	simm.s32 $0x1B8E;
	s24 =	sld [smem:$0x3FFE];
	[sflag:s23] =	ssyncadd.s32 $0xFFFFFFFF  }
0xa5: {  	s26 =	simm.s32 $execute0_lowered;
	[smem:$0x3FD2] =	sst s25  }
0xa6: {  	s4 =	sshll.u32 s26, $0x1;
	_ =	strace $0x80000046;
	[dreg:$0x1] =	wrdreg $0xFFFFFFFF  }
0xa7: {  	s28 =	simm.s32 $_size_execute0_lowered;
	s2 =	sadd.s32 s2, s4;
	[dreg:$0x0] =	wrdreg $0x0  }
0xa8: {  	s4 =	sshll.u32 s28, $0x1;
	[dreg:$0x2] =	wrdreg s2  }
0xa9: {  	[dreg:$0x3] =	wrdreg s4  }
0xaa: {  	[dreg:$0x4] =	wrdreg $0xC0  }
0xab: {  	_ =	task [dreg:s6], $0x5FFFF  }
0xac: {  	[dreg:$0x1] =	wrdreg $0xFFFFFFFF  }
0xad: {  	[dreg:$0x0] =	wrdreg $0x60  }
0xae: {  	[dreg:$0x2] =	wrdreg s24  }
0xaf: {  	[dreg:$0x3] =	wrdreg $0x9  }
0xb0: {  	_ =	task.clear_ibuf [dreg:s6], $0x4FFFF;
	_ =	strace $0x90000046  }
0xb1: {  	s29 =	simm.s32 $0x9;
	_ =	strace $0x80000048  }
0xb2: {  	_ =	swait.ge [sflag:s29], $0x1  }
0xb3: {  	[sflag:s29] =	ssyncadd.s32 $0xFFFFFFFF  }
0xb4: {  	_ =	strace $0x90000048  }
0xb5: {  	_ =	sfence  }
0xb6: {  	s30 =	sld [smem:$0x0];
	_ =	sdelay $0x2  }
0xb7: {  	s31 =	sshll.u32 s1, $0xD;
	s1 =	sshrl.u32 s1, $0x2  }
0xb8: {  	s3 =	sand.u32 $0x4000, s31;
	s1 =	sadd.s32 s1, s30  }
0xb9: {  	s0 =	sor.u32 s3, s0;
	s1 =	sshll.u32 s1, $0x11  }
0xba: {  	s0 =	sor.u32 s1, s0  }
0xbb: {  	s0 =	sadd.s32 $0x8F2B, s0  }
0xbc: {  	[sflag:s0] =	ssyncadd.remote.s32 $0x1  }
0xbd: {  	_ =	sfence.sel $0xFFFF  }
0xbe: {  	[dreg:$0x0] =	wrdreg $0xFFFFFFFF;
	(pc) =	sbr.abs _section_cstart, $3  }
0xbf: {  	[dreg:$0x1] =	wrdreg $0xFFFFFFFF  }
0xc0: {  	_ =	task.clear_ibuf [dreg:s6], $0x2FFFF;
	_ =	strace $0x9FFFFFFF  }
0xc1: {  	(tm) =	ssettm $0x7FFFFFFF  }
tec
execute0_lowered:
.L_overlay_start_1:
0x0: {  	(tag) =	ssettag $0x1  }
0x1: {  	s0 =	rddreg [dreg:$0x0];
	s2 =	simm.s32 $0x0;
	s1 =	srdreg.scid  }
0x2: {  	s14 =	stileid.u32;
	s15 =	simm.s32 $0x2;
	s16 =	simm.s32 $0x9C60  }
0x3: {  	s17 =	simm.s32 $0x1;
	s18 =	simm.s32 $0xEFA8;
	s19 =	simm.s32 $0xEAA0  }
0x4: {  	s20 =	simm.s32 $0xF6F8;
	s21 =	simm.s32 $0xF078;
	s22 =	simm.s32 $0xFD78  }
0x5: {  	s23 =	simm.s32 $0xFE48;
	s24 =	simm.s32 $0xFF18;
	s25 =	simm.s32 $0xFFE8  }
0x6: {  	s28 =	simm.s32 $0x0;
	s1 =	sand.u32 $0x1, s1;
	s3 =	sshll.u32 s14, $0x1  }
0x7: {  	[smem:$0x7FF] =	sst s2;
	s5 =	sadd.s32 $0x19800, s0;
	s6 =	sor.u32 s1, s3  }
0x8: {  	s4 =	sadd.s32 $0x14800, s0;
	p0 =	sgt.u32 s14, $0x9;
	s7 =	smul.u32 $0x9C4, s6  }
0x9: {  	_ =	strace $0x80000047;
	s8 =	smul.u32 $0x82, s6;
	s9 =	sor.u32 $0x20, s6  }
0xa: {  	v0 =	vimm.f32 $2.000000000e+00;
	s3 =	sadd.s32 $0xE00, s0;
	s1 =	ssub.s32 $0x2, s1;
	s11 =	smul.u32 $0xD, s9  }
0xb: {  	s0 =	sadd.s32 $0x4A600, s0;
	s10 =	sshrl.u32 s1, $0x1;
	(erf) = vrcp.f32 v0;
	s26 =	smul.u32 $0x9C4, s9  }
0xc: {  	s12 =	sor.u32 $0x40, s6;
	s6 =	simm.s32 $0x4E20;
	s9 =	smul.u32 $0x82, s9  }
0xd: {  	s1 =	ssub.s32 s1, s10;
	s13 =	smul.u32 $0x9C4, s12;
	s7 =	sadd.s32 s5, s7  }
0xe: {  	s12 =	smul.u32 $0x82, s12;
	s8 =	sadd.s32 s0, s8;
	[dreg:$0x2] =	wrdreg s7  }
0xf: {  	s31 =	smax.u32 s1, $0x1;
	s7 =	simm.s32 $0x4E20;
	[dreg:$0x3] =	wrdreg s8  }
.Ltmp0:
0x10: {  	s29 =	sadd.s32 s5, s26;
	[dreg:$0x8] =	wrdreg s31;
	(pc) =	sbr.rel .LBB2_1-.Ltmp0, $4  }
0x11: {  	s11 =	sshrl.u32 s11, $0x8;
	s30 =	sadd.s32 s0, s9;
	[dreg:$0x4] =	wrdreg s29  }
0x12: {  	v1 =	vimm.f32 $-Inf;
	s5 =	sadd.s32 s5, s13;
	s0 =	sadd.s32 s0, s12;
	[dreg:$0x5] =	wrdreg s30  }
0x13: {  	v2 =	vimm.s32 $0x0;
	v7 =	vimm.f32 $0.0e+00;
	v0 =	vlaneseq.u32;
	s26 =	simm.s32 $0x10258;
	s7 =	simm.s32 @!p0 $0x0;
	[dreg:$0x6] =	wrdreg s5  }
0x14: {  	v3 =	vor.u32 $0xC0, v0;
	v5 =	vor.u32 $0x80000000, v0;
	v6 =	vmul.u32 $0x8, v0;
	s10 =	smul.u32 $0x4E20, s11;
	[dreg:$0x7] =	wrdreg s0;
	p0 =	sgt.u32 s14, $0x7;
	v4 =	vpop (erf)  }
.LBB2_84:
0x15: {  	s28 =	sadd.s32 $0x1, s28;
	s0 =	rddreg [dreg:$0x8]  }
0x16: {  	p1 =	sne.s32 s28, s0  }
.Ltmp1:
0x17: {  	_ = 	snop;
	(pc) =	sbr.rel @!p1 .LBB2_85-.Ltmp1, $1  }
0x18: {  	_ =	sdelay $0x3  }
.LBB2_1:
0x19: {  	s0 =	rddreg [dreg:$0x2]  }
0x1a: {  	[tilespmem:s2], [sflag:$0x2] =	stream.linear.gather [hbm4b:s0+s2], $0x4E20, $0x38;
	[tilespmem:$0x10668] =	vst v63  }
0x1b: {  	_ =	swait.ge [sflag:s15], $0x4E20  }
0x1c: {  	[sflag:s15] =	ssyncset.done $0x0  }
0x1d: {  	[sflag:s15] =	ssyncadd.s32 $0xFFFFB1E0  }
0x1e: {  	v10 =	vld [tilespmem:s2+$0x0];
	_ =	sdelay $0x4  }
0x1f: {  	vm0 =	vgt.f32 v10, $9.900000090e-01  }
0x20: {  	v8 =	vmpcnt.ones.xlane vm0;
	_ =	sdelay $0x1  }
0x21: {  	(v2sf) =	vpush v8, $0x0;
	_ =	sdelay $0xe  }
0x22: {  	s31 =	spop (v2sf)  }
0x23: {  	p1 =	slt.s32 s31, $0x1  }
0x24: {  	vm0 =	vgt.f32 @!p1 v10, $9.900000090e-01;
	v8 =	vimm.s32 @!p1 $0x0  }
0x25: {  	v8 =	vsel @!p1 vm0, $0x1, v8  }
0x26: {  	(xrf0) =	vadd.scan.msk.s32 @!p1 $0xffff, v8;
	_ =	sdelay $0x2  }
0x27: {  	v8 =	vmov @!p1 s2  }
0x28: {  	v8 =	vadd.s32 @!p1 $0xFFFFFFFF, v8  }
0x29: {  	v8 =	vbroadcast @!p1 v8, $0x0  }
0x2a: {  	v9, _, _ =	vpop @!p1 (xrf0)  }
0x2b: {  	v9 =	vadd.s32 @!p1 v9, v8;
	_ =	sdelay $0x3  }
0x2c: {  	s1 =	simm.s32 $0x10;
	s5 =	simm.s32 @!p1 $0x4E20;
	v8 =	vlaneseq.u32 @!p1  }
0x2d: {  	s0 =	sadd.s32 $0x0, s31;
	s8 =	simm.s32 @!p1 $0x9C60;
	v8 =	vor.u32 @!p1 s2, v8;
	[tilespmem:v9+s5+$0x0] =	vst.idx.msk @!p1 vm0, v10;
	s5 =	simm.s32 $0x0  }
.LBB2_2:
0x2e: {  	[tilespmem:v9+s8+$0x0] =	vst.idx.msk @!p1 vm0, v8;
	s5 =	sadd.s32 $0x10, s5;
	s8 =	smov.u32 s1;
	s1 =	sadd.s32 $0x10, s1  }
0x2f: {  	s9 =	smov.u32 s0;
	v10 =	vld [tilespmem:s5+$0x0];
	p2 =	sne.s32 s1, $0x4E20;
	_ =	sdelay $0x4  }
0x30: {  	vm0 =	vgt.f32 v10, $9.900000090e-01  }
0x31: {  	v8 =	vmpcnt.ones.xlane vm0;
	_ =	sdelay $0x1  }
0x32: {  	(v2sf) =	vpush v8, $0x0;
	_ =	sdelay $0xe  }
0x33: {  	s11 =	spop (v2sf)  }
0x34: {  	p1 =	slt.s32 s11, $0x1;
	s0 =	sadd.s32 s0, s11  }
0x35: {  	vm0 =	vgt.f32 @!p1 v10, $9.900000090e-01;
	v8 =	vimm.s32 @!p1 $0x0;
	v9 =	vmov @!p1 s9  }
0x36: {  	v11 =	vsel @!p1 vm0, $0x1, v8;
	v8 =	vadd.s32 @!p1 $0xFFFFFFFF, v9;
	v9 =	vlaneseq.u32 @!p1  }
0x37: {  	v12 =	vbroadcast @!p1 v8, $0x0;
	v8 =	vor.u32 @!p1 s8, v9;
	(xrf0) =	vadd.scan.msk.s32 @!p1 $0xffff, v11;
	_ =	sdelay $0x5  }
0x38: {  	v9, _, _ =	vpop @!p1 (xrf0)  }
0x39: {  	v9 =	vadd.s32 @!p1 v9, v12  }
.Ltmp2:
0x3a: {  	(pc) =	sbr.rel @p2 .LBB2_2-.Ltmp2, $3  }
0x3b: {  	_ =	sdelay $0x1  }
0x3c: {  	s8 =	simm.s32 @!p1 $0x4E20  }
0x3d: {  	[tilespmem:v9+s8+$0x0] =	vst.idx.msk @!p1 vm0, v10;
	s8 =	simm.s32 @!p1 $0x9C60  }
0x3e: {  	s1 =	sand.u32 $0xF, s0  }
0x3f: {  	s30 =	sshra.s32 s0, $0x1F;
	p3 =	slt.s32 s0, $0x1;
	p2 =	sne.s32 s1, $0x0  }
0x40: {  	s1 =	sshrl.u32 s30, $0x1C;
	p2 =	por !p3, !p2  }
0x41: {  	s31 =	sadd.s32 s1, s0;
	s1 =	simm.s32 $0x1;
	p2 =	por !p2, !p2  }
0x42: {  	v10 =	vadd.s32 s0, v0;
	s5 =	sshra.s32 s31, $0x4;
	s1 =	simm.s32 @!p2 $0x0  }
0x43: {  	s0 =	ssub.s32 s5, s1  }
0x44: {  	[tilespmem:v9+s8+$0x0] =	vst.idx.msk @!p1 vm0, v8;
	p1 =	slt.s32 s0, $0x0  }
.Ltmp3:
0x45: {  	_ = 	snop;
	(pc) =	sbr.rel @p1 .LBB2_7-.Ltmp3, $4  }
0x46: {  	_ = 	snop  }
0x47: {  	[tilespmem:v10+s6+$0x0] =	vst.idx.msk $0xffff, v1  }
0x48: {  	[tilespmem:v10+s16+$0x0] =	vst.idx.msk $0xffff, v2  }
0x49: {  	[tilespmem:v3+s18+$0x0] =	vst.idx.msk $0xffff, v1  }
0x4a: {  	s1 =	simm.s32 $0x4E20  }
0x4b: {  	v8 =	vld [tilespmem:s1+$0x0];
	_ =	sdelay $0x2  }
0x4c: {  	s8 =	simm.s32 $0xFFFFFFFF  }
0x4d: {  	s8 =	simm.s32 @!p2 $0x0  }
0x4e: {  	s5 =	sadd.s32 s8, s5;
	(xrf0) =	vmax.scan.msk.f32 $0xffff, v8  }
0x4f: {  	s5 =	sadd.s32 $0x1, s5  }
0x50: {  	p1 =	sne.s32 s5, $0x1  }
.Ltmp4:
0x51: {  	s9 =	simm.s32 $0x0;
	(pc) =	sbr.rel @!p1 .LBB2_6-.Ltmp4, $3  }
0x52: {  	v8 =	vmov s9;
	_ =	sdelay $0x1  }
0x53: {  	v9, _, _ =	vpop (xrf0)  }
0x54: {  	s8 =	simm.s32 $0x1;
	v9 =	vbroadcast v9, $0xF  }
.LBB2_5:
0x55: {  	_ = 	snop  }
0x56: {  	s1 =	sadd.s32 $0x10, s1;
	s9 =	smov.u32 s8;
	s8 =	sadd.s32 $0x1, s8;
	[tilespmem:v8+s19+$0x0] =	vst.idx.msk $0x1, v9  }
0x57: {  	p1 =	sne.s32 s5, s8;
	v8 =	vld [tilespmem:s1+$0x0];
	_ =	sdelay $0x4  }
0x58: {  	(xrf0) =	vmax.scan.msk.f32 $0xffff, v8;
	_ =	sdelay $0x2  }
.Ltmp5:
0x59: {  	(pc) =	sbr.rel @p1 .LBB2_5-.Ltmp5, $3  }
0x5a: {  	v8 =	vmov s9;
	_ =	sdelay $0x1  }
0x5b: {  	v9, _, _ =	vpop (xrf0)  }
0x5c: {  	v9 =	vbroadcast v9, $0xF  }
.LBB2_6:
0x5d: {  	_ =	sdelay $0x3  }
0x5e: {  	[tilespmem:v8+s19+$0x0] =	vst.idx.msk $0x1, v9  }
.LBB2_7:
0x5f: {  	s1 =	sadd.s32 $0x1, s0;
	s5 =	sadd.s32 $0x10, s0;
	s8 =	sand.u32 $0xF, s0  }
0x60: {  	p1 =	slt.s32 s0, $0xFFFFFFF1;
	v8 =	vadd.s32 s1, v0;
	s31 =	sshra.s32 s5, $0x1F;
	p2 =	sne.s32 s8, $0x0  }
.Ltmp6:
0x61: {  	s0 =	sshrl.u32 s31, $0x1C;
	p1 =	por !p1, !p2;
	(pc) =	sbr.rel .LBB2_8-.Ltmp6, $4  }
0x62: {  	s1 =	simm.s32 $0x1;
	s0 =	sadd.s32 s0, s5;
	p1 =	por !p1, !p1  }
0x63: {  	s0 =	sshra.s32 s0, $0x4;
	s1 =	simm.s32 @!p1 $0x0  }
0x64: {  	s0 =	ssub.s32 s0, s1  }
0x65: {  	s1 =	simm.s32 $0x0;
	[tilespmem:v8+s19+$0x0] =	vst.idx.msk $0xffff, v1;
	p1 =	slt.s32 s0, $0x1  }
.LBB2_9:
0x66: {  	v9 =	vmov v5  }
.LBB2_16:
0x67: {  	(xrf0) =	vmax.scan.msk.f32 $0xffff, v8;
	_ =	sdelay $0x5  }
0x68: {  	v10, _, _ =	vpop (xrf0)  }
0x69: {  	v10 =	vbroadcast v10, $0xF;
	_ =	sdelay $0x1  }
0x6a: {  	vm0 =	veq.f32 v8, v10  }
0x6b: {  	v8 =	vnsel vm0, $0xC0000000, v9  }
0x6c: {  	(xrf0) =	vmin.scan.msk.u32 $0xffff, v8;
	_ =	sdelay $0x5  }
0x6d: {  	v8, _, _ =	vpop (xrf0)  }
0x6e: {  	(v2sf) =	vpush v8, $0xF;
	_ =	sdelay $0xe  }
0x6f: {  	s5 =	spop (v2sf)  }
0x70: {  	s8 =	sshll.u32 s5, $0x4  }
0x71: {  	v8 =	vld [tilespmem:s8+$0x4E20];
	_ =	sdelay $0x4  }
0x72: {  	vm14 =	veq.f32 v8, v10  }
0x73: {  	v59 =	vnsel vm14, $0xC0000000, v5  }
0x74: {  	(xrf0) =	vmin.scan.msk.u32 $0xffff, v59;
	_ =	sdelay $0x5  }
0x75: {  	v9, _, _ =	vpop (xrf0)  }
0x76: {  	(v2sf) =	vpush v9, $0xF;
	_ =	sdelay $0xe  }
0x77: {  	s9 =	spop (v2sf)  }
0x78: {  	s9 =	sxor.u32 $0x80000000, s9  }
0x79: {  	s8 =	sadd.s32 s8, s9  }
0x7a: {  	v60 =	vmov s8;
	_ =	sdelay $0x4  }
0x7b: {  	v11 =	vld.idx.msk [tilespmem:v60+s16+$0x0], $0xffff;
	_ =	sdelay $0x1  }
0x7c: {  	v12 =	vmov s9  }
0x7d: {  	vm15 =	veq.s32 v12, v0  }
0x7e: {  	v8 =	vsel vm15, $0xFF800000, v8  }
0x7f: {  	(xrf0) =	vmax.scan.msk.f32 $0xffff, v8;
	v8 =	vxor.u32 $0x80000000, v11  }
0x80: {  	(xrf0) =	vmax.scan.msk.u32 $0xffff, v8;
	_ =	sdelay $0x4  }
0x81: {  	v8, _, _ =	vpop (xrf0)  }
0x82: {  	v61, _, _ =	vpop (xrf0)  }
0x83: {  	(v2sf) =	vpush v61, $0xF;
	_ =	sdelay $0x9  }
0x84: {  	s5 =	sxor.u32 $0x80000000, s5  }
0x85: {  	v62 =	vmov s5  }
0x86: {  	v63 =	vmov s1;
	_ =	sdelay $0x1  }
0x87: {  	s30 =	sshll.u32 s1, $0x3;
	s1 =	sadd.s32 $0x1, s1;
	v8 =	vbroadcast v8, $0xF  }
0x88: {  	p2 =	sne.s32 s1, $0xC8;
	[tilespmem:v60+s6+$0x0] =	vst.idx.msk $0x1, v1;
	s14 =	spop (v2sf)  }
.Ltmp7:
0x89: {  	[tilespmem:v62+s19+$0x0] =	vst.idx.msk $0x1, v8;
	s29 =	sand.u32 $0x1FFFFFFF, s14;
	s5 =	sadd.s32 s7, s14;
	(pc) =	sbr.rel @!p2 .LBB2_17-.Ltmp7, $4  }
0x8a: {  	s11 =	sadd.s32 $0xF6F8, s30;
	[tilespmem:v63+s18+$0x0] =	vst.idx.msk $0x1, v10;
	s8 =	sadd.s32 s4, s29;
	s5 =	sand.u32 $0x1FFFFFFF, s5  }
0x8b: {  	[tilespmem:s11], [sflag:$0x1] =	stream.linear.gather [hbm4b:s8+s2], $0x8, $0x38;
	[tilespmem:$0x10668] =	vst v63  }
0x8c: {  	s31 =	sadd.s32 $0xF078, s30;
	s5 =	sadd.s32 s3, s5  }
0x8d: {  	[tilespmem:s31], [sflag:$0x1] =	stream.linear.gather [hbm4b:s5+s2], $0x8, $0x38;
	[tilespmem:$0x10668] =	vst v63  }
.LBB2_8:
.Ltmp8:
0x8e: {  	(pc) =	sbr.rel @p1 .LBB2_9-.Ltmp8, $2  }
0x8f: {  	_ =	sdelay $0x2  }
0x90: {  	v8 =	vimm.f32 $-Inf  }
0x91: {  	p3 =	sne.s32 s0, $0x1  }
.Ltmp9:
0x92: {  	_ = 	snop;
	(pc) =	sbr.rel @!p3 .LBB2_11-.Ltmp9, $2  }
0x93: {  	_ =	sdelay $0x2  }
0x94: {  	v9 =	vimm.s32 $0x0;
	s8 =	simm.s32 $0xEAA0;
	s5 =	simm.s32 $0x1;
	p2 =	por $0x0, $0x0  }
0x95: {  	v10 =	vld [tilespmem:s8+$0x0];
	p3 =	sne.s32 s0, $0x2  }
.Ltmp10:
0x96: {  	_ = 	snop;
	(pc) =	sbr.rel @!p3 .LBB2_13-.Ltmp10, $3  }
0x97: {  	_ =	sdelay $0x1  }
0x98: {  	s11 =	simm.s32 $0x2  }
0x99: {  	s8 =	simm.s32 $0xEAB0;
	p2 =	por $0x1, $0x1;
	v11 =	vimm.f32 $-Inf;
	s9 =	simm.s32 $0x0;
	v12 =	vimm.s32 $0x0;
	vm0 =	vgt.f32 v10, v8  }
.LBB2_14:
0x9a: {  	v12 =	vsel vm0, s9, v12;
	s9 =	smov.u32 s5;
	s5 =	smov.u32 s11;
	s11 =	sadd.s32 $0x1, s11  }
0x9b: {  	v11 =	vsel vm0, v10, v11;
	v10 =	vld [tilespmem:s8+$0x0];
	p3 =	sne.s32 s0, s11  }
.Ltmp11:
0x9c: {  	(pc) =	sbr.rel @p3 .LBB2_14-.Ltmp11, $2  }
0x9d: {  	_ =	sdelay $0x2  }
0x9e: {  	s8 =	sadd.s32 $0x10, s8;
	vm0 =	vgt.f32 v10, v11  }
.LBB2_15:
0x9f: {  	v13 =	vld [tilespmem:s8+$0x0];
	_ =	sdelay $0x2  }
0xa0: {  	v10 =	vsel @p2 vm0, v10, v11  }
.Ltmp12:
0xa1: {  	v11 =	vsel @p2 vm0, s9, v12;
	v8 =	vpsel p2, v10, v8;
	(pc) =	sbr.rel .LBB2_16-.Ltmp12, $4  }
0xa2: {  	v9 =	vpsel p2, v11, v9;
	vm15 =	vgt.f32 v13, v8  }
0xa3: {  	v9 =	vsel vm15, s5, v9  }
0xa4: {  	v9 =	vshll.u32 v9, $0x4  }
0xa5: {  	v8 =	vsel vm15, v13, v8;
	v9 =	vxor.u32 v5, v9  }
.LBB2_11:
.Ltmp13:
0xa6: {  	(pc) =	sbr.rel .LBB2_15-.Ltmp13, $2  }
0xa7: {  	_ =	sdelay $0x2  }
0xa8: {  	v11 =	vimm.f32 $-Inf;
	v12 =	vimm.s32 $0x0;
	s5 =	simm.s32 $0x0  }
.LBB2_13:
.Ltmp14:
0xa9: {  	(pc) =	sbr.rel .LBB2_15-.Ltmp14, $2  }
0xaa: {  	_ =	sdelay $0x2  }
0xab: {  	v11 =	vimm.f32 $-Inf;
	s9 =	simm.s32 $0x0;
	v12 =	vimm.s32 $0x0  }
.LBB2_17:
0xac: {  	s29 =	simm.s32 $0x0  }
0xad: {  	v8 =	vmov s29  }
0xae: {  	v8 =	vshll.u32 v8, $0x3  }
0xaf: {  	_ =	swait.ge [sflag:s17], $0x640;
	v8 =	vor.u32 v6, v8  }
0xb0: {  	[sflag:s17] =	ssyncset.done $0x0;
	v9 =	vor.u32 $0x2, v8  }
0xb1: {  	[sflag:s17] =	ssyncadd.s32 $0xFFFFF9C0;
	v10 =	vor.u32 $0x3, v8  }
0xb2: {  	_ =	swait.ge [sflag:s17], $0x640  }
0xb3: {  	[sflag:s17] =	ssyncset.done $0x0  }
0xb4: {  	[sflag:s17] =	ssyncadd.s32 $0xFFFFF9C0  }
0xb5: {  	v11 =	vld.idx.msk [tilespmem:v9+s21+$0x0], $0xffff  }
0xb6: {  	v12 =	vld.idx.msk [tilespmem:v10+s21+$0x0], $0xffff;
	_ =	sdelay $0x3  }
0xb7: {  	v11 =	vmul.f32 $2.000000030e-01, v11  }
0xb8: {  	v12 =	vmul.f32 $2.000000030e-01, v12  }
0xb9: {  	v11 =	vmul.f32 $1.442695020e+00, v11  }
0xba: {  	v13 =	vor.u32 $0x1, v8;
	v12 =	vmul.f32 $1.442695020e+00, v12  }
0xbb: {  	(erf) = vpow2.f32 v11  }
0xbc: {  	(erf) = vpow2.f32 v12;
	_ =	sdelay $0x1  }
0xbd: {  	v11 =	vld.idx.msk [tilespmem:v8+s21+$0x0], $0xffff  }
0xbe: {  	v59 =	vld.idx.msk [tilespmem:v13+s21+$0x0], $0xffff  }
0xbf: {  	v9 =	vld.idx.msk [tilespmem:v9+s20+$0x0], $0xffff  }
0xc0: {  	v10 =	vld.idx.msk [tilespmem:v10+s20+$0x0], $0xffff  }
0xc1: {  	v8 =	vld.idx.msk [tilespmem:v8+s20+$0x0], $0xffff  }
0xc2: {  	v13 =	vld.idx.msk [tilespmem:v13+s20+$0x0], $0xffff;
	v11 =	vmul.f32 $1.000000010e-01, v11  }
0xc3: {  	v12 =	vmul.f32 $1.000000010e-01, v59;
	v14 =	vpop (erf)  }
0xc4: {  	v11 =	vmul.f32 v11, v9;
	v9 =	vmul.f32 v14, v9;
	v60 =	vpop (erf)  }
0xc5: {  	v12 =	vmul.f32 v12, v10;
	v10 =	vmul.f32 v60, v10  }
0xc6: {  	v8 =	vadd.f32 v11, v8;
	v9 =	vmul.f32 v9, v4  }
0xc7: {  	v11 =	vadd.f32 v12, v13;
	v10 =	vmul.f32 v10, v4  }
0xc8: {  	v61 =	vsub.f32 v8, v9;
	v8 =	vadd.f32 v9, v8  }
0xc9: {  	v9 =	vsub.f32 v11, v10;
	v10 =	vadd.f32 v10, v11  }
0xca: {  	s30 =	simm.s32 $0xFD78  }
0xcb: {  	s31 =	simm.s32 $0xFE48;
	[tilespmem:s30+$0x0] =	vst v61;
	v11 =	vsub.f32 v8, v61;
	v62 =	vsub.f32 v10, v9  }
0xcc: {  	s0 =	simm.s32 $0xFF18;
	[tilespmem:s31+$0x0] =	vst v9  }
0xcd: {  	s1 =	simm.s32 $0xFFE8;
	[tilespmem:s0+$0x0] =	vst v8;
	v8 =	vmul.f32 v62, v11  }
0xce: {  	s12 =	simm.s32 $0x100B8;
	[tilespmem:s1+$0x0] =	vst v10  }
0xcf: {  	s13 =	simm.s32 $0xEFA8;
	[tilespmem:s12+$0x0] =	vst v8  }
0xd0: {  	s14 =	simm.s32 $0x10;
	v63 =	vld [tilespmem:s13+$0x0]  }
0xd1: {  	v8 =	vmov s14  }
0xd2: {  	v8 =	vshll.u32 v8, $0x3  }
0xd3: {  	s8 =	simm.s32 $0x10188;
	v8 =	vor.u32 v6, v8  }
0xd4: {  	s9 =	simm.s32 $0x20;
	s5 =	simm.s32 $0xFF28;
	s0 =	simm.s32 $0x10198;
	v10 =	vor.u32 $0x2, v8  }
0xd5: {  	s1 =	simm.s32 $0xEFB8;
	s12 =	simm.s32 $0xFFF8;
	s13 =	simm.s32 $0x100C8;
	v9 =	vor.u32 $0x1, v8;
	v11 =	vor.u32 $0x3, v8;
	vm0 =	vgt.f32 v63, $9.900000090e-01  }
.LBB2_18:
0xd6: {  	s30 =	sadd.s32 $0x10, s30  }
0xd7: {  	v12 =	vsel vm0, $0x1, v2;
	s31 =	sadd.s32 $0x10, s31;
	s11 =	smov.u32 s9;
	s14 =	sadd.s32 $0x10, s9  }
0xd8: {  	p1 =	sne.s32 s9, $0xC0;
	[tilespmem:s8+$0x0] =	vst v12;
	s8 =	smov.u32 s0  }
0xd9: {  	v12 =	vld.idx.msk [tilespmem:v10+s21+$0x0], $0xffff  }
0xda: {  	v13 =	vld.idx.msk [tilespmem:v11+s21+$0x0], $0xffff;
	_ =	sdelay $0x4  }
0xdb: {  	v12 =	vmul.f32 $2.000000030e-01, v12  }
0xdc: {  	v13 =	vmul.f32 $2.000000030e-01, v13  }
0xdd: {  	v12 =	vmul.f32 $1.442695020e+00, v12  }
0xde: {  	v13 =	vmul.f32 $1.442695020e+00, v13  }
0xdf: {  	(erf) = vpow2.f32 v12  }
0xe0: {  	v12 =	vld.idx.msk [tilespmem:v9+s21+$0x0], $0xffff;
	(erf) = vpow2.f32 v13  }
0xe1: {  	v13 =	vld.idx.msk [tilespmem:v8+s21+$0x0], $0xffff  }
0xe2: {  	v11 =	vld.idx.msk [tilespmem:v11+s20+$0x0], $0xffff  }
0xe3: {  	v10 =	vld.idx.msk [tilespmem:v10+s20+$0x0], $0xffff  }
0xe4: {  	v9 =	vld.idx.msk [tilespmem:v9+s20+$0x0], $0xffff  }
0xe5: {  	v8 =	vld.idx.msk [tilespmem:v8+s20+$0x0], $0xffff  }
0xe6: {  	v12 =	vmul.f32 $1.000000010e-01, v12  }
0xe7: {  	v13 =	vmul.f32 $1.000000010e-01, v13  }
0xe8: {  	v12 =	vmul.f32 v12, v11;
	v14 =	vpop (erf)  }
0xe9: {  	v13 =	vmul.f32 v13, v10;
	v10 =	vmul.f32 v14, v10;
	v14 =	vpop (erf)  }
0xea: {  	v11 =	vmul.f32 v14, v11  }
0xeb: {  	v9 =	vadd.f32 v12, v9;
	v8 =	vadd.f32 v13, v8;
	v10 =	vmul.f32 v10, v4  }
0xec: {  	v11 =	vmul.f32 v11, v4  }
0xed: {  	v12 =	vsub.f32 v8, v10;
	v8 =	vadd.f32 v10, v8  }
0xee: {  	v10 =	vsub.f32 v9, v11;
	v9 =	vadd.f32 v11, v9  }
0xef: {  	[tilespmem:s30+$0x0] =	vst v12;
	v11 =	vsub.f32 v8, v12  }
0xf0: {  	[tilespmem:s31+$0x0] =	vst v10;
	v10 =	vsub.f32 v9, v10  }
0xf1: {  	[tilespmem:s5+$0x0] =	vst v8  }
0xf2: {  	[tilespmem:s12+$0x0] =	vst v9;
	v8 =	vmul.f32 v10, v11;
	_ =	sdelay $0x1  }
0xf3: {  	[tilespmem:s13+$0x0] =	vst v8  }
0xf4: {  	v8 =	vmov s11;
	v12 =	vld [tilespmem:s1+$0x0]  }
.Ltmp15:
0xf5: {  	v8 =	vshll.u32 v8, $0x3;
	(pc) =	sbr.rel @p1 .LBB2_18-.Ltmp15, $4  }
0xf6: {  	v8 =	vor.u32 v6, v8  }
0xf7: {  	v9 =	vor.u32 $0x1, v8;
	v10 =	vor.u32 $0x2, v8;
	v11 =	vor.u32 $0x3, v8  }
0xf8: {  	s0 =	sadd.s32 $0x10, s0;
	s9 =	smov.u32 s14;
	s1 =	sadd.s32 $0x10, s1  }
0xf9: {  	s5 =	sadd.s32 $0x10, s5;
	s12 =	sadd.s32 $0x10, s12;
	s13 =	sadd.s32 $0x10, s13;
	vm0 =	vgt.f32 v12, $9.900000090e-01  }
0xfa: {  	_ =	sdelay $0x1  }
0xfb: {  	v12 =	vsel vm0, $0x1, v2  }
0xfc: {  	[tilespmem:s8+$0x0] =	vst v12  }
0xfd: {  	v12 =	vld.idx.msk [tilespmem:v10+s21+$0x0], $0xffff  }
0xfe: {  	v13 =	vld.idx.msk [tilespmem:v11+s21+$0x0], $0xffff;
	_ =	sdelay $0x3  }
0xff: {  	v12 =	vmul.f32 $2.000000030e-01, v12  }
0x100: {  	v13 =	vmul.f32 $2.000000030e-01, v13  }
0x101: {  	v12 =	vmul.f32 $1.442695020e+00, v12  }
0x102: {  	v13 =	vmul.f32 $1.442695020e+00, v13  }
0x103: {  	(erf) = vpow2.f32 v12  }
0x104: {  	(erf) = vpow2.f32 v13;
	_ =	sdelay $0x1  }
0x105: {  	v55 =	vld.idx.msk [tilespmem:v8+s21+$0x0], $0xffff  }
0x106: {  	v56 =	vld.idx.msk [tilespmem:v9+s21+$0x0], $0xffff  }
0x107: {  	v57 =	vld.idx.msk [tilespmem:v10+s20+$0x0], $0xffff  }
0x108: {  	v58 =	vld.idx.msk [tilespmem:v11+s20+$0x0], $0xffff  }
0x109: {  	v8 =	vld.idx.msk [tilespmem:v8+s20+$0x0], $0xffff  }
0x10a: {  	v59 =	vld.idx.msk [tilespmem:v9+s20+$0x0], $0xffff;
	v12 =	vmul.f32 $1.000000010e-01, v55  }
0x10b: {  	v13 =	vmul.f32 $1.000000010e-01, v56;
	v14 =	vpop (erf)  }
0x10c: {  	v12 =	vmul.f32 v12, v57;
	v10 =	vmul.f32 v14, v57;
	v60 =	vpop (erf)  }
0x10d: {  	v13 =	vmul.f32 v13, v58;
	v11 =	vmul.f32 v60, v58  }
0x10e: {  	v8 =	vadd.f32 v12, v8;
	v10 =	vmul.f32 v10, v4  }
0x10f: {  	v9 =	vadd.f32 v13, v59;
	v11 =	vmul.f32 v11, v4  }
0x110: {  	v12 =	vsub.f32 v8, v10;
	v8 =	vadd.f32 v10, v8  }
0x111: {  	v61 =	vsub.f32 v9, v11;
	v9 =	vadd.f32 v11, v9  }
0x112: {  	s30 =	sadd.s32 $0x10, s30  }
0x113: {  	s9 =	sadd.s32 $0x10, s31;
	[tilespmem:s30+$0x0] =	vst v12;
	v62 =	vsub.f32 v8, v12;
	v63 =	vsub.f32 v9, v61  }
0x114: {  	[tilespmem:s9+$0x0] =	vst v61  }
0x115: {  	[tilespmem:s5+$0x0] =	vst v8;
	v8 =	vmul.f32 v63, v62  }
0x116: {  	[tilespmem:s12+$0x0] =	vst v9  }
0x117: {  	[tilespmem:s13+$0x0] =	vst v8  }
0x118: {  	v8 =	vld [tilespmem:s1+$0x0];
	_ =	sdelay $0x2  }
.Ltmp16:
0x119: {  	_ = 	snop;
	(pc) =	sbr.rel .LBB2_20-.Ltmp16, $4  }
0x11a: {  	_ = 	snop  }
0x11b: {  	vm15 =	vgt.f32 v8, $9.900000090e-01  }
0x11c: {  	v8 =	vsel vm15, $0x1, v2  }
0x11d: {  	[tilespmem:s0+$0x0] =	vst v8  }
.LBB2_23:
0x11e: {  	s29 =	sadd.s32 $0x1, s29  }
0x11f: {  	p1 =	sne.s32 s29, $0xC8  }
.Ltmp17:
0x120: {  	_ = 	snop;
	(pc) =	sbr.rel @!p1 .LBB2_24-.Ltmp17, $2  }
0x121: {  	_ =	sdelay $0x2  }
0x122: {  	s0 =	simm.s32 $0x0  }
.LBB2_20:
0x123: {  	s0 =	sand.u32 $0xF0, s29  }
0x124: {  	v8 =	vld [tilespmem:s0+$0x10188];
	_ =	sdelay $0x2  }
0x125: {  	s30 =	sand.u32 $0xF, s29  }
0x126: {  	v9 =	vmov s30  }
0x127: {  	vm0 =	veq.s32 v9, v0;
	v8 =	vxor.u32 $0x80000000, v8  }
0x128: {  	v8 =	vnsel vm0, $0x80000000, v8  }
0x129: {  	(xrf0) =	vmax.scan.msk.u32 $0xffff, v8;
	_ =	sdelay $0x5  }
0x12a: {  	v8, _, _ =	vpop (xrf0)  }
0x12b: {  	(v2sf) =	vpush v8, $0xF;
	_ =	sdelay $0xe  }
0x12c: {  	s31 =	spop (v2sf)  }
0x12d: {  	p1 =	slt.u32 s31, $0x80000001  }
.Ltmp18:
0x12e: {  	_ = 	snop;
	(pc) =	sbr.rel @p1 .LBB2_23-.Ltmp18, $1  }
0x12f: {  	_ =	sdelay $0x3  }
0x130: {  	v8 =	vmov s29;
	s9 =	sand.u32 $0x3FFFFFF0, s29  }
0x131: {  	s11 =	sadd.s32 $0xFD78, s9  }
0x132: {  	s0 =	sadd.s32 $0xFF18, s9;
	v13 =	vld [tilespmem:s11+$0x0]  }
0x133: {  	s1 =	sadd.s32 $0xFE48, s9;
	v14 =	vld [tilespmem:s0+$0x0]  }
0x134: {  	v15 =	vld [tilespmem:s1+$0x0]  }
0x135: {  	v9 =	vld.idx.msk [tilespmem:v8+s22+$0x0], $0xffff  }
0x136: {  	v10 =	vld.idx.msk [tilespmem:v8+s23+$0x0], $0xffff  }
0x137: {  	v11 =	vld.idx.msk [tilespmem:v8+s24+$0x0], $0xffff  }
0x138: {  	s5 =	sadd.s32 $0xFFE8, s9;
	v12 =	vld.idx.msk [tilespmem:v8+s25+$0x0], $0xffff  }
0x139: {  	v16 =	vld [tilespmem:s5+$0x0];
	_ =	sdelay $0x2  }
0x13a: {  	s8 =	sadd.s32 $0x100B8, s9  }
0x13b: {  	v19 =	vld [tilespmem:s8+$0x0];
	v17 =	vsub.f32 v11, v9;
	v18 =	vsub.f32 v12, v10;
	v13 =	vmax.f32 v9, v13  }
0x13c: {  	v15 =	vmax.f32 v10, v15;
	v14 =	vmin.f32 v11, v14;
	v16 =	vmin.f32 v12, v16  }
0x13d: {  	v14 =	vsub.f32 v14, v13;
	v15 =	vsub.f32 v16, v15  }
0x13e: {  	v13 =	vmul.f32 v18, v17  }
0x13f: {  	v14 =	vmax.f32 v14, $0.0e+00;
	v15 =	vmax.f32 v15, $0.0e+00  }
0x140: {  	v14 =	vmul.f32 v15, v14;
	v15 =	vadd.f32 v19, v13;
	_ =	sdelay $0x1  }
0x141: {  	v15 =	vsub.f32 v15, v14;
	_ =	sdelay $0x1  }
0x142: {  	(erf) = vrcp.f32 v15;
	_ =	sdelay $0x6  }
0x143: {  	s13 =	sshrl.u32 s29, $0x4  }
0x144: {  	s9 =	sadd.s32 $0x10188, s9;
	s13 =	sadd.s32 $0xFFFFFFFF, s13  }
0x145: {  	s13 =	sadd.s32 $0x1, s13;
	v15 =	vld [tilespmem:s9+$0x0];
	v62 =	vpop (erf)  }
0x146: {  	s12 =	sand.u32 $0xFFFFFFF0, s29;
	p1 =	slt.u32 s13, $0xC;
	v14 =	vmul.f32 v62, v14  }
.Ltmp19:
0x147: {  	v63 =	vor.u32 s12, v0;
	(pc) =	sbr.rel @!p1 .LBB2_23-.Ltmp19, $4  }
0x148: {  	vm1 =	vgt.u32 v63, v8;
	vm0 =	vgt.f32 v14, $4.499999880e-01  }
0x149: {  	vm0 =	vmand vm1, vm0  }
0x14a: {  	v14 =	vsel vm0, $0x0, v15  }
0x14b: {  	s11 =	sadd.s32 $0x10, s11;
	[tilespmem:s9+$0x0] =	vst v14  }
.LBB2_22:
0x14c: {  	v14 =	vld [tilespmem:s11+$0x0];
	s0 =	sadd.s32 $0x10, s0  }
0x14d: {  	s1 =	sadd.s32 $0x10, s1;
	v15 =	vld [tilespmem:s0+$0x0]  }
0x14e: {  	s5 =	sadd.s32 $0x10, s5;
	v16 =	vld [tilespmem:s1+$0x0]  }
0x14f: {  	s13 =	sadd.s32 $0x1, s13;
	v17 =	vld [tilespmem:s5+$0x0]  }
0x150: {  	p1 =	slt.u32 s13, $0xC;
	_ =	sdelay $0x1  }
0x151: {  	s8 =	sadd.s32 $0x10, s8  }
0x152: {  	v14 =	vmax.f32 v9, v14;
	v18 =	vld [tilespmem:s8+$0x0]  }
0x153: {  	v15 =	vmin.f32 v11, v15;
	v16 =	vmax.f32 v10, v16;
	v17 =	vmin.f32 v12, v17  }
0x154: {  	v14 =	vsub.f32 v15, v14;
	v15 =	vsub.f32 v17, v16;
	_ =	sdelay $0x1  }
0x155: {  	v14 =	vmax.f32 v14, $0.0e+00;
	v15 =	vmax.f32 v15, $0.0e+00  }
0x156: {  	v14 =	vmul.f32 v15, v14;
	v15 =	vadd.f32 v18, v13;
	_ =	sdelay $0x1  }
0x157: {  	v15 =	vsub.f32 v15, v14;
	_ =	sdelay $0x1  }
0x158: {  	(erf) = vrcp.f32 v15;
	_ =	sdelay $0x7  }
0x159: {  	s9 =	sadd.s32 $0x10, s9  }
0x15a: {  	v15 =	vld [tilespmem:s9+$0x0];
	v16 =	vpop (erf)  }
0x15b: {  	s12 =	sadd.s32 $0x10, s12;
	v14 =	vmul.f32 v16, v14  }
.Ltmp20:
0x15c: {  	v16 =	vor.u32 s12, v0;
	(pc) =	sbr.rel @p1 .LBB2_22-.Ltmp20, $4  }
0x15d: {  	vm1 =	vgt.u32 v16, v8;
	vm0 =	vgt.f32 v14, $4.499999880e-01  }
0x15e: {  	vm0 =	vmand vm1, vm0  }
0x15f: {  	v14 =	vsel vm0, $0x0, v15  }
0x160: {  	s11 =	sadd.s32 $0x10, s11;
	[tilespmem:s9+$0x0] =	vst v14  }
.Ltmp21:
0x161: {  	_ = 	snop;
	(pc) =	sbr.rel .LBB2_23-.Ltmp21, $1  }
0x162: {  	_ =	sdelay $0x3  }
.LBB2_24:
0x163: {  	s1 =	simm.s32 $0x40;
	s5 =	simm.s32 $0x0  }
.LBB2_25:
0x164: {  	p1 =	sne.s32 s1, $0x1000;
	[tilespmem:s5+$0x10258] =	vst v7;
	s5 =	smov.u32 s1;
	s1 =	sadd.s32 $0x40, s1  }
.Ltmp22:
0x165: {  	(pc) =	sbr.rel @p1 .LBB2_25-.Ltmp22, $2  }
0x166: {  	_ =	sdelay $0x2  }
0x167: {  	s5 =	sshra.s32 s5, $0x2  }
0x168: {  	[tilespmem:s5+$0x10258] =	vst v7;
	s1 =	simm.s32 $0x0  }
0x169: {  	v8 =	vld [tilespmem:s1+$0x10188];
	_ =	sdelay $0x4  }
0x16a: {  	vm0 =	vgt.s32 v8, $0x0  }
0x16b: {  	v9 =	vsel vm0, $0x1, v2  }
0x16c: {  	(xrf0) =	vadd.scan.msk.s32 $0xffff, v9;
	_ =	sdelay $0x5  }
0x16d: {  	v9, _, _ =	vpop (xrf0)  }
0x16e: {  	v10 =	vxor.u32 $0x80000000, v9  }
0x16f: {  	(xrf0) =	vmax.scan.msk.u32 $0xffff, v10;
	_ =	sdelay $0x5  }
0x170: {  	v10, _, _ =	vpop (xrf0)  }
0x171: {  	(v2sf) =	vpush v10, $0xF;
	_ =	sdelay $0xe  }
0x172: {  	s31 =	spop (v2sf)  }
0x173: {  	s1 =	sxor.u32 $0x80000000, s31  }
0x174: {  	p2 =	slt.s32 s1, $0x1  }
0x175: {  	vm0 =	vgt.s32 @!p2 v8, $0x0;
	v8 =	vadd.s32 @!p2 s0, v9;
	s11 =	simm.s32 @!p2 $0x0  }
0x176: {  	v9 =	vadd.s32 @!p2 $0xFFFFFFFF, v8;
	v10 =	vld @!p2 [tilespmem:s11+$0xEFA8];
	_ =	sdelay $0x3  }
0x177: {  	s9 =	simm.s32 @!p2 $0x10258  }
0x178: {  	[tilespmem:v9+s9+$0x0] =	vst.idx.msk @!p2 vm0, v10  }
0x179: {  	v9 =	vadd.s32 @!p2 $0xCF, v8;
	v10 =	vld @!p2 [tilespmem:s11+$0xFD78];
	_ =	sdelay $0x4  }
0x17a: {  	[tilespmem:v9+s9+$0x0] =	vst.idx.msk @!p2 vm0, v10  }
0x17b: {  	v9 =	vadd.s32 @!p2 $0x19F, v8;
	v10 =	vld @!p2 [tilespmem:s11+$0xFE48];
	_ =	sdelay $0x4  }
0x17c: {  	[tilespmem:v9+s9+$0x0] =	vst.idx.msk @!p2 vm0, v10  }
0x17d: {  	v9 =	vadd.s32 @!p2 $0x26F, v8;
	v10 =	vld @!p2 [tilespmem:s11+$0xFF18];
	_ =	sdelay $0x4  }
0x17e: {  	s5 =	sadd.s32 $0x0, s1;
	[tilespmem:v9+s9+$0x0] =	vst.idx.msk @!p2 vm0, v10  }
0x17f: {  	s8 =	simm.s32 $0x80;
	s0 =	simm.s32 $0x40;
	s1 =	smov.u32 s5;
	v8 =	vadd.s32 @!p2 $0x33F, v8;
	v9 =	vld @!p2 [tilespmem:s11+$0xFFE8]  }
.LBB2_27:
0x180: {  	_ =	sdelay $0x3  }
0x181: {  	s11 =	sshra.s32 s0, $0x2;
	[tilespmem:v8+s9+$0x0] =	vst.idx.msk @!p2 vm0, v9;
	s9 =	smov.u32 s8;
	s8 =	sadd.s32 $0x40, s8  }
0x182: {  	p1 =	sne.s32 s8, $0x340;
	v8 =	vld [tilespmem:s11+$0x10188];
	_ =	sdelay $0x4  }
0x183: {  	vm0 =	vgt.s32 v8, $0x0  }
0x184: {  	v9 =	vsel vm0, $0x1, v2  }
0x185: {  	(xrf0) =	vadd.scan.msk.s32 $0xffff, v9;
	_ =	sdelay $0x5  }
0x186: {  	v9, _, _ =	vpop (xrf0)  }
0x187: {  	v10 =	vxor.u32 $0x80000000, v9  }
0x188: {  	(xrf0) =	vmax.scan.msk.u32 $0xffff, v10;
	_ =	sdelay $0x5  }
0x189: {  	v10, _, _ =	vpop (xrf0)  }
0x18a: {  	(v2sf) =	vpush v10, $0xF;
	_ =	sdelay $0xe  }
0x18b: {  	s11 =	spop (v2sf)  }
0x18c: {  	s11 =	sxor.u32 $0x80000000, s11  }
0x18d: {  	p2 =	slt.s32 s11, $0x1;
	s5 =	sadd.s32 s5, s11  }
0x18e: {  	vm0 =	vgt.s32 @!p2 v8, $0x0;
	v8 =	vadd.s32 @!p2 s1, v9;
	s11 =	sshra.s32 @!p2 s0, $0x2;
	s0 =	smov.u32 s9;
	s1 =	smov.u32 s5  }
0x18f: {  	v9 =	vadd.s32 @!p2 $0xFFFFFFFF, v8;
	v10 =	vld @!p2 [tilespmem:s11+$0xEFA8];
	v11 =	vadd.s32 @!p2 $0xCF, v8;
	v12 =	vadd.s32 @!p2 $0x19F, v8  }
0x190: {  	v13 =	vadd.s32 @!p2 $0x26F, v8;
	v8 =	vadd.s32 @!p2 $0x33F, v8;
	_ =	sdelay $0x2  }
0x191: {  	s9 =	simm.s32 @!p2 $0x10258  }
0x192: {  	[tilespmem:v9+s9+$0x0] =	vst.idx.msk @!p2 vm0, v10  }
0x193: {  	v9 =	vld @!p2 [tilespmem:s11+$0xFD78];
	_ =	sdelay $0x4  }
0x194: {  	[tilespmem:v11+s9+$0x0] =	vst.idx.msk @!p2 vm0, v9  }
0x195: {  	v9 =	vld @!p2 [tilespmem:s11+$0xFE48];
	_ =	sdelay $0x4  }
0x196: {  	[tilespmem:v12+s9+$0x0] =	vst.idx.msk @!p2 vm0, v9  }
0x197: {  	v9 =	vld @!p2 [tilespmem:s11+$0xFF18];
	_ =	sdelay $0x1  }
.Ltmp23:
0x198: {  	(pc) =	sbr.rel @p1 .LBB2_27-.Ltmp23, $3  }
0x199: {  	_ =	sdelay $0x1  }
0x19a: {  	[tilespmem:v13+s9+$0x0] =	vst.idx.msk @!p2 vm0, v9  }
0x19b: {  	v9 =	vld @!p2 [tilespmem:s11+$0xFFE8]  }
0x19c: {  	_ =	sdelay $0x4  }
0x19d: {  	s5 =	sshra.s32 s0, $0x2;
	[tilespmem:v8+s9+$0x0] =	vst.idx.msk @!p2 vm0, v9  }
0x19e: {  	v8 =	vld [tilespmem:s5+$0x10188];
	_ =	sdelay $0x4  }
0x19f: {  	vm0 =	vgt.s32 v8, $0x0  }
0x1a0: {  	v9 =	vsel vm0, $0x1, v2  }
0x1a1: {  	(xrf0) =	vadd.scan.msk.s32 $0xffff, v9;
	_ =	sdelay $0x5  }
0x1a2: {  	v9, _, _ =	vpop (xrf0)  }
0x1a3: {  	v10 =	vxor.u32 $0x80000000, v9  }
0x1a4: {  	(xrf0) =	vmax.scan.msk.u32 $0xffff, v10;
	_ =	sdelay $0x5  }
0x1a5: {  	v10, _, _ =	vpop (xrf0)  }
0x1a6: {  	(v2sf) =	vpush v10, $0xF;
	_ =	sdelay $0xe  }
0x1a7: {  	s14 =	spop (v2sf)  }
0x1a8: {  	s5 =	sxor.u32 $0x80000000, s14  }
0x1a9: {  	p1 =	slt.s32 s5, $0x1  }
0x1aa: {  	vm0 =	vgt.s32 @!p1 v8, $0x0;
	v8 =	vadd.s32 @!p1 s1, v9;
	s0 =	sshra.s32 @!p1 s0, $0x2  }
0x1ab: {  	v9 =	vadd.s32 @!p1 $0xFFFFFFFF, v8;
	v10 =	vld @!p1 [tilespmem:s0+$0xEFA8];
	_ =	sdelay $0x3  }
0x1ac: {  	s1 =	simm.s32 @!p1 $0x10258  }
0x1ad: {  	[tilespmem:v9+s1+$0x0] =	vst.idx.msk @!p1 vm0, v10  }
0x1ae: {  	v9 =	vadd.s32 @!p1 $0xCF, v8;
	v10 =	vld @!p1 [tilespmem:s0+$0xFD78];
	_ =	sdelay $0x4  }
0x1af: {  	[tilespmem:v9+s1+$0x0] =	vst.idx.msk @!p1 vm0, v10  }
0x1b0: {  	v9 =	vadd.s32 @!p1 $0x19F, v8;
	v10 =	vld @!p1 [tilespmem:s0+$0xFE48];
	_ =	sdelay $0x4  }
0x1b1: {  	[tilespmem:v9+s1+$0x0] =	vst.idx.msk @!p1 vm0, v10  }
0x1b2: {  	v9 =	vadd.s32 @!p1 $0x26F, v8;
	v10 =	vld @!p1 [tilespmem:s0+$0xFF18];
	_ =	sdelay $0x4  }
0x1b3: {  	[tilespmem:v9+s1+$0x0] =	vst.idx.msk @!p1 vm0, v10  }
0x1b4: {  	v8 =	vadd.s32 @!p1 $0x33F, v8;
	v9 =	vld @!p1 [tilespmem:s0+$0xFFE8];
	_ =	sdelay $0x4  }
0x1b5: {  	s29 =	rddreg [dreg:$0x3];
	s0 =	simm.s32 $0x0;
	[tilespmem:v8+s1+$0x0] =	vst.idx.msk @!p1 vm0, v9  }
0x1b6: {  	[hbm4b:s29+s0] =	stream.linear.scatter [tilespmem:s26], [sflag:$0x2], $0x410, $0x38;
	[tilespmem:$0x10668] =	vst v63  }
0x1b7: {  	_ =	swait.ge [sflag:s15], $0x410  }
0x1b8: {  	[sflag:s15] =	ssyncset.done $0x0  }
0x1b9: {  	s30 =	rddreg [dreg:$0x4];
	[sflag:s15] =	ssyncadd.s32 $0xFFFFFBF0  }
0x1ba: {  	[tilespmem:s0], [sflag:$0x2] =	stream.linear.gather [hbm4b:s30+s0], $0x4E20, $0x38;
	[tilespmem:$0x10668] =	vst v63  }
0x1bb: {  	_ =	swait.ge [sflag:s15], $0x4E20  }
0x1bc: {  	[sflag:s15] =	ssyncset.done $0x0  }
0x1bd: {  	[sflag:s15] =	ssyncadd.s32 $0xFFFFB1E0  }
0x1be: {  	v10 =	vld [tilespmem:s0+$0x0];
	_ =	sdelay $0x4  }
0x1bf: {  	vm0 =	vgt.f32 v10, $9.900000090e-01  }
0x1c0: {  	v8 =	vmpcnt.ones.xlane vm0;
	_ =	sdelay $0x1  }
0x1c1: {  	(v2sf) =	vpush v8, $0x0;
	_ =	sdelay $0xe  }
0x1c2: {  	s31 =	spop (v2sf)  }
0x1c3: {  	p1 =	slt.s32 s31, $0x1  }
0x1c4: {  	vm0 =	vgt.f32 @!p1 v10, $9.900000090e-01;
	v8 =	vimm.s32 @!p1 $0x0  }
0x1c5: {  	v8 =	vsel @!p1 vm0, $0x1, v8  }
0x1c6: {  	(xrf0) =	vadd.scan.msk.s32 @!p1 $0xffff, v8;
	_ =	sdelay $0x2  }
0x1c7: {  	v8 =	vmov @!p1 s0  }
0x1c8: {  	v8 =	vadd.s32 @!p1 $0xFFFFFFFF, v8  }
0x1c9: {  	v8 =	vbroadcast @!p1 v8, $0x0  }
0x1ca: {  	v9, _, _ =	vpop @!p1 (xrf0)  }
0x1cb: {  	v9 =	vadd.s32 @!p1 v9, v8;
	_ =	sdelay $0x3  }
0x1cc: {  	s8 =	simm.s32 @!p1 $0x4E20;
	v8 =	vlaneseq.u32 @!p1  }
0x1cd: {  	s5 =	simm.s32 $0x10;
	s1 =	sadd.s32 $0x0, s31;
	v8 =	vor.u32 @!p1 s0, v8;
	[tilespmem:v9+s8+$0x0] =	vst.idx.msk @!p1 vm0, v10;
	s8 =	simm.s32 @!p1 $0x9C60  }
.LBB2_29:
0x1ce: {  	[tilespmem:v9+s8+$0x0] =	vst.idx.msk @!p1 vm0, v8;
	s0 =	sadd.s32 $0x10, s0;
	s8 =	smov.u32 s5;
	s5 =	sadd.s32 $0x10, s5  }
0x1cf: {  	s9 =	smov.u32 s1;
	v10 =	vld [tilespmem:s0+$0x0];
	p2 =	sne.s32 s5, $0x4E20;
	_ =	sdelay $0x4  }
0x1d0: {  	vm0 =	vgt.f32 v10, $9.900000090e-01  }
0x1d1: {  	v8 =	vmpcnt.ones.xlane vm0;
	_ =	sdelay $0x1  }
0x1d2: {  	(v2sf) =	vpush v8, $0x0;
	_ =	sdelay $0xe  }
0x1d3: {  	s11 =	spop (v2sf)  }
0x1d4: {  	p1 =	slt.s32 s11, $0x1;
	s1 =	sadd.s32 s1, s11  }
0x1d5: {  	vm0 =	vgt.f32 @!p1 v10, $9.900000090e-01;
	v8 =	vimm.s32 @!p1 $0x0;
	v9 =	vmov @!p1 s9  }
0x1d6: {  	v11 =	vsel @!p1 vm0, $0x1, v8;
	v8 =	vadd.s32 @!p1 $0xFFFFFFFF, v9;
	v9 =	vlaneseq.u32 @!p1  }
0x1d7: {  	v12 =	vbroadcast @!p1 v8, $0x0;
	v8 =	vor.u32 @!p1 s8, v9;
	(xrf0) =	vadd.scan.msk.s32 @!p1 $0xffff, v11;
	_ =	sdelay $0x5  }
0x1d8: {  	v9, _, _ =	vpop @!p1 (xrf0)  }
0x1d9: {  	v9 =	vadd.s32 @!p1 v9, v12  }
.Ltmp24:
0x1da: {  	(pc) =	sbr.rel @p2 .LBB2_29-.Ltmp24, $3  }
0x1db: {  	_ =	sdelay $0x1  }
0x1dc: {  	s8 =	simm.s32 @!p1 $0x4E20  }
0x1dd: {  	[tilespmem:v9+s8+$0x0] =	vst.idx.msk @!p1 vm0, v10;
	s8 =	simm.s32 @!p1 $0x9C60  }
0x1de: {  	s0 =	sand.u32 $0xF, s1  }
0x1df: {  	s31 =	sshra.s32 s1, $0x1F;
	p3 =	slt.s32 s1, $0x1;
	p2 =	sne.s32 s0, $0x0  }
0x1e0: {  	s0 =	sshrl.u32 s31, $0x1C;
	p2 =	por !p3, !p2  }
0x1e1: {  	v10 =	vadd.s32 s1, v0;
	s0 =	sadd.s32 s0, s1;
	s1 =	simm.s32 $0x1;
	p2 =	por !p2, !p2  }
0x1e2: {  	s5 =	sshra.s32 s0, $0x4;
	s1 =	simm.s32 @!p2 $0x0  }
0x1e3: {  	s0 =	ssub.s32 s5, s1  }
0x1e4: {  	[tilespmem:v9+s8+$0x0] =	vst.idx.msk @!p1 vm0, v8;
	p1 =	slt.s32 s0, $0x0  }
.Ltmp25:
0x1e5: {  	_ = 	snop;
	(pc) =	sbr.rel @p1 .LBB2_34-.Ltmp25, $4  }
0x1e6: {  	_ = 	snop  }
0x1e7: {  	[tilespmem:v10+s6+$0x0] =	vst.idx.msk $0xffff, v1  }
0x1e8: {  	[tilespmem:v10+s16+$0x0] =	vst.idx.msk $0xffff, v2  }
0x1e9: {  	[tilespmem:v3+s18+$0x0] =	vst.idx.msk $0xffff, v1  }
0x1ea: {  	s1 =	simm.s32 $0x4E20  }
0x1eb: {  	v8 =	vld [tilespmem:s1+$0x0];
	_ =	sdelay $0x2  }
0x1ec: {  	s8 =	simm.s32 $0xFFFFFFFF  }
0x1ed: {  	s8 =	simm.s32 @!p2 $0x0  }
0x1ee: {  	s5 =	sadd.s32 s8, s5;
	(xrf0) =	vmax.scan.msk.f32 $0xffff, v8  }
0x1ef: {  	s5 =	sadd.s32 $0x1, s5  }
0x1f0: {  	p1 =	sne.s32 s5, $0x1  }
.Ltmp26:
0x1f1: {  	s9 =	simm.s32 $0x0;
	(pc) =	sbr.rel @!p1 .LBB2_33-.Ltmp26, $3  }
0x1f2: {  	v8 =	vmov s9;
	_ =	sdelay $0x1  }
0x1f3: {  	v9, _, _ =	vpop (xrf0)  }
0x1f4: {  	s8 =	simm.s32 $0x1;
	v9 =	vbroadcast v9, $0xF  }
.LBB2_32:
0x1f5: {  	_ = 	snop  }
0x1f6: {  	s1 =	sadd.s32 $0x10, s1;
	s9 =	smov.u32 s8;
	s8 =	sadd.s32 $0x1, s8;
	[tilespmem:v8+s19+$0x0] =	vst.idx.msk $0x1, v9  }
0x1f7: {  	p1 =	sne.s32 s5, s8;
	v8 =	vld [tilespmem:s1+$0x0];
	_ =	sdelay $0x4  }
0x1f8: {  	(xrf0) =	vmax.scan.msk.f32 $0xffff, v8;
	_ =	sdelay $0x2  }
.Ltmp27:
0x1f9: {  	(pc) =	sbr.rel @p1 .LBB2_32-.Ltmp27, $3  }
0x1fa: {  	v8 =	vmov s9;
	_ =	sdelay $0x1  }
0x1fb: {  	v9, _, _ =	vpop (xrf0)  }
0x1fc: {  	v9 =	vbroadcast v9, $0xF  }
.LBB2_33:
0x1fd: {  	_ =	sdelay $0x3  }
0x1fe: {  	[tilespmem:v8+s19+$0x0] =	vst.idx.msk $0x1, v9  }
.LBB2_34:
0x1ff: {  	s1 =	sadd.s32 $0x1, s0;
	s5 =	sadd.s32 $0x10, s0;
	s8 =	sand.u32 $0xF, s0  }
0x200: {  	p1 =	slt.s32 s0, $0xFFFFFFF1;
	v8 =	vadd.s32 s1, v0;
	s31 =	sshra.s32 s5, $0x1F;
	p2 =	sne.s32 s8, $0x0  }
.Ltmp28:
0x201: {  	s0 =	sshrl.u32 s31, $0x1C;
	p1 =	por !p1, !p2;
	(pc) =	sbr.rel .LBB2_35-.Ltmp28, $4  }
0x202: {  	s1 =	simm.s32 $0x1;
	s0 =	sadd.s32 s0, s5;
	p1 =	por !p1, !p1  }
0x203: {  	s0 =	sshra.s32 s0, $0x4;
	s1 =	simm.s32 @!p1 $0x0  }
0x204: {  	s0 =	ssub.s32 s0, s1  }
0x205: {  	s1 =	simm.s32 $0x0;
	[tilespmem:v8+s19+$0x0] =	vst.idx.msk $0xffff, v1;
	p1 =	slt.s32 s0, $0x1  }
.LBB2_36:
0x206: {  	v9 =	vmov v5  }
.LBB2_43:
0x207: {  	(xrf0) =	vmax.scan.msk.f32 $0xffff, v8;
	_ =	sdelay $0x5  }
0x208: {  	v10, _, _ =	vpop (xrf0)  }
0x209: {  	v10 =	vbroadcast v10, $0xF;
	_ =	sdelay $0x1  }
0x20a: {  	vm0 =	veq.f32 v8, v10  }
0x20b: {  	v8 =	vnsel vm0, $0xC0000000, v9  }
0x20c: {  	(xrf0) =	vmin.scan.msk.u32 $0xffff, v8;
	_ =	sdelay $0x5  }
0x20d: {  	v8, _, _ =	vpop (xrf0)  }
0x20e: {  	(v2sf) =	vpush v8, $0xF;
	_ =	sdelay $0xe  }
0x20f: {  	s5 =	spop (v2sf)  }
0x210: {  	s8 =	sshll.u32 s5, $0x4  }
0x211: {  	v8 =	vld [tilespmem:s8+$0x4E20];
	_ =	sdelay $0x4  }
0x212: {  	vm14 =	veq.f32 v8, v10  }
0x213: {  	v59 =	vnsel vm14, $0xC0000000, v5  }
0x214: {  	(xrf0) =	vmin.scan.msk.u32 $0xffff, v59;
	_ =	sdelay $0x5  }
0x215: {  	v9, _, _ =	vpop (xrf0)  }
0x216: {  	(v2sf) =	vpush v9, $0xF;
	_ =	sdelay $0xe  }
0x217: {  	s9 =	spop (v2sf)  }
0x218: {  	s9 =	sxor.u32 $0x80000000, s9  }
0x219: {  	s8 =	sadd.s32 s8, s9  }
0x21a: {  	v60 =	vmov s8;
	_ =	sdelay $0x4  }
0x21b: {  	v11 =	vld.idx.msk [tilespmem:v60+s16+$0x0], $0xffff;
	_ =	sdelay $0x1  }
0x21c: {  	v12 =	vmov s9  }
0x21d: {  	vm15 =	veq.s32 v12, v0  }
0x21e: {  	v8 =	vsel vm15, $0xFF800000, v8  }
0x21f: {  	(xrf0) =	vmax.scan.msk.f32 $0xffff, v8;
	v8 =	vxor.u32 $0x80000000, v11  }
0x220: {  	(xrf0) =	vmax.scan.msk.u32 $0xffff, v8;
	_ =	sdelay $0x4  }
0x221: {  	v8, _, _ =	vpop (xrf0)  }
0x222: {  	v61, _, _ =	vpop (xrf0)  }
0x223: {  	(v2sf) =	vpush v61, $0xF;
	_ =	sdelay $0x9  }
0x224: {  	s5 =	sxor.u32 $0x80000000, s5  }
0x225: {  	v62 =	vmov s5  }
0x226: {  	v63 =	vmov s1;
	_ =	sdelay $0x1  }
0x227: {  	s30 =	sshll.u32 s1, $0x3;
	s1 =	sadd.s32 $0x1, s1;
	v8 =	vbroadcast v8, $0xF  }
0x228: {  	p2 =	sne.s32 s1, $0xC8;
	[tilespmem:v60+s6+$0x0] =	vst.idx.msk $0x1, v1;
	s14 =	spop (v2sf)  }
.Ltmp29:
0x229: {  	[tilespmem:v62+s19+$0x0] =	vst.idx.msk $0x1, v8;
	s29 =	sand.u32 $0x1FFFFFFF, s14;
	s5 =	sadd.s32 s10, s14;
	(pc) =	sbr.rel @!p2 .LBB2_44-.Ltmp29, $4  }
0x22a: {  	s11 =	sadd.s32 $0xF6F8, s30;
	[tilespmem:v63+s18+$0x0] =	vst.idx.msk $0x1, v10;
	s8 =	sadd.s32 s4, s29;
	s5 =	sand.u32 $0x1FFFFFFF, s5  }
0x22b: {  	[tilespmem:s11], [sflag:$0x1] =	stream.linear.gather [hbm4b:s8+s2], $0x8, $0x38;
	[tilespmem:$0x10668] =	vst v63  }
0x22c: {  	s31 =	sadd.s32 $0xF078, s30;
	s5 =	sadd.s32 s3, s5  }
0x22d: {  	[tilespmem:s31], [sflag:$0x1] =	stream.linear.gather [hbm4b:s5+s2], $0x8, $0x38;
	[tilespmem:$0x10668] =	vst v63  }
.LBB2_35:
.Ltmp30:
0x22e: {  	(pc) =	sbr.rel @p1 .LBB2_36-.Ltmp30, $2  }
0x22f: {  	_ =	sdelay $0x2  }
0x230: {  	v8 =	vimm.f32 $-Inf  }
0x231: {  	p3 =	sne.s32 s0, $0x1  }
.Ltmp31:
0x232: {  	_ = 	snop;
	(pc) =	sbr.rel @!p3 .LBB2_38-.Ltmp31, $2  }
0x233: {  	_ =	sdelay $0x2  }
0x234: {  	v9 =	vimm.s32 $0x0;
	s8 =	simm.s32 $0xEAA0;
	s5 =	simm.s32 $0x1;
	p2 =	por $0x0, $0x0  }
0x235: {  	v10 =	vld [tilespmem:s8+$0x0];
	p3 =	sne.s32 s0, $0x2  }
.Ltmp32:
0x236: {  	_ = 	snop;
	(pc) =	sbr.rel @!p3 .LBB2_40-.Ltmp32, $3  }
0x237: {  	_ =	sdelay $0x1  }
0x238: {  	s11 =	simm.s32 $0x2  }
0x239: {  	s8 =	simm.s32 $0xEAB0;
	p2 =	por $0x1, $0x1;
	v11 =	vimm.f32 $-Inf;
	s9 =	simm.s32 $0x0;
	v12 =	vimm.s32 $0x0;
	vm0 =	vgt.f32 v10, v8  }
.LBB2_41:
0x23a: {  	v12 =	vsel vm0, s9, v12;
	s9 =	smov.u32 s5;
	s5 =	smov.u32 s11;
	s11 =	sadd.s32 $0x1, s11  }
0x23b: {  	v11 =	vsel vm0, v10, v11;
	v10 =	vld [tilespmem:s8+$0x0];
	p3 =	sne.s32 s0, s11  }
.Ltmp33:
0x23c: {  	(pc) =	sbr.rel @p3 .LBB2_41-.Ltmp33, $2  }
0x23d: {  	_ =	sdelay $0x2  }
0x23e: {  	s8 =	sadd.s32 $0x10, s8;
	vm0 =	vgt.f32 v10, v11  }
.LBB2_42:
0x23f: {  	v13 =	vld [tilespmem:s8+$0x0];
	_ =	sdelay $0x2  }
0x240: {  	v10 =	vsel @p2 vm0, v10, v11  }
.Ltmp34:
0x241: {  	v11 =	vsel @p2 vm0, s9, v12;
	v8 =	vpsel p2, v10, v8;
	(pc) =	sbr.rel .LBB2_43-.Ltmp34, $4  }
0x242: {  	v9 =	vpsel p2, v11, v9;
	vm15 =	vgt.f32 v13, v8  }
0x243: {  	v9 =	vsel vm15, s5, v9  }
0x244: {  	v9 =	vshll.u32 v9, $0x4  }
0x245: {  	v8 =	vsel vm15, v13, v8;
	v9 =	vxor.u32 v5, v9  }
.LBB2_38:
.Ltmp35:
0x246: {  	(pc) =	sbr.rel .LBB2_42-.Ltmp35, $2  }
0x247: {  	_ =	sdelay $0x2  }
0x248: {  	v11 =	vimm.f32 $-Inf;
	v12 =	vimm.s32 $0x0;
	s5 =	simm.s32 $0x0  }
.LBB2_40:
.Ltmp36:
0x249: {  	(pc) =	sbr.rel .LBB2_42-.Ltmp36, $2  }
0x24a: {  	_ =	sdelay $0x2  }
0x24b: {  	v11 =	vimm.f32 $-Inf;
	s9 =	simm.s32 $0x0;
	v12 =	vimm.s32 $0x0  }
.LBB2_44:
0x24c: {  	s29 =	simm.s32 $0x0  }
0x24d: {  	v8 =	vmov s29  }
0x24e: {  	v8 =	vshll.u32 v8, $0x3  }
0x24f: {  	_ =	swait.ge [sflag:s17], $0x640;
	v8 =	vor.u32 v6, v8  }
0x250: {  	[sflag:s17] =	ssyncset.done $0x0;
	v9 =	vor.u32 $0x2, v8  }
0x251: {  	[sflag:s17] =	ssyncadd.s32 $0xFFFFF9C0;
	v10 =	vor.u32 $0x3, v8  }
0x252: {  	_ =	swait.ge [sflag:s17], $0x640  }
0x253: {  	[sflag:s17] =	ssyncset.done $0x0  }
0x254: {  	[sflag:s17] =	ssyncadd.s32 $0xFFFFF9C0  }
0x255: {  	v11 =	vld.idx.msk [tilespmem:v9+s21+$0x0], $0xffff  }
0x256: {  	v12 =	vld.idx.msk [tilespmem:v10+s21+$0x0], $0xffff;
	_ =	sdelay $0x3  }
0x257: {  	v11 =	vmul.f32 $2.000000030e-01, v11  }
0x258: {  	v12 =	vmul.f32 $2.000000030e-01, v12  }
0x259: {  	v11 =	vmul.f32 $1.442695020e+00, v11  }
0x25a: {  	v13 =	vor.u32 $0x1, v8;
	v12 =	vmul.f32 $1.442695020e+00, v12  }
0x25b: {  	(erf) = vpow2.f32 v11  }
0x25c: {  	(erf) = vpow2.f32 v12;
	_ =	sdelay $0x1  }
0x25d: {  	v11 =	vld.idx.msk [tilespmem:v8+s21+$0x0], $0xffff  }
0x25e: {  	v59 =	vld.idx.msk [tilespmem:v13+s21+$0x0], $0xffff  }
0x25f: {  	v9 =	vld.idx.msk [tilespmem:v9+s20+$0x0], $0xffff  }
0x260: {  	v10 =	vld.idx.msk [tilespmem:v10+s20+$0x0], $0xffff  }
0x261: {  	v8 =	vld.idx.msk [tilespmem:v8+s20+$0x0], $0xffff  }
0x262: {  	v13 =	vld.idx.msk [tilespmem:v13+s20+$0x0], $0xffff;
	v11 =	vmul.f32 $1.000000010e-01, v11  }
0x263: {  	v12 =	vmul.f32 $1.000000010e-01, v59;
	v14 =	vpop (erf)  }
0x264: {  	v11 =	vmul.f32 v11, v9;
	v9 =	vmul.f32 v14, v9;
	v60 =	vpop (erf)  }
0x265: {  	v12 =	vmul.f32 v12, v10;
	v10 =	vmul.f32 v60, v10  }
0x266: {  	v8 =	vadd.f32 v11, v8;
	v9 =	vmul.f32 v9, v4  }
0x267: {  	v11 =	vadd.f32 v12, v13;
	v10 =	vmul.f32 v10, v4  }
0x268: {  	v61 =	vsub.f32 v8, v9;
	v8 =	vadd.f32 v9, v8  }
0x269: {  	v9 =	vsub.f32 v11, v10;
	v10 =	vadd.f32 v10, v11  }
0x26a: {  	s30 =	simm.s32 $0xFD78  }
0x26b: {  	s31 =	simm.s32 $0xFE48;
	[tilespmem:s30+$0x0] =	vst v61;
	v11 =	vsub.f32 v8, v61;
	v62 =	vsub.f32 v10, v9  }
0x26c: {  	s0 =	simm.s32 $0xFF18;
	[tilespmem:s31+$0x0] =	vst v9  }
0x26d: {  	s1 =	simm.s32 $0xFFE8;
	[tilespmem:s0+$0x0] =	vst v8;
	v8 =	vmul.f32 v62, v11  }
0x26e: {  	s12 =	simm.s32 $0x100B8;
	[tilespmem:s1+$0x0] =	vst v10  }
0x26f: {  	s13 =	simm.s32 $0xEFA8;
	[tilespmem:s12+$0x0] =	vst v8  }
0x270: {  	s14 =	simm.s32 $0x10;
	v63 =	vld [tilespmem:s13+$0x0]  }
0x271: {  	v8 =	vmov s14  }
0x272: {  	v8 =	vshll.u32 v8, $0x3  }
0x273: {  	s8 =	simm.s32 $0x10188;
	v8 =	vor.u32 v6, v8  }
0x274: {  	s5 =	simm.s32 $0xFF28;
	s0 =	simm.s32 $0x10198;
	s1 =	simm.s32 $0xEFB8;
	v10 =	vor.u32 $0x2, v8  }
0x275: {  	s14 =	simm.s32 $0x20;
	s12 =	simm.s32 $0xFFF8;
	s13 =	simm.s32 $0x100C8;
	v9 =	vor.u32 $0x1, v8;
	v11 =	vor.u32 $0x3, v8;
	vm0 =	vgt.f32 v63, $9.900000090e-01  }
.LBB2_45:
0x276: {  	s30 =	sadd.s32 $0x10, s30  }
0x277: {  	v12 =	vsel vm0, $0x1, v2;
	s31 =	sadd.s32 $0x10, s31;
	s11 =	smov.u32 s14;
	s9 =	sadd.s32 $0x10, s14  }
0x278: {  	p1 =	sne.s32 s14, $0xC0;
	[tilespmem:s8+$0x0] =	vst v12;
	s8 =	smov.u32 s0  }
0x279: {  	v12 =	vld.idx.msk [tilespmem:v10+s21+$0x0], $0xffff  }
0x27a: {  	v13 =	vld.idx.msk [tilespmem:v11+s21+$0x0], $0xffff;
	_ =	sdelay $0x4  }
0x27b: {  	v12 =	vmul.f32 $2.000000030e-01, v12  }
0x27c: {  	v13 =	vmul.f32 $2.000000030e-01, v13  }
0x27d: {  	v12 =	vmul.f32 $1.442695020e+00, v12  }
0x27e: {  	v13 =	vmul.f32 $1.442695020e+00, v13  }
0x27f: {  	(erf) = vpow2.f32 v12  }
0x280: {  	v12 =	vld.idx.msk [tilespmem:v9+s21+$0x0], $0xffff;
	(erf) = vpow2.f32 v13  }
0x281: {  	v13 =	vld.idx.msk [tilespmem:v8+s21+$0x0], $0xffff  }
0x282: {  	v11 =	vld.idx.msk [tilespmem:v11+s20+$0x0], $0xffff  }
0x283: {  	v10 =	vld.idx.msk [tilespmem:v10+s20+$0x0], $0xffff  }
0x284: {  	v9 =	vld.idx.msk [tilespmem:v9+s20+$0x0], $0xffff  }
0x285: {  	v8 =	vld.idx.msk [tilespmem:v8+s20+$0x0], $0xffff  }
0x286: {  	v12 =	vmul.f32 $1.000000010e-01, v12  }
0x287: {  	v13 =	vmul.f32 $1.000000010e-01, v13  }
0x288: {  	v12 =	vmul.f32 v12, v11;
	v14 =	vpop (erf)  }
0x289: {  	v13 =	vmul.f32 v13, v10;
	v10 =	vmul.f32 v14, v10;
	v14 =	vpop (erf)  }
0x28a: {  	v11 =	vmul.f32 v14, v11  }
0x28b: {  	v9 =	vadd.f32 v12, v9;
	v8 =	vadd.f32 v13, v8;
	v10 =	vmul.f32 v10, v4  }
0x28c: {  	v11 =	vmul.f32 v11, v4  }
0x28d: {  	v12 =	vsub.f32 v8, v10;
	v8 =	vadd.f32 v10, v8  }
0x28e: {  	v10 =	vsub.f32 v9, v11;
	v9 =	vadd.f32 v11, v9  }
0x28f: {  	[tilespmem:s30+$0x0] =	vst v12;
	v11 =	vsub.f32 v8, v12  }
0x290: {  	[tilespmem:s31+$0x0] =	vst v10;
	v10 =	vsub.f32 v9, v10  }
0x291: {  	[tilespmem:s5+$0x0] =	vst v8  }
0x292: {  	[tilespmem:s12+$0x0] =	vst v9;
	v8 =	vmul.f32 v10, v11;
	_ =	sdelay $0x1  }
0x293: {  	[tilespmem:s13+$0x0] =	vst v8  }
0x294: {  	v8 =	vmov s11;
	v12 =	vld [tilespmem:s1+$0x0]  }
.Ltmp37:
0x295: {  	v8 =	vshll.u32 v8, $0x3;
	(pc) =	sbr.rel @p1 .LBB2_45-.Ltmp37, $4  }
0x296: {  	v8 =	vor.u32 v6, v8  }
0x297: {  	v9 =	vor.u32 $0x1, v8;
	v10 =	vor.u32 $0x2, v8;
	v11 =	vor.u32 $0x3, v8  }
0x298: {  	s0 =	sadd.s32 $0x10, s0;
	s14 =	smov.u32 s9;
	s1 =	sadd.s32 $0x10, s1  }
0x299: {  	s5 =	sadd.s32 $0x10, s5;
	s12 =	sadd.s32 $0x10, s12;
	s13 =	sadd.s32 $0x10, s13;
	vm0 =	vgt.f32 v12, $9.900000090e-01  }
0x29a: {  	_ =	sdelay $0x1  }
0x29b: {  	v12 =	vsel vm0, $0x1, v2  }
0x29c: {  	[tilespmem:s8+$0x0] =	vst v12  }
0x29d: {  	v12 =	vld.idx.msk [tilespmem:v10+s21+$0x0], $0xffff  }
0x29e: {  	v13 =	vld.idx.msk [tilespmem:v11+s21+$0x0], $0xffff;
	_ =	sdelay $0x3  }
0x29f: {  	v12 =	vmul.f32 $2.000000030e-01, v12  }
0x2a0: {  	v13 =	vmul.f32 $2.000000030e-01, v13  }
0x2a1: {  	v12 =	vmul.f32 $1.442695020e+00, v12  }
0x2a2: {  	v13 =	vmul.f32 $1.442695020e+00, v13  }
0x2a3: {  	(erf) = vpow2.f32 v12  }
0x2a4: {  	(erf) = vpow2.f32 v13;
	_ =	sdelay $0x1  }
0x2a5: {  	v55 =	vld.idx.msk [tilespmem:v8+s21+$0x0], $0xffff  }
0x2a6: {  	v56 =	vld.idx.msk [tilespmem:v9+s21+$0x0], $0xffff  }
0x2a7: {  	v57 =	vld.idx.msk [tilespmem:v10+s20+$0x0], $0xffff  }
0x2a8: {  	v58 =	vld.idx.msk [tilespmem:v11+s20+$0x0], $0xffff  }
0x2a9: {  	v8 =	vld.idx.msk [tilespmem:v8+s20+$0x0], $0xffff  }
0x2aa: {  	v59 =	vld.idx.msk [tilespmem:v9+s20+$0x0], $0xffff;
	v12 =	vmul.f32 $1.000000010e-01, v55  }
0x2ab: {  	v13 =	vmul.f32 $1.000000010e-01, v56;
	v14 =	vpop (erf)  }
0x2ac: {  	v12 =	vmul.f32 v12, v57;
	v10 =	vmul.f32 v14, v57;
	v60 =	vpop (erf)  }
0x2ad: {  	v13 =	vmul.f32 v13, v58;
	v11 =	vmul.f32 v60, v58  }
0x2ae: {  	v8 =	vadd.f32 v12, v8;
	v10 =	vmul.f32 v10, v4  }
0x2af: {  	v9 =	vadd.f32 v13, v59;
	v11 =	vmul.f32 v11, v4  }
0x2b0: {  	v12 =	vsub.f32 v8, v10;
	v8 =	vadd.f32 v10, v8  }
0x2b1: {  	v61 =	vsub.f32 v9, v11;
	v9 =	vadd.f32 v11, v9  }
0x2b2: {  	s30 =	sadd.s32 $0x10, s30  }
0x2b3: {  	s9 =	sadd.s32 $0x10, s31;
	[tilespmem:s30+$0x0] =	vst v12;
	v62 =	vsub.f32 v8, v12;
	v63 =	vsub.f32 v9, v61  }
0x2b4: {  	[tilespmem:s9+$0x0] =	vst v61  }
0x2b5: {  	[tilespmem:s5+$0x0] =	vst v8;
	v8 =	vmul.f32 v63, v62  }
0x2b6: {  	[tilespmem:s12+$0x0] =	vst v9  }
0x2b7: {  	[tilespmem:s13+$0x0] =	vst v8  }
0x2b8: {  	v8 =	vld [tilespmem:s1+$0x0];
	_ =	sdelay $0x2  }
.Ltmp38:
0x2b9: {  	_ = 	snop;
	(pc) =	sbr.rel .LBB2_47-.Ltmp38, $4  }
0x2ba: {  	_ = 	snop  }
0x2bb: {  	vm15 =	vgt.f32 v8, $9.900000090e-01  }
0x2bc: {  	v8 =	vsel vm15, $0x1, v2  }
0x2bd: {  	[tilespmem:s0+$0x0] =	vst v8  }
.LBB2_50:
0x2be: {  	s29 =	sadd.s32 $0x1, s29  }
0x2bf: {  	p1 =	sne.s32 s29, $0xC8  }
.Ltmp39:
0x2c0: {  	_ = 	snop;
	(pc) =	sbr.rel @!p1 .LBB2_51-.Ltmp39, $2  }
0x2c1: {  	_ =	sdelay $0x2  }
0x2c2: {  	s0 =	simm.s32 $0x0  }
.LBB2_47:
0x2c3: {  	s0 =	sand.u32 $0xF0, s29  }
0x2c4: {  	v8 =	vld [tilespmem:s0+$0x10188];
	_ =	sdelay $0x2  }
0x2c5: {  	s30 =	sand.u32 $0xF, s29  }
0x2c6: {  	v9 =	vmov s30  }
0x2c7: {  	vm0 =	veq.s32 v9, v0;
	v8 =	vxor.u32 $0x80000000, v8  }
0x2c8: {  	v8 =	vnsel vm0, $0x80000000, v8  }
0x2c9: {  	(xrf0) =	vmax.scan.msk.u32 $0xffff, v8;
	_ =	sdelay $0x5  }
0x2ca: {  	v8, _, _ =	vpop (xrf0)  }
0x2cb: {  	(v2sf) =	vpush v8, $0xF;
	_ =	sdelay $0xe  }
0x2cc: {  	s31 =	spop (v2sf)  }
0x2cd: {  	p1 =	slt.u32 s31, $0x80000001  }
.Ltmp40:
0x2ce: {  	_ = 	snop;
	(pc) =	sbr.rel @p1 .LBB2_50-.Ltmp40, $1  }
0x2cf: {  	_ =	sdelay $0x3  }
0x2d0: {  	v8 =	vmov s29;
	s9 =	sand.u32 $0x3FFFFFF0, s29  }
0x2d1: {  	s11 =	sadd.s32 $0xFD78, s9  }
0x2d2: {  	s0 =	sadd.s32 $0xFF18, s9;
	v13 =	vld [tilespmem:s11+$0x0]  }
0x2d3: {  	s1 =	sadd.s32 $0xFE48, s9;
	v14 =	vld [tilespmem:s0+$0x0]  }
0x2d4: {  	v15 =	vld [tilespmem:s1+$0x0]  }
0x2d5: {  	v9 =	vld.idx.msk [tilespmem:v8+s22+$0x0], $0xffff  }
0x2d6: {  	v10 =	vld.idx.msk [tilespmem:v8+s23+$0x0], $0xffff  }
0x2d7: {  	v11 =	vld.idx.msk [tilespmem:v8+s24+$0x0], $0xffff  }
0x2d8: {  	s5 =	sadd.s32 $0xFFE8, s9;
	v12 =	vld.idx.msk [tilespmem:v8+s25+$0x0], $0xffff  }
0x2d9: {  	v16 =	vld [tilespmem:s5+$0x0];
	_ =	sdelay $0x2  }
0x2da: {  	s8 =	sadd.s32 $0x100B8, s9  }
0x2db: {  	v19 =	vld [tilespmem:s8+$0x0];
	v17 =	vsub.f32 v11, v9;
	v18 =	vsub.f32 v12, v10;
	v13 =	vmax.f32 v9, v13  }
0x2dc: {  	v15 =	vmax.f32 v10, v15;
	v14 =	vmin.f32 v11, v14;
	v16 =	vmin.f32 v12, v16  }
0x2dd: {  	v14 =	vsub.f32 v14, v13;
	v15 =	vsub.f32 v16, v15  }
0x2de: {  	v13 =	vmul.f32 v18, v17  }
0x2df: {  	v14 =	vmax.f32 v14, $0.0e+00;
	v15 =	vmax.f32 v15, $0.0e+00  }
0x2e0: {  	v14 =	vmul.f32 v15, v14;
	v15 =	vadd.f32 v19, v13;
	_ =	sdelay $0x1  }
0x2e1: {  	v15 =	vsub.f32 v15, v14;
	_ =	sdelay $0x1  }
0x2e2: {  	(erf) = vrcp.f32 v15;
	_ =	sdelay $0x6  }
0x2e3: {  	s13 =	sshrl.u32 s29, $0x4  }
0x2e4: {  	s9 =	sadd.s32 $0x10188, s9;
	s13 =	sadd.s32 $0xFFFFFFFF, s13  }
0x2e5: {  	s13 =	sadd.s32 $0x1, s13;
	v15 =	vld [tilespmem:s9+$0x0];
	v62 =	vpop (erf)  }
0x2e6: {  	s12 =	sand.u32 $0xFFFFFFF0, s29;
	p1 =	slt.u32 s13, $0xC;
	v14 =	vmul.f32 v62, v14  }
.Ltmp41:
0x2e7: {  	v63 =	vor.u32 s12, v0;
	(pc) =	sbr.rel @!p1 .LBB2_50-.Ltmp41, $4  }
0x2e8: {  	vm1 =	vgt.u32 v63, v8;
	vm0 =	vgt.f32 v14, $4.499999880e-01  }
0x2e9: {  	vm0 =	vmand vm1, vm0  }
0x2ea: {  	v14 =	vsel vm0, $0x0, v15  }
0x2eb: {  	s11 =	sadd.s32 $0x10, s11;
	[tilespmem:s9+$0x0] =	vst v14  }
.LBB2_49:
0x2ec: {  	v14 =	vld [tilespmem:s11+$0x0];
	s0 =	sadd.s32 $0x10, s0  }
0x2ed: {  	s1 =	sadd.s32 $0x10, s1;
	v15 =	vld [tilespmem:s0+$0x0]  }
0x2ee: {  	s5 =	sadd.s32 $0x10, s5;
	v16 =	vld [tilespmem:s1+$0x0]  }
0x2ef: {  	s13 =	sadd.s32 $0x1, s13;
	v17 =	vld [tilespmem:s5+$0x0]  }
0x2f0: {  	p1 =	slt.u32 s13, $0xC;
	_ =	sdelay $0x1  }
0x2f1: {  	s8 =	sadd.s32 $0x10, s8  }
0x2f2: {  	v14 =	vmax.f32 v9, v14;
	v18 =	vld [tilespmem:s8+$0x0]  }
0x2f3: {  	v15 =	vmin.f32 v11, v15;
	v16 =	vmax.f32 v10, v16;
	v17 =	vmin.f32 v12, v17  }
0x2f4: {  	v14 =	vsub.f32 v15, v14;
	v15 =	vsub.f32 v17, v16;
	_ =	sdelay $0x1  }
0x2f5: {  	v14 =	vmax.f32 v14, $0.0e+00;
	v15 =	vmax.f32 v15, $0.0e+00  }
0x2f6: {  	v14 =	vmul.f32 v15, v14;
	v15 =	vadd.f32 v18, v13;
	_ =	sdelay $0x1  }
0x2f7: {  	v15 =	vsub.f32 v15, v14;
	_ =	sdelay $0x1  }
0x2f8: {  	(erf) = vrcp.f32 v15;
	_ =	sdelay $0x7  }
0x2f9: {  	s9 =	sadd.s32 $0x10, s9  }
0x2fa: {  	v15 =	vld [tilespmem:s9+$0x0];
	v16 =	vpop (erf)  }
0x2fb: {  	s12 =	sadd.s32 $0x10, s12;
	v14 =	vmul.f32 v16, v14  }
.Ltmp42:
0x2fc: {  	v16 =	vor.u32 s12, v0;
	(pc) =	sbr.rel @p1 .LBB2_49-.Ltmp42, $4  }
0x2fd: {  	vm1 =	vgt.u32 v16, v8;
	vm0 =	vgt.f32 v14, $4.499999880e-01  }
0x2fe: {  	vm0 =	vmand vm1, vm0  }
0x2ff: {  	v14 =	vsel vm0, $0x0, v15  }
0x300: {  	s11 =	sadd.s32 $0x10, s11;
	[tilespmem:s9+$0x0] =	vst v14  }
.Ltmp43:
0x301: {  	_ = 	snop;
	(pc) =	sbr.rel .LBB2_50-.Ltmp43, $1  }
0x302: {  	_ =	sdelay $0x3  }
.LBB2_51:
0x303: {  	s1 =	simm.s32 $0x40;
	s5 =	simm.s32 $0x0  }
.LBB2_52:
0x304: {  	p1 =	sne.s32 s1, $0x1000;
	[tilespmem:s5+$0x10258] =	vst v7;
	s5 =	smov.u32 s1;
	s1 =	sadd.s32 $0x40, s1  }
.Ltmp44:
0x305: {  	(pc) =	sbr.rel @p1 .LBB2_52-.Ltmp44, $2  }
0x306: {  	_ =	sdelay $0x2  }
0x307: {  	s5 =	sshra.s32 s5, $0x2  }
0x308: {  	[tilespmem:s5+$0x10258] =	vst v7;
	s1 =	simm.s32 $0x0  }
0x309: {  	v8 =	vld [tilespmem:s1+$0x10188];
	_ =	sdelay $0x4  }
0x30a: {  	vm0 =	vgt.s32 v8, $0x0  }
0x30b: {  	v9 =	vsel vm0, $0x1, v2  }
0x30c: {  	(xrf0) =	vadd.scan.msk.s32 $0xffff, v9;
	_ =	sdelay $0x5  }
0x30d: {  	v9, _, _ =	vpop (xrf0)  }
0x30e: {  	v10 =	vxor.u32 $0x80000000, v9  }
0x30f: {  	(xrf0) =	vmax.scan.msk.u32 $0xffff, v10;
	_ =	sdelay $0x5  }
0x310: {  	v10, _, _ =	vpop (xrf0)  }
0x311: {  	(v2sf) =	vpush v10, $0xF;
	_ =	sdelay $0xe  }
0x312: {  	s31 =	spop (v2sf)  }
0x313: {  	s1 =	sxor.u32 $0x80000000, s31  }
0x314: {  	p2 =	slt.s32 s1, $0x1  }
0x315: {  	vm0 =	vgt.s32 @!p2 v8, $0x0;
	v8 =	vadd.s32 @!p2 s0, v9;
	s11 =	simm.s32 @!p2 $0x0  }
0x316: {  	v9 =	vadd.s32 @!p2 $0xFFFFFFFF, v8;
	v10 =	vld @!p2 [tilespmem:s11+$0xEFA8];
	_ =	sdelay $0x3  }
0x317: {  	s9 =	simm.s32 @!p2 $0x10258  }
0x318: {  	[tilespmem:v9+s9+$0x0] =	vst.idx.msk @!p2 vm0, v10  }
0x319: {  	v9 =	vadd.s32 @!p2 $0xCF, v8;
	v10 =	vld @!p2 [tilespmem:s11+$0xFD78];
	_ =	sdelay $0x4  }
0x31a: {  	[tilespmem:v9+s9+$0x0] =	vst.idx.msk @!p2 vm0, v10  }
0x31b: {  	v9 =	vadd.s32 @!p2 $0x19F, v8;
	v10 =	vld @!p2 [tilespmem:s11+$0xFE48];
	_ =	sdelay $0x4  }
0x31c: {  	[tilespmem:v9+s9+$0x0] =	vst.idx.msk @!p2 vm0, v10  }
0x31d: {  	v9 =	vadd.s32 @!p2 $0x26F, v8;
	v10 =	vld @!p2 [tilespmem:s11+$0xFF18];
	_ =	sdelay $0x4  }
0x31e: {  	s5 =	sadd.s32 $0x0, s1;
	[tilespmem:v9+s9+$0x0] =	vst.idx.msk @!p2 vm0, v10  }
0x31f: {  	s8 =	simm.s32 $0x80;
	s0 =	simm.s32 $0x40;
	s1 =	smov.u32 s5;
	v8 =	vadd.s32 @!p2 $0x33F, v8;
	v9 =	vld @!p2 [tilespmem:s11+$0xFFE8]  }
.LBB2_54:
0x320: {  	_ =	sdelay $0x3  }
0x321: {  	s11 =	sshra.s32 s0, $0x2;
	[tilespmem:v8+s9+$0x0] =	vst.idx.msk @!p2 vm0, v9;
	s9 =	smov.u32 s8;
	s8 =	sadd.s32 $0x40, s8  }
0x322: {  	p1 =	sne.s32 s8, $0x340;
	v8 =	vld [tilespmem:s11+$0x10188];
	_ =	sdelay $0x4  }
0x323: {  	vm0 =	vgt.s32 v8, $0x0  }
0x324: {  	v9 =	vsel vm0, $0x1, v2  }
0x325: {  	(xrf0) =	vadd.scan.msk.s32 $0xffff, v9;
	_ =	sdelay $0x5  }
0x326: {  	v9, _, _ =	vpop (xrf0)  }
0x327: {  	v10 =	vxor.u32 $0x80000000, v9  }
0x328: {  	(xrf0) =	vmax.scan.msk.u32 $0xffff, v10;
	_ =	sdelay $0x5  }
0x329: {  	v10, _, _ =	vpop (xrf0)  }
0x32a: {  	(v2sf) =	vpush v10, $0xF;
	_ =	sdelay $0xe  }
0x32b: {  	s11 =	spop (v2sf)  }
0x32c: {  	s11 =	sxor.u32 $0x80000000, s11  }
0x32d: {  	p2 =	slt.s32 s11, $0x1;
	s5 =	sadd.s32 s5, s11  }
0x32e: {  	vm0 =	vgt.s32 @!p2 v8, $0x0;
	v8 =	vadd.s32 @!p2 s1, v9;
	s11 =	sshra.s32 @!p2 s0, $0x2;
	s0 =	smov.u32 s9;
	s1 =	smov.u32 s5  }
0x32f: {  	v9 =	vadd.s32 @!p2 $0xFFFFFFFF, v8;
	v10 =	vld @!p2 [tilespmem:s11+$0xEFA8];
	v11 =	vadd.s32 @!p2 $0xCF, v8;
	v12 =	vadd.s32 @!p2 $0x19F, v8  }
0x330: {  	v13 =	vadd.s32 @!p2 $0x26F, v8;
	v8 =	vadd.s32 @!p2 $0x33F, v8;
	_ =	sdelay $0x2  }
0x331: {  	s9 =	simm.s32 @!p2 $0x10258  }
0x332: {  	[tilespmem:v9+s9+$0x0] =	vst.idx.msk @!p2 vm0, v10  }
0x333: {  	v9 =	vld @!p2 [tilespmem:s11+$0xFD78];
	_ =	sdelay $0x4  }
0x334: {  	[tilespmem:v11+s9+$0x0] =	vst.idx.msk @!p2 vm0, v9  }
0x335: {  	v9 =	vld @!p2 [tilespmem:s11+$0xFE48];
	_ =	sdelay $0x4  }
0x336: {  	[tilespmem:v12+s9+$0x0] =	vst.idx.msk @!p2 vm0, v9  }
0x337: {  	v9 =	vld @!p2 [tilespmem:s11+$0xFF18];
	_ =	sdelay $0x1  }
.Ltmp45:
0x338: {  	(pc) =	sbr.rel @p1 .LBB2_54-.Ltmp45, $3  }
0x339: {  	_ =	sdelay $0x1  }
0x33a: {  	[tilespmem:v13+s9+$0x0] =	vst.idx.msk @!p2 vm0, v9  }
0x33b: {  	v9 =	vld @!p2 [tilespmem:s11+$0xFFE8]  }
0x33c: {  	_ =	sdelay $0x4  }
0x33d: {  	s5 =	sshra.s32 s0, $0x2;
	[tilespmem:v8+s9+$0x0] =	vst.idx.msk @!p2 vm0, v9  }
0x33e: {  	v8 =	vld [tilespmem:s5+$0x10188];
	_ =	sdelay $0x4  }
0x33f: {  	vm15 =	vgt.s32 v8, $0x0  }
0x340: {  	v63 =	vsel vm15, $0x1, v2  }
0x341: {  	(xrf0) =	vadd.scan.msk.s32 $0xffff, v63;
	_ =	sdelay $0x5  }
0x342: {  	v9, _, _ =	vpop (xrf0)  }
0x343: {  	v10 =	vxor.u32 $0x80000000, v9  }
0x344: {  	(xrf0) =	vmax.scan.msk.u32 $0xffff, v10;
	_ =	sdelay $0x5  }
0x345: {  	v10, _, _ =	vpop (xrf0)  }
0x346: {  	(v2sf) =	vpush v10, $0xF;
	_ =	sdelay $0xe  }
0x347: {  	s30 =	spop (v2sf)  }
0x348: {  	s5 =	sxor.u32 $0x80000000, s30  }
0x349: {  	p1 =	slt.s32 s5, $0x1  }
0x34a: {  	vm0 =	vgt.s32 @!p1 v8, $0x0;
	v8 =	vadd.s32 @!p1 s1, v9;
	s0 =	sshra.s32 @!p1 s0, $0x2  }
0x34b: {  	v9 =	vadd.s32 @!p1 $0xFFFFFFFF, v8;
	v10 =	vld @!p1 [tilespmem:s0+$0xEFA8];
	_ =	sdelay $0x3  }
0x34c: {  	s1 =	simm.s32 @!p1 $0x10258  }
0x34d: {  	[tilespmem:v9+s1+$0x0] =	vst.idx.msk @!p1 vm0, v10  }
0x34e: {  	v9 =	vadd.s32 @!p1 $0xCF, v8;
	v10 =	vld @!p1 [tilespmem:s0+$0xFD78];
	_ =	sdelay $0x4  }
0x34f: {  	[tilespmem:v9+s1+$0x0] =	vst.idx.msk @!p1 vm0, v10  }
0x350: {  	v9 =	vadd.s32 @!p1 $0x19F, v8;
	v10 =	vld @!p1 [tilespmem:s0+$0xFE48];
	_ =	sdelay $0x4  }
0x351: {  	[tilespmem:v9+s1+$0x0] =	vst.idx.msk @!p1 vm0, v10  }
0x352: {  	v9 =	vadd.s32 @!p1 $0x26F, v8;
	v10 =	vld @!p1 [tilespmem:s0+$0xFF18];
	_ =	sdelay $0x4  }
0x353: {  	[tilespmem:v9+s1+$0x0] =	vst.idx.msk @!p1 vm0, v10  }
0x354: {  	v8 =	vadd.s32 @!p1 $0x33F, v8;
	v9 =	vld @!p1 [tilespmem:s0+$0xFFE8];
	_ =	sdelay $0x4  }
.Ltmp46:
0x355: {  	s31 =	rddreg [dreg:$0x5];
	[tilespmem:v8+s1+$0x0] =	vst.idx.msk @!p1 vm0, v9;
	(pc) =	sbr.rel @p0 .LBB2_84-.Ltmp46, $4  }
0x356: {  	[hbm4b:s31+s2] =	stream.linear.scatter [tilespmem:s26], [sflag:$0x2], $0x410, $0x38;
	[tilespmem:$0x10668] =	vst v63  }
0x357: {  	_ =	swait.ge [sflag:s15], $0x410  }
0x358: {  	[sflag:s15] =	ssyncset.done $0x0  }
0x359: {  	[sflag:s15] =	ssyncadd.s32 $0xFFFFFBF0  }
0x35a: {  	s0 =	simm.s32 $0x0;
	s1 =	rddreg [dreg:$0x6]  }
0x35b: {  	[tilespmem:s0], [sflag:$0x2] =	stream.linear.gather [hbm4b:s1+s0], $0x4E20, $0x38;
	[tilespmem:$0x10668] =	vst v63  }
0x35c: {  	_ =	swait.ge [sflag:s15], $0x4E20  }
0x35d: {  	[sflag:s15] =	ssyncset.done $0x0  }
0x35e: {  	[sflag:s15] =	ssyncadd.s32 $0xFFFFB1E0  }
0x35f: {  	v10 =	vld [tilespmem:s0+$0x0];
	_ =	sdelay $0x4  }
0x360: {  	vm0 =	vgt.f32 v10, $9.900000090e-01  }
0x361: {  	v8 =	vmpcnt.ones.xlane vm0;
	_ =	sdelay $0x1  }
0x362: {  	(v2sf) =	vpush v8, $0x0;
	_ =	sdelay $0xe  }
0x363: {  	s31 =	spop (v2sf)  }
0x364: {  	p1 =	slt.s32 s31, $0x1  }
0x365: {  	vm0 =	vgt.f32 @!p1 v10, $9.900000090e-01;
	v8 =	vimm.s32 @!p1 $0x0  }
0x366: {  	v8 =	vsel @!p1 vm0, $0x1, v8  }
0x367: {  	(xrf0) =	vadd.scan.msk.s32 @!p1 $0xffff, v8;
	_ =	sdelay $0x2  }
0x368: {  	v8 =	vmov @!p1 s0  }
0x369: {  	v8 =	vadd.s32 @!p1 $0xFFFFFFFF, v8  }
0x36a: {  	v8 =	vbroadcast @!p1 v8, $0x0  }
0x36b: {  	v9, _, _ =	vpop @!p1 (xrf0)  }
0x36c: {  	v9 =	vadd.s32 @!p1 v9, v8;
	_ =	sdelay $0x3  }
0x36d: {  	s8 =	simm.s32 @!p1 $0x4E20;
	v8 =	vlaneseq.u32 @!p1  }
0x36e: {  	s5 =	simm.s32 $0x10;
	s1 =	sadd.s32 $0x0, s31;
	v8 =	vor.u32 @!p1 s0, v8;
	[tilespmem:v9+s8+$0x0] =	vst.idx.msk @!p1 vm0, v10;
	s8 =	simm.s32 @!p1 $0x9C60  }
.LBB2_57:
0x36f: {  	[tilespmem:v9+s8+$0x0] =	vst.idx.msk @!p1 vm0, v8;
	s0 =	sadd.s32 $0x10, s0;
	s8 =	smov.u32 s5;
	s5 =	sadd.s32 $0x10, s5  }
0x370: {  	s9 =	smov.u32 s1;
	v10 =	vld [tilespmem:s0+$0x0];
	p2 =	sne.s32 s5, $0x4E20;
	_ =	sdelay $0x4  }
0x371: {  	vm0 =	vgt.f32 v10, $9.900000090e-01  }
0x372: {  	v8 =	vmpcnt.ones.xlane vm0;
	_ =	sdelay $0x1  }
0x373: {  	(v2sf) =	vpush v8, $0x0;
	_ =	sdelay $0xe  }
0x374: {  	s11 =	spop (v2sf)  }
0x375: {  	p1 =	slt.s32 s11, $0x1;
	s1 =	sadd.s32 s1, s11  }
0x376: {  	vm0 =	vgt.f32 @!p1 v10, $9.900000090e-01;
	v8 =	vimm.s32 @!p1 $0x0;
	v9 =	vmov @!p1 s9  }
0x377: {  	v11 =	vsel @!p1 vm0, $0x1, v8;
	v8 =	vadd.s32 @!p1 $0xFFFFFFFF, v9;
	v9 =	vlaneseq.u32 @!p1  }
0x378: {  	v12 =	vbroadcast @!p1 v8, $0x0;
	v8 =	vor.u32 @!p1 s8, v9;
	(xrf0) =	vadd.scan.msk.s32 @!p1 $0xffff, v11;
	_ =	sdelay $0x5  }
0x379: {  	v9, _, _ =	vpop @!p1 (xrf0)  }
0x37a: {  	v9 =	vadd.s32 @!p1 v9, v12  }
.Ltmp47:
0x37b: {  	(pc) =	sbr.rel @p2 .LBB2_57-.Ltmp47, $3  }
0x37c: {  	_ =	sdelay $0x1  }
0x37d: {  	s8 =	simm.s32 @!p1 $0x4E20  }
0x37e: {  	[tilespmem:v9+s8+$0x0] =	vst.idx.msk @!p1 vm0, v10;
	s8 =	simm.s32 @!p1 $0x9C60  }
0x37f: {  	s0 =	sand.u32 $0xF, s1  }
0x380: {  	s31 =	sshra.s32 s1, $0x1F;
	p3 =	slt.s32 s1, $0x1;
	p2 =	sne.s32 s0, $0x0  }
0x381: {  	s0 =	sshrl.u32 s31, $0x1C;
	p2 =	por !p3, !p2  }
0x382: {  	v10 =	vadd.s32 s1, v0;
	s0 =	sadd.s32 s0, s1;
	s1 =	simm.s32 $0x1;
	p2 =	por !p2, !p2  }
0x383: {  	s5 =	sshra.s32 s0, $0x4;
	s1 =	simm.s32 @!p2 $0x0  }
0x384: {  	s0 =	ssub.s32 s5, s1  }
0x385: {  	[tilespmem:v9+s8+$0x0] =	vst.idx.msk @!p1 vm0, v8;
	p1 =	slt.s32 s0, $0x0  }
.Ltmp48:
0x386: {  	_ = 	snop;
	(pc) =	sbr.rel @p1 .LBB2_62-.Ltmp48, $4  }
0x387: {  	_ = 	snop  }
0x388: {  	[tilespmem:v10+s6+$0x0] =	vst.idx.msk $0xffff, v1  }
0x389: {  	[tilespmem:v10+s16+$0x0] =	vst.idx.msk $0xffff, v2  }
0x38a: {  	[tilespmem:v3+s18+$0x0] =	vst.idx.msk $0xffff, v1  }
0x38b: {  	s1 =	simm.s32 $0x4E20  }
0x38c: {  	v8 =	vld [tilespmem:s1+$0x0];
	_ =	sdelay $0x2  }
0x38d: {  	s8 =	simm.s32 $0xFFFFFFFF  }
0x38e: {  	s8 =	simm.s32 @!p2 $0x0  }
0x38f: {  	s5 =	sadd.s32 s8, s5;
	(xrf0) =	vmax.scan.msk.f32 $0xffff, v8  }
0x390: {  	s5 =	sadd.s32 $0x1, s5  }
0x391: {  	p1 =	sne.s32 s5, $0x1  }
.Ltmp49:
0x392: {  	s9 =	simm.s32 $0x0;
	(pc) =	sbr.rel @!p1 .LBB2_61-.Ltmp49, $3  }
0x393: {  	v8 =	vmov s9;
	_ =	sdelay $0x1  }
0x394: {  	v9, _, _ =	vpop (xrf0)  }
0x395: {  	s8 =	simm.s32 $0x1;
	v9 =	vbroadcast v9, $0xF  }
.LBB2_60:
0x396: {  	_ = 	snop  }
0x397: {  	s1 =	sadd.s32 $0x10, s1;
	s9 =	smov.u32 s8;
	s8 =	sadd.s32 $0x1, s8;
	[tilespmem:v8+s19+$0x0] =	vst.idx.msk $0x1, v9  }
0x398: {  	p1 =	sne.s32 s5, s8;
	v8 =	vld [tilespmem:s1+$0x0];
	_ =	sdelay $0x4  }
0x399: {  	(xrf0) =	vmax.scan.msk.f32 $0xffff, v8;
	_ =	sdelay $0x2  }
.Ltmp50:
0x39a: {  	(pc) =	sbr.rel @p1 .LBB2_60-.Ltmp50, $3  }
0x39b: {  	v8 =	vmov s9;
	_ =	sdelay $0x1  }
0x39c: {  	v9, _, _ =	vpop (xrf0)  }
0x39d: {  	v9 =	vbroadcast v9, $0xF  }
.LBB2_61:
0x39e: {  	_ =	sdelay $0x3  }
0x39f: {  	[tilespmem:v8+s19+$0x0] =	vst.idx.msk $0x1, v9  }
.LBB2_62:
0x3a0: {  	s1 =	sadd.s32 $0x1, s0;
	s5 =	sadd.s32 $0x10, s0;
	s8 =	sand.u32 $0xF, s0  }
0x3a1: {  	p1 =	slt.s32 s0, $0xFFFFFFF1;
	v8 =	vadd.s32 s1, v0;
	s31 =	sshra.s32 s5, $0x1F;
	p2 =	sne.s32 s8, $0x0  }
.Ltmp51:
0x3a2: {  	s0 =	sshrl.u32 s31, $0x1C;
	p1 =	por !p1, !p2;
	(pc) =	sbr.rel .LBB2_63-.Ltmp51, $4  }
0x3a3: {  	s1 =	simm.s32 $0x1;
	s0 =	sadd.s32 s0, s5;
	p1 =	por !p1, !p1  }
0x3a4: {  	s0 =	sshra.s32 s0, $0x4;
	s1 =	simm.s32 @!p1 $0x0  }
0x3a5: {  	s0 =	ssub.s32 s0, s1  }
0x3a6: {  	s1 =	simm.s32 $0x0;
	[tilespmem:v8+s19+$0x0] =	vst.idx.msk $0xffff, v1;
	p1 =	slt.s32 s0, $0x1  }
.LBB2_64:
0x3a7: {  	v10 =	vmov v8  }
.LBB2_71:
0x3a8: {  	(xrf0) =	vmax.scan.msk.f32 $0xffff, v9;
	_ =	sdelay $0x5  }
0x3a9: {  	v11, _, _ =	vpop (xrf0)  }
0x3aa: {  	v11 =	vbroadcast v11, $0xF;
	_ =	sdelay $0x1  }
0x3ab: {  	vm0 =	veq.f32 v9, v11  }
0x3ac: {  	v9 =	vnsel vm0, $0xC0000000, v10  }
0x3ad: {  	(xrf0) =	vmin.scan.msk.u32 $0xffff, v9;
	_ =	sdelay $0x5  }
0x3ae: {  	v9, _, _ =	vpop (xrf0)  }
0x3af: {  	(v2sf) =	vpush v9, $0xF;
	_ =	sdelay $0xe  }
0x3b0: {  	s5 =	spop (v2sf)  }
0x3b1: {  	s8 =	sshll.u32 s5, $0x4  }
0x3b2: {  	v57 =	vld [tilespmem:s8+$0x4E20];
	_ =	sdelay $0x4  }
0x3b3: {  	vm14 =	veq.f32 v57, v11  }
0x3b4: {  	v8 =	vnsel vm14, $0xC0000000, v8  }
0x3b5: {  	(xrf0) =	vmin.scan.msk.u32 $0xffff, v8;
	_ =	sdelay $0x5  }
0x3b6: {  	v8, _, _ =	vpop (xrf0)  }
0x3b7: {  	(v2sf) =	vpush v8, $0xF;
	_ =	sdelay $0xe  }
0x3b8: {  	s9 =	spop (v2sf)  }
0x3b9: {  	s9 =	sxor.u32 $0x80000000, s9  }
0x3ba: {  	s8 =	sadd.s32 s8, s9  }
0x3bb: {  	v8 =	vmov s8;
	_ =	sdelay $0x4  }
0x3bc: {  	v58 =	vld.idx.msk [tilespmem:v8+s16+$0x0], $0xffff;
	_ =	sdelay $0x1  }
0x3bd: {  	v12 =	vmov s9  }
0x3be: {  	vm15 =	veq.s32 v12, v0  }
0x3bf: {  	v9 =	vsel vm15, $0xFF800000, v57  }
0x3c0: {  	(xrf0) =	vmax.scan.msk.f32 $0xffff, v9;
	v59 =	vxor.u32 $0x80000000, v58  }
0x3c1: {  	(xrf0) =	vmax.scan.msk.u32 $0xffff, v59;
	_ =	sdelay $0x4  }
0x3c2: {  	v60, _, _ =	vpop (xrf0)  }
0x3c3: {  	v61, _, _ =	vpop (xrf0)  }
0x3c4: {  	(v2sf) =	vpush v61, $0xF;
	_ =	sdelay $0x9  }
0x3c5: {  	s5 =	sxor.u32 $0x80000000, s5  }
0x3c6: {  	v62 =	vmov s5  }
0x3c7: {  	v63 =	vmov s1;
	_ =	sdelay $0x1  }
0x3c8: {  	s30 =	sshll.u32 s1, $0x3;
	s1 =	sadd.s32 $0x1, s1;
	v9 =	vbroadcast v60, $0xF  }
0x3c9: {  	p2 =	sne.s32 s1, $0xC8;
	[tilespmem:v8+s6+$0x0] =	vst.idx.msk $0x1, v1;
	s14 =	spop (v2sf)  }
.Ltmp52:
0x3ca: {  	[tilespmem:v62+s19+$0x0] =	vst.idx.msk $0x1, v9;
	s29 =	sand.u32 $0x1FFFFFFF, s14;
	s5 =	sadd.s32 $0xEA60, s14;
	(pc) =	sbr.rel @!p2 .LBB2_72-.Ltmp52, $4  }
0x3cb: {  	s11 =	sadd.s32 $0xF6F8, s30;
	[tilespmem:v63+s18+$0x0] =	vst.idx.msk $0x1, v11;
	s8 =	sadd.s32 s4, s29;
	s5 =	sand.u32 $0x1FFFFFFF, s5  }
0x3cc: {  	[tilespmem:s11], [sflag:$0x1] =	stream.linear.gather [hbm4b:s8+s2], $0x8, $0x38;
	[tilespmem:$0x10668] =	vst v63  }
0x3cd: {  	s31 =	sadd.s32 $0xF078, s30;
	s5 =	sadd.s32 s3, s5  }
0x3ce: {  	[tilespmem:s31], [sflag:$0x1] =	stream.linear.gather [hbm4b:s5+s2], $0x8, $0x38;
	[tilespmem:$0x10668] =	vst v63  }
.LBB2_63:
.Ltmp53:
0x3cf: {  	(pc) =	sbr.rel @p1 .LBB2_64-.Ltmp53, $2  }
0x3d0: {  	_ =	sdelay $0x2  }
0x3d1: {  	v8 =	vor.u32 $0x80000000, v0;
	v9 =	vimm.f32 $-Inf  }
0x3d2: {  	p3 =	sne.s32 s0, $0x1  }
.Ltmp54:
0x3d3: {  	_ = 	snop;
	(pc) =	sbr.rel @!p3 .LBB2_66-.Ltmp54, $2  }
0x3d4: {  	_ =	sdelay $0x2  }
0x3d5: {  	v10 =	vimm.s32 $0x0;
	s8 =	simm.s32 $0xEAA0;
	s5 =	simm.s32 $0x1;
	p2 =	por $0x0, $0x0  }
0x3d6: {  	v11 =	vld [tilespmem:s8+$0x0];
	p3 =	sne.s32 s0, $0x2  }
.Ltmp55:
0x3d7: {  	_ = 	snop;
	(pc) =	sbr.rel @!p3 .LBB2_68-.Ltmp55, $3  }
0x3d8: {  	_ =	sdelay $0x1  }
0x3d9: {  	s11 =	simm.s32 $0x2  }
0x3da: {  	s8 =	simm.s32 $0xEAB0;
	p2 =	por $0x1, $0x1;
	v12 =	vimm.f32 $-Inf;
	s9 =	simm.s32 $0x0;
	v13 =	vimm.s32 $0x0;
	vm0 =	vgt.f32 v11, v9  }
.LBB2_69:
0x3db: {  	v13 =	vsel vm0, s9, v13;
	s9 =	smov.u32 s5;
	s5 =	smov.u32 s11;
	s11 =	sadd.s32 $0x1, s11  }
0x3dc: {  	v12 =	vsel vm0, v11, v12;
	v11 =	vld [tilespmem:s8+$0x0];
	p3 =	sne.s32 s0, s11  }
.Ltmp56:
0x3dd: {  	(pc) =	sbr.rel @p3 .LBB2_69-.Ltmp56, $2  }
0x3de: {  	_ =	sdelay $0x2  }
0x3df: {  	s8 =	sadd.s32 $0x10, s8;
	vm0 =	vgt.f32 v11, v12  }
.LBB2_70:
0x3e0: {  	v14 =	vld [tilespmem:s8+$0x0];
	_ =	sdelay $0x2  }
0x3e1: {  	v11 =	vsel @p2 vm0, v11, v12  }
.Ltmp57:
0x3e2: {  	v12 =	vsel @p2 vm0, s9, v13;
	v9 =	vpsel p2, v11, v9;
	(pc) =	sbr.rel .LBB2_71-.Ltmp57, $4  }
0x3e3: {  	v10 =	vpsel p2, v12, v10;
	vm15 =	vgt.f32 v14, v9  }
0x3e4: {  	v10 =	vsel vm15, s5, v10  }
0x3e5: {  	v11 =	vor.u32 $0x80000000, v0;
	v10 =	vshll.u32 v10, $0x4  }
0x3e6: {  	v9 =	vsel vm15, v14, v9;
	v10 =	vxor.u32 v11, v10  }
.LBB2_66:
.Ltmp58:
0x3e7: {  	(pc) =	sbr.rel .LBB2_70-.Ltmp58, $2  }
0x3e8: {  	_ =	sdelay $0x2  }
0x3e9: {  	v12 =	vimm.f32 $-Inf;
	v13 =	vimm.s32 $0x0;
	s5 =	simm.s32 $0x0  }
.LBB2_68:
.Ltmp59:
0x3ea: {  	(pc) =	sbr.rel .LBB2_70-.Ltmp59, $2  }
0x3eb: {  	_ =	sdelay $0x2  }
0x3ec: {  	v12 =	vimm.f32 $-Inf;
	s9 =	simm.s32 $0x0;
	v13 =	vimm.s32 $0x0  }
.LBB2_72:
0x3ed: {  	s29 =	simm.s32 $0x0  }
0x3ee: {  	v8 =	vmov s29  }
0x3ef: {  	v8 =	vshll.u32 v8, $0x3  }
0x3f0: {  	_ =	swait.ge [sflag:s17], $0x640;
	v8 =	vor.u32 v6, v8  }
0x3f1: {  	[sflag:s17] =	ssyncset.done $0x0;
	v9 =	vor.u32 $0x2, v8  }
0x3f2: {  	[sflag:s17] =	ssyncadd.s32 $0xFFFFF9C0;
	v10 =	vor.u32 $0x3, v8  }
0x3f3: {  	_ =	swait.ge [sflag:s17], $0x640  }
0x3f4: {  	[sflag:s17] =	ssyncset.done $0x0  }
0x3f5: {  	[sflag:s17] =	ssyncadd.s32 $0xFFFFF9C0  }
0x3f6: {  	v11 =	vld.idx.msk [tilespmem:v9+s21+$0x0], $0xffff  }
0x3f7: {  	v12 =	vld.idx.msk [tilespmem:v10+s21+$0x0], $0xffff;
	_ =	sdelay $0x3  }
0x3f8: {  	v11 =	vmul.f32 $2.000000030e-01, v11  }
0x3f9: {  	v12 =	vmul.f32 $2.000000030e-01, v12  }
0x3fa: {  	v11 =	vmul.f32 $1.442695020e+00, v11  }
0x3fb: {  	v13 =	vor.u32 $0x1, v8;
	v12 =	vmul.f32 $1.442695020e+00, v12  }
0x3fc: {  	(erf) = vpow2.f32 v11  }
0x3fd: {  	(erf) = vpow2.f32 v12;
	_ =	sdelay $0x1  }
0x3fe: {  	v11 =	vld.idx.msk [tilespmem:v8+s21+$0x0], $0xffff  }
0x3ff: {  	v59 =	vld.idx.msk [tilespmem:v13+s21+$0x0], $0xffff  }
0x400: {  	v9 =	vld.idx.msk [tilespmem:v9+s20+$0x0], $0xffff  }
0x401: {  	v10 =	vld.idx.msk [tilespmem:v10+s20+$0x0], $0xffff  }
0x402: {  	v8 =	vld.idx.msk [tilespmem:v8+s20+$0x0], $0xffff  }
0x403: {  	v13 =	vld.idx.msk [tilespmem:v13+s20+$0x0], $0xffff;
	v11 =	vmul.f32 $1.000000010e-01, v11  }
0x404: {  	v12 =	vmul.f32 $1.000000010e-01, v59;
	v14 =	vpop (erf)  }
0x405: {  	v11 =	vmul.f32 v11, v9;
	v9 =	vmul.f32 v14, v9;
	v60 =	vpop (erf)  }
0x406: {  	v12 =	vmul.f32 v12, v10;
	v10 =	vmul.f32 v60, v10  }
0x407: {  	v8 =	vadd.f32 v11, v8;
	v9 =	vmul.f32 v9, v4  }
0x408: {  	v11 =	vadd.f32 v12, v13;
	v10 =	vmul.f32 v10, v4  }
0x409: {  	v61 =	vsub.f32 v8, v9;
	v8 =	vadd.f32 v9, v8  }
0x40a: {  	v9 =	vsub.f32 v11, v10;
	v10 =	vadd.f32 v10, v11  }
0x40b: {  	s30 =	simm.s32 $0xFD78  }
0x40c: {  	s31 =	simm.s32 $0xFE48;
	[tilespmem:s30+$0x0] =	vst v61;
	v11 =	vsub.f32 v8, v61;
	v62 =	vsub.f32 v10, v9  }
0x40d: {  	s0 =	simm.s32 $0xFF18;
	[tilespmem:s31+$0x0] =	vst v9  }
0x40e: {  	s1 =	simm.s32 $0xFFE8;
	[tilespmem:s0+$0x0] =	vst v8;
	v8 =	vmul.f32 v62, v11  }
0x40f: {  	s12 =	simm.s32 $0x100B8;
	[tilespmem:s1+$0x0] =	vst v10  }
0x410: {  	s13 =	simm.s32 $0xEFA8;
	[tilespmem:s12+$0x0] =	vst v8  }
0x411: {  	s14 =	simm.s32 $0x10;
	v63 =	vld [tilespmem:s13+$0x0]  }
0x412: {  	v8 =	vmov s14  }
0x413: {  	v8 =	vshll.u32 v8, $0x3  }
0x414: {  	s8 =	simm.s32 $0x10188;
	v8 =	vor.u32 v6, v8  }
0x415: {  	s5 =	simm.s32 $0xFF28;
	s0 =	simm.s32 $0x10198;
	s1 =	simm.s32 $0xEFB8;
	v10 =	vor.u32 $0x2, v8  }
0x416: {  	s14 =	simm.s32 $0x20;
	s12 =	simm.s32 $0xFFF8;
	s13 =	simm.s32 $0x100C8;
	v9 =	vor.u32 $0x1, v8;
	v11 =	vor.u32 $0x3, v8;
	vm0 =	vgt.f32 v63, $9.900000090e-01  }
.LBB2_73:
0x417: {  	s30 =	sadd.s32 $0x10, s30  }
0x418: {  	v12 =	vsel vm0, $0x1, v2;
	s31 =	sadd.s32 $0x10, s31;
	s11 =	smov.u32 s14;
	s9 =	sadd.s32 $0x10, s14  }
0x419: {  	p1 =	sne.s32 s14, $0xC0;
	[tilespmem:s8+$0x0] =	vst v12;
	s8 =	smov.u32 s0  }
0x41a: {  	v12 =	vld.idx.msk [tilespmem:v10+s21+$0x0], $0xffff  }
0x41b: {  	v13 =	vld.idx.msk [tilespmem:v11+s21+$0x0], $0xffff;
	_ =	sdelay $0x4  }
0x41c: {  	v12 =	vmul.f32 $2.000000030e-01, v12  }
0x41d: {  	v13 =	vmul.f32 $2.000000030e-01, v13  }
0x41e: {  	v12 =	vmul.f32 $1.442695020e+00, v12  }
0x41f: {  	v13 =	vmul.f32 $1.442695020e+00, v13  }
0x420: {  	(erf) = vpow2.f32 v12  }
0x421: {  	v12 =	vld.idx.msk [tilespmem:v9+s21+$0x0], $0xffff;
	(erf) = vpow2.f32 v13  }
0x422: {  	v13 =	vld.idx.msk [tilespmem:v8+s21+$0x0], $0xffff  }
0x423: {  	v11 =	vld.idx.msk [tilespmem:v11+s20+$0x0], $0xffff  }
0x424: {  	v10 =	vld.idx.msk [tilespmem:v10+s20+$0x0], $0xffff  }
0x425: {  	v9 =	vld.idx.msk [tilespmem:v9+s20+$0x0], $0xffff  }
0x426: {  	v8 =	vld.idx.msk [tilespmem:v8+s20+$0x0], $0xffff  }
0x427: {  	v12 =	vmul.f32 $1.000000010e-01, v12  }
0x428: {  	v13 =	vmul.f32 $1.000000010e-01, v13  }
0x429: {  	v12 =	vmul.f32 v12, v11;
	v14 =	vpop (erf)  }
0x42a: {  	v13 =	vmul.f32 v13, v10;
	v10 =	vmul.f32 v14, v10;
	v14 =	vpop (erf)  }
0x42b: {  	v11 =	vmul.f32 v14, v11  }
0x42c: {  	v9 =	vadd.f32 v12, v9;
	v8 =	vadd.f32 v13, v8;
	v10 =	vmul.f32 v10, v4  }
0x42d: {  	v11 =	vmul.f32 v11, v4  }
0x42e: {  	v12 =	vsub.f32 v8, v10;
	v8 =	vadd.f32 v10, v8  }
0x42f: {  	v10 =	vsub.f32 v9, v11;
	v9 =	vadd.f32 v11, v9  }
0x430: {  	[tilespmem:s30+$0x0] =	vst v12;
	v11 =	vsub.f32 v8, v12  }
0x431: {  	[tilespmem:s31+$0x0] =	vst v10;
	v10 =	vsub.f32 v9, v10  }
0x432: {  	[tilespmem:s5+$0x0] =	vst v8  }
0x433: {  	[tilespmem:s12+$0x0] =	vst v9;
	v8 =	vmul.f32 v10, v11;
	_ =	sdelay $0x1  }
0x434: {  	[tilespmem:s13+$0x0] =	vst v8  }
0x435: {  	v8 =	vmov s11;
	v12 =	vld [tilespmem:s1+$0x0]  }
.Ltmp60:
0x436: {  	v8 =	vshll.u32 v8, $0x3;
	(pc) =	sbr.rel @p1 .LBB2_73-.Ltmp60, $4  }
0x437: {  	v8 =	vor.u32 v6, v8  }
0x438: {  	v9 =	vor.u32 $0x1, v8;
	v10 =	vor.u32 $0x2, v8;
	v11 =	vor.u32 $0x3, v8  }
0x439: {  	s0 =	sadd.s32 $0x10, s0;
	s14 =	smov.u32 s9;
	s1 =	sadd.s32 $0x10, s1  }
0x43a: {  	s5 =	sadd.s32 $0x10, s5;
	s12 =	sadd.s32 $0x10, s12;
	s13 =	sadd.s32 $0x10, s13;
	vm0 =	vgt.f32 v12, $9.900000090e-01  }
0x43b: {  	_ =	sdelay $0x1  }
0x43c: {  	v12 =	vsel vm0, $0x1, v2  }
0x43d: {  	[tilespmem:s8+$0x0] =	vst v12  }
0x43e: {  	v12 =	vld.idx.msk [tilespmem:v10+s21+$0x0], $0xffff  }
0x43f: {  	v13 =	vld.idx.msk [tilespmem:v11+s21+$0x0], $0xffff;
	_ =	sdelay $0x3  }
0x440: {  	v12 =	vmul.f32 $2.000000030e-01, v12  }
0x441: {  	v13 =	vmul.f32 $2.000000030e-01, v13  }
0x442: {  	v12 =	vmul.f32 $1.442695020e+00, v12  }
0x443: {  	v13 =	vmul.f32 $1.442695020e+00, v13  }
0x444: {  	(erf) = vpow2.f32 v12  }
0x445: {  	(erf) = vpow2.f32 v13;
	_ =	sdelay $0x1  }
0x446: {  	v55 =	vld.idx.msk [tilespmem:v8+s21+$0x0], $0xffff  }
0x447: {  	v56 =	vld.idx.msk [tilespmem:v9+s21+$0x0], $0xffff  }
0x448: {  	v57 =	vld.idx.msk [tilespmem:v10+s20+$0x0], $0xffff  }
0x449: {  	v58 =	vld.idx.msk [tilespmem:v11+s20+$0x0], $0xffff  }
0x44a: {  	v8 =	vld.idx.msk [tilespmem:v8+s20+$0x0], $0xffff  }
0x44b: {  	v59 =	vld.idx.msk [tilespmem:v9+s20+$0x0], $0xffff;
	v12 =	vmul.f32 $1.000000010e-01, v55  }
0x44c: {  	v13 =	vmul.f32 $1.000000010e-01, v56;
	v14 =	vpop (erf)  }
0x44d: {  	v12 =	vmul.f32 v12, v57;
	v10 =	vmul.f32 v14, v57;
	v60 =	vpop (erf)  }
0x44e: {  	v13 =	vmul.f32 v13, v58;
	v11 =	vmul.f32 v60, v58  }
0x44f: {  	v8 =	vadd.f32 v12, v8;
	v10 =	vmul.f32 v10, v4  }
0x450: {  	v9 =	vadd.f32 v13, v59;
	v11 =	vmul.f32 v11, v4  }
0x451: {  	v12 =	vsub.f32 v8, v10;
	v8 =	vadd.f32 v10, v8  }
0x452: {  	v61 =	vsub.f32 v9, v11;
	v9 =	vadd.f32 v11, v9  }
0x453: {  	s30 =	sadd.s32 $0x10, s30  }
0x454: {  	s9 =	sadd.s32 $0x10, s31;
	[tilespmem:s30+$0x0] =	vst v12;
	v62 =	vsub.f32 v8, v12;
	v63 =	vsub.f32 v9, v61  }
0x455: {  	[tilespmem:s9+$0x0] =	vst v61  }
0x456: {  	[tilespmem:s5+$0x0] =	vst v8;
	v8 =	vmul.f32 v63, v62  }
0x457: {  	[tilespmem:s12+$0x0] =	vst v9  }
0x458: {  	[tilespmem:s13+$0x0] =	vst v8  }
0x459: {  	v8 =	vld [tilespmem:s1+$0x0];
	_ =	sdelay $0x2  }
.Ltmp61:
0x45a: {  	_ = 	snop;
	(pc) =	sbr.rel .LBB2_75-.Ltmp61, $4  }
0x45b: {  	_ = 	snop  }
0x45c: {  	vm15 =	vgt.f32 v8, $9.900000090e-01  }
0x45d: {  	v8 =	vsel vm15, $0x1, v2  }
0x45e: {  	[tilespmem:s0+$0x0] =	vst v8  }
.LBB2_78:
0x45f: {  	s29 =	sadd.s32 $0x1, s29  }
0x460: {  	p1 =	sne.s32 s29, $0xC8  }
.Ltmp62:
0x461: {  	_ = 	snop;
	(pc) =	sbr.rel @!p1 .LBB2_79-.Ltmp62, $2  }
0x462: {  	_ =	sdelay $0x2  }
0x463: {  	s0 =	simm.s32 $0x0  }
.LBB2_75:
0x464: {  	s0 =	sand.u32 $0xF0, s29  }
0x465: {  	v8 =	vld [tilespmem:s0+$0x10188];
	_ =	sdelay $0x2  }
0x466: {  	s30 =	sand.u32 $0xF, s29  }
0x467: {  	v9 =	vmov s30  }
0x468: {  	vm0 =	veq.s32 v9, v0;
	v8 =	vxor.u32 $0x80000000, v8  }
0x469: {  	v8 =	vnsel vm0, $0x80000000, v8  }
0x46a: {  	(xrf0) =	vmax.scan.msk.u32 $0xffff, v8;
	_ =	sdelay $0x5  }
0x46b: {  	v8, _, _ =	vpop (xrf0)  }
0x46c: {  	(v2sf) =	vpush v8, $0xF;
	_ =	sdelay $0xe  }
0x46d: {  	s31 =	spop (v2sf)  }
0x46e: {  	p1 =	slt.u32 s31, $0x80000001  }
.Ltmp63:
0x46f: {  	_ = 	snop;
	(pc) =	sbr.rel @p1 .LBB2_78-.Ltmp63, $1  }
0x470: {  	_ =	sdelay $0x3  }
0x471: {  	v8 =	vmov s29;
	s9 =	sand.u32 $0x3FFFFFF0, s29  }
0x472: {  	s11 =	sadd.s32 $0xFD78, s9  }
0x473: {  	s0 =	sadd.s32 $0xFF18, s9;
	v13 =	vld [tilespmem:s11+$0x0]  }
0x474: {  	s1 =	sadd.s32 $0xFE48, s9;
	v14 =	vld [tilespmem:s0+$0x0]  }
0x475: {  	v15 =	vld [tilespmem:s1+$0x0]  }
0x476: {  	v9 =	vld.idx.msk [tilespmem:v8+s22+$0x0], $0xffff  }
0x477: {  	v10 =	vld.idx.msk [tilespmem:v8+s23+$0x0], $0xffff  }
0x478: {  	v11 =	vld.idx.msk [tilespmem:v8+s24+$0x0], $0xffff  }
0x479: {  	s5 =	sadd.s32 $0xFFE8, s9;
	v12 =	vld.idx.msk [tilespmem:v8+s25+$0x0], $0xffff  }
0x47a: {  	v16 =	vld [tilespmem:s5+$0x0];
	_ =	sdelay $0x2  }
0x47b: {  	s8 =	sadd.s32 $0x100B8, s9  }
0x47c: {  	v19 =	vld [tilespmem:s8+$0x0];
	v17 =	vsub.f32 v11, v9;
	v18 =	vsub.f32 v12, v10;
	v13 =	vmax.f32 v9, v13  }
0x47d: {  	v15 =	vmax.f32 v10, v15;
	v14 =	vmin.f32 v11, v14;
	v16 =	vmin.f32 v12, v16  }
0x47e: {  	v14 =	vsub.f32 v14, v13;
	v15 =	vsub.f32 v16, v15  }
0x47f: {  	v13 =	vmul.f32 v18, v17  }
0x480: {  	v14 =	vmax.f32 v14, $0.0e+00;
	v15 =	vmax.f32 v15, $0.0e+00  }
0x481: {  	v14 =	vmul.f32 v15, v14;
	v15 =	vadd.f32 v19, v13;
	_ =	sdelay $0x1  }
0x482: {  	v15 =	vsub.f32 v15, v14;
	_ =	sdelay $0x1  }
0x483: {  	(erf) = vrcp.f32 v15;
	_ =	sdelay $0x6  }
0x484: {  	s13 =	sshrl.u32 s29, $0x4  }
0x485: {  	s9 =	sadd.s32 $0x10188, s9;
	s13 =	sadd.s32 $0xFFFFFFFF, s13  }
0x486: {  	s13 =	sadd.s32 $0x1, s13;
	v15 =	vld [tilespmem:s9+$0x0];
	v62 =	vpop (erf)  }
0x487: {  	s12 =	sand.u32 $0xFFFFFFF0, s29;
	p1 =	slt.u32 s13, $0xC;
	v14 =	vmul.f32 v62, v14  }
.Ltmp64:
0x488: {  	v63 =	vor.u32 s12, v0;
	(pc) =	sbr.rel @!p1 .LBB2_78-.Ltmp64, $4  }
0x489: {  	vm1 =	vgt.u32 v63, v8;
	vm0 =	vgt.f32 v14, $4.499999880e-01  }
0x48a: {  	vm0 =	vmand vm1, vm0  }
0x48b: {  	v14 =	vsel vm0, $0x0, v15  }
0x48c: {  	s11 =	sadd.s32 $0x10, s11;
	[tilespmem:s9+$0x0] =	vst v14  }
.LBB2_77:
0x48d: {  	v14 =	vld [tilespmem:s11+$0x0];
	s0 =	sadd.s32 $0x10, s0  }
0x48e: {  	s1 =	sadd.s32 $0x10, s1;
	v15 =	vld [tilespmem:s0+$0x0]  }
0x48f: {  	s5 =	sadd.s32 $0x10, s5;
	v16 =	vld [tilespmem:s1+$0x0]  }
0x490: {  	s13 =	sadd.s32 $0x1, s13;
	v17 =	vld [tilespmem:s5+$0x0]  }
0x491: {  	p1 =	slt.u32 s13, $0xC;
	_ =	sdelay $0x1  }
0x492: {  	s8 =	sadd.s32 $0x10, s8  }
0x493: {  	v14 =	vmax.f32 v9, v14;
	v18 =	vld [tilespmem:s8+$0x0]  }
0x494: {  	v15 =	vmin.f32 v11, v15;
	v16 =	vmax.f32 v10, v16;
	v17 =	vmin.f32 v12, v17  }
0x495: {  	v14 =	vsub.f32 v15, v14;
	v15 =	vsub.f32 v17, v16;
	_ =	sdelay $0x1  }
0x496: {  	v14 =	vmax.f32 v14, $0.0e+00;
	v15 =	vmax.f32 v15, $0.0e+00  }
0x497: {  	v14 =	vmul.f32 v15, v14;
	v15 =	vadd.f32 v18, v13;
	_ =	sdelay $0x1  }
0x498: {  	v15 =	vsub.f32 v15, v14;
	_ =	sdelay $0x1  }
0x499: {  	(erf) = vrcp.f32 v15;
	_ =	sdelay $0x7  }
0x49a: {  	s9 =	sadd.s32 $0x10, s9  }
0x49b: {  	v15 =	vld [tilespmem:s9+$0x0];
	v16 =	vpop (erf)  }
0x49c: {  	s12 =	sadd.s32 $0x10, s12;
	v14 =	vmul.f32 v16, v14  }
.Ltmp65:
0x49d: {  	v16 =	vor.u32 s12, v0;
	(pc) =	sbr.rel @p1 .LBB2_77-.Ltmp65, $4  }
0x49e: {  	vm1 =	vgt.u32 v16, v8;
	vm0 =	vgt.f32 v14, $4.499999880e-01  }
0x49f: {  	vm0 =	vmand vm1, vm0  }
0x4a0: {  	v14 =	vsel vm0, $0x0, v15  }
0x4a1: {  	s11 =	sadd.s32 $0x10, s11;
	[tilespmem:s9+$0x0] =	vst v14  }
.Ltmp66:
0x4a2: {  	_ = 	snop;
	(pc) =	sbr.rel .LBB2_78-.Ltmp66, $1  }
0x4a3: {  	_ =	sdelay $0x3  }
.LBB2_79:
0x4a4: {  	s1 =	simm.s32 $0x40;
	s5 =	simm.s32 $0x0  }
.LBB2_80:
0x4a5: {  	p1 =	sne.s32 s1, $0x1000;
	[tilespmem:s5+$0x10258] =	vst v7;
	s5 =	smov.u32 s1;
	s1 =	sadd.s32 $0x40, s1  }
.Ltmp67:
0x4a6: {  	(pc) =	sbr.rel @p1 .LBB2_80-.Ltmp67, $2  }
0x4a7: {  	_ =	sdelay $0x2  }
0x4a8: {  	s5 =	sshra.s32 s5, $0x2  }
0x4a9: {  	[tilespmem:s5+$0x10258] =	vst v7;
	s1 =	simm.s32 $0x0  }
0x4aa: {  	v8 =	vld [tilespmem:s1+$0x10188];
	_ =	sdelay $0x4  }
0x4ab: {  	vm0 =	vgt.s32 v8, $0x0  }
0x4ac: {  	v9 =	vsel vm0, $0x1, v2  }
0x4ad: {  	(xrf0) =	vadd.scan.msk.s32 $0xffff, v9;
	_ =	sdelay $0x5  }
0x4ae: {  	v9, _, _ =	vpop (xrf0)  }
0x4af: {  	v10 =	vxor.u32 $0x80000000, v9  }
0x4b0: {  	(xrf0) =	vmax.scan.msk.u32 $0xffff, v10;
	_ =	sdelay $0x5  }
0x4b1: {  	v10, _, _ =	vpop (xrf0)  }
0x4b2: {  	(v2sf) =	vpush v10, $0xF;
	_ =	sdelay $0xe  }
0x4b3: {  	s31 =	spop (v2sf)  }
0x4b4: {  	s1 =	sxor.u32 $0x80000000, s31  }
0x4b5: {  	p2 =	slt.s32 s1, $0x1  }
0x4b6: {  	vm0 =	vgt.s32 @!p2 v8, $0x0;
	v8 =	vadd.s32 @!p2 s0, v9;
	s11 =	simm.s32 @!p2 $0x0  }
0x4b7: {  	v9 =	vadd.s32 @!p2 $0xFFFFFFFF, v8;
	v10 =	vld @!p2 [tilespmem:s11+$0xEFA8];
	_ =	sdelay $0x3  }
0x4b8: {  	s9 =	simm.s32 @!p2 $0x10258  }
0x4b9: {  	[tilespmem:v9+s9+$0x0] =	vst.idx.msk @!p2 vm0, v10  }
0x4ba: {  	v9 =	vadd.s32 @!p2 $0xCF, v8;
	v10 =	vld @!p2 [tilespmem:s11+$0xFD78];
	_ =	sdelay $0x4  }
0x4bb: {  	[tilespmem:v9+s9+$0x0] =	vst.idx.msk @!p2 vm0, v10  }
0x4bc: {  	v9 =	vadd.s32 @!p2 $0x19F, v8;
	v10 =	vld @!p2 [tilespmem:s11+$0xFE48];
	_ =	sdelay $0x4  }
0x4bd: {  	[tilespmem:v9+s9+$0x0] =	vst.idx.msk @!p2 vm0, v10  }
0x4be: {  	v9 =	vadd.s32 @!p2 $0x26F, v8;
	v10 =	vld @!p2 [tilespmem:s11+$0xFF18];
	_ =	sdelay $0x4  }
0x4bf: {  	s5 =	sadd.s32 $0x0, s1;
	[tilespmem:v9+s9+$0x0] =	vst.idx.msk @!p2 vm0, v10  }
0x4c0: {  	s8 =	simm.s32 $0x80;
	s0 =	simm.s32 $0x40;
	s1 =	smov.u32 s5;
	v8 =	vadd.s32 @!p2 $0x33F, v8;
	v9 =	vld @!p2 [tilespmem:s11+$0xFFE8]  }
.LBB2_82:
0x4c1: {  	_ =	sdelay $0x3  }
0x4c2: {  	s11 =	sshra.s32 s0, $0x2;
	[tilespmem:v8+s9+$0x0] =	vst.idx.msk @!p2 vm0, v9;
	s9 =	smov.u32 s8;
	s8 =	sadd.s32 $0x40, s8  }
0x4c3: {  	p1 =	sne.s32 s8, $0x340;
	v8 =	vld [tilespmem:s11+$0x10188];
	_ =	sdelay $0x4  }
0x4c4: {  	vm0 =	vgt.s32 v8, $0x0  }
0x4c5: {  	v9 =	vsel vm0, $0x1, v2  }
0x4c6: {  	(xrf0) =	vadd.scan.msk.s32 $0xffff, v9;
	_ =	sdelay $0x5  }
0x4c7: {  	v9, _, _ =	vpop (xrf0)  }
0x4c8: {  	v10 =	vxor.u32 $0x80000000, v9  }
0x4c9: {  	(xrf0) =	vmax.scan.msk.u32 $0xffff, v10;
	_ =	sdelay $0x5  }
0x4ca: {  	v10, _, _ =	vpop (xrf0)  }
0x4cb: {  	(v2sf) =	vpush v10, $0xF;
	_ =	sdelay $0xe  }
0x4cc: {  	s11 =	spop (v2sf)  }
0x4cd: {  	s11 =	sxor.u32 $0x80000000, s11  }
0x4ce: {  	p2 =	slt.s32 s11, $0x1;
	s5 =	sadd.s32 s5, s11  }
0x4cf: {  	vm0 =	vgt.s32 @!p2 v8, $0x0;
	v8 =	vadd.s32 @!p2 s1, v9;
	s11 =	sshra.s32 @!p2 s0, $0x2;
	s0 =	smov.u32 s9;
	s1 =	smov.u32 s5  }
0x4d0: {  	v9 =	vadd.s32 @!p2 $0xFFFFFFFF, v8;
	v10 =	vld @!p2 [tilespmem:s11+$0xEFA8];
	v11 =	vadd.s32 @!p2 $0xCF, v8;
	v12 =	vadd.s32 @!p2 $0x19F, v8  }
0x4d1: {  	v13 =	vadd.s32 @!p2 $0x26F, v8;
	v8 =	vadd.s32 @!p2 $0x33F, v8;
	_ =	sdelay $0x2  }
0x4d2: {  	s9 =	simm.s32 @!p2 $0x10258  }
0x4d3: {  	[tilespmem:v9+s9+$0x0] =	vst.idx.msk @!p2 vm0, v10  }
0x4d4: {  	v9 =	vld @!p2 [tilespmem:s11+$0xFD78];
	_ =	sdelay $0x4  }
0x4d5: {  	[tilespmem:v11+s9+$0x0] =	vst.idx.msk @!p2 vm0, v9  }
0x4d6: {  	v9 =	vld @!p2 [tilespmem:s11+$0xFE48];
	_ =	sdelay $0x4  }
0x4d7: {  	[tilespmem:v12+s9+$0x0] =	vst.idx.msk @!p2 vm0, v9  }
0x4d8: {  	v9 =	vld @!p2 [tilespmem:s11+$0xFF18];
	_ =	sdelay $0x1  }
.Ltmp68:
0x4d9: {  	(pc) =	sbr.rel @p1 .LBB2_82-.Ltmp68, $3  }
0x4da: {  	_ =	sdelay $0x1  }
0x4db: {  	[tilespmem:v13+s9+$0x0] =	vst.idx.msk @!p2 vm0, v9  }
0x4dc: {  	v9 =	vld @!p2 [tilespmem:s11+$0xFFE8]  }
0x4dd: {  	_ =	sdelay $0x4  }
0x4de: {  	s5 =	sshra.s32 s0, $0x2;
	[tilespmem:v8+s9+$0x0] =	vst.idx.msk @!p2 vm0, v9  }
0x4df: {  	v8 =	vld [tilespmem:s5+$0x10188];
	_ =	sdelay $0x4  }
0x4e0: {  	vm15 =	vgt.s32 v8, $0x0  }
0x4e1: {  	v63 =	vsel vm15, $0x1, v2  }
0x4e2: {  	(xrf0) =	vadd.scan.msk.s32 $0xffff, v63;
	_ =	sdelay $0x5  }
0x4e3: {  	v9, _, _ =	vpop (xrf0)  }
0x4e4: {  	v10 =	vxor.u32 $0x80000000, v9  }
0x4e5: {  	(xrf0) =	vmax.scan.msk.u32 $0xffff, v10;
	_ =	sdelay $0x5  }
0x4e6: {  	v10, _, _ =	vpop (xrf0)  }
0x4e7: {  	(v2sf) =	vpush v10, $0xF;
	_ =	sdelay $0xe  }
0x4e8: {  	s30 =	spop (v2sf)  }
0x4e9: {  	s5 =	sxor.u32 $0x80000000, s30  }
0x4ea: {  	p1 =	slt.s32 s5, $0x1  }
0x4eb: {  	vm0 =	vgt.s32 @!p1 v8, $0x0;
	v8 =	vadd.s32 @!p1 s1, v9;
	s0 =	sshra.s32 @!p1 s0, $0x2  }
0x4ec: {  	v9 =	vadd.s32 @!p1 $0xFFFFFFFF, v8;
	v10 =	vld @!p1 [tilespmem:s0+$0xEFA8];
	_ =	sdelay $0x3  }
0x4ed: {  	s1 =	simm.s32 @!p1 $0x10258  }
0x4ee: {  	[tilespmem:v9+s1+$0x0] =	vst.idx.msk @!p1 vm0, v10  }
0x4ef: {  	v9 =	vadd.s32 @!p1 $0xCF, v8;
	v10 =	vld @!p1 [tilespmem:s0+$0xFD78];
	_ =	sdelay $0x4  }
0x4f0: {  	[tilespmem:v9+s1+$0x0] =	vst.idx.msk @!p1 vm0, v10  }
0x4f1: {  	v9 =	vadd.s32 @!p1 $0x19F, v8;
	v10 =	vld @!p1 [tilespmem:s0+$0xFE48];
	_ =	sdelay $0x4  }
0x4f2: {  	[tilespmem:v9+s1+$0x0] =	vst.idx.msk @!p1 vm0, v10  }
0x4f3: {  	v9 =	vadd.s32 @!p1 $0x26F, v8;
	v10 =	vld @!p1 [tilespmem:s0+$0xFF18];
	_ =	sdelay $0x4  }
0x4f4: {  	[tilespmem:v9+s1+$0x0] =	vst.idx.msk @!p1 vm0, v10  }
0x4f5: {  	v8 =	vadd.s32 @!p1 $0x33F, v8;
	v9 =	vld @!p1 [tilespmem:s0+$0xFFE8];
	_ =	sdelay $0x4  }
.Ltmp69:
0x4f6: {  	s31 =	rddreg [dreg:$0x7];
	[tilespmem:v8+s1+$0x0] =	vst.idx.msk @!p1 vm0, v9;
	(pc) =	sbr.rel .LBB2_84-.Ltmp69, $4  }
0x4f7: {  	[hbm4b:s31+s2] =	stream.linear.scatter [tilespmem:s26], [sflag:$0x2], $0x410, $0x38;
	[tilespmem:$0x10668] =	vst v63  }
0x4f8: {  	_ =	swait.ge [sflag:s15], $0x410  }
0x4f9: {  	[sflag:s15] =	ssyncset.done $0x0  }
0x4fa: {  	[sflag:s15] =	ssyncadd.s32 $0xFFFFFBF0  }
.LBB2_85:
0x4fb: {  	_ =	sfence.sel $0x180000  }
0x4fc: {  	[bflag:$0x0] =	sbarrier.arrive $0xFFFF  }
0x4fd: {  	_ =	strace $0x90000047  }
0x4fe: {  	s0 =	stileid.u32;
	[bflag:$0x2] =	sbarrier.arrive $0xFFFF  }
0x4ff: {  	p0 =	sne.s32 s0, $0x0;
	s0 =	rddreg [dreg:$0x1]  }
0x500: {  	s0 =	sadd.s32 @!p0 $0x100000, s0  }
0x501: {  	[sflag:s0] =	ssyncadd.tile.s32 @!p0 $0x1;
	_ =	shalt  }
.Lfunc_end2:
_tile_overlayer_lowered:
.L_overlay_start_2:
0x502: {  	(tag) =	ssettag $0x2  }
0x503: {  	s0 =	rddreg [dreg:$0x0];
	s2 =	stileid.u32  }
0x504: {  	s1 =	rddreg [dreg:$0x1];
	p0 =	sne.s32 s2, $0x0  }
0x505: {  	s3 =	rddreg [dreg:$0x2];
	[bflag:$0x3] =	sbarrier.arrive $0xFFFF;
	s2 =	simm.s32 @!p0 $0x1C02  }
0x506: {  	[timem:s3], [sflag:s2] =	dma.local @!p0 [hbm:s0], s1  }
0x507: {  	s0 =	simm.s32 @!p0 $0x2  }
0x508: {  	_ =	swait.ge @!p0 [sflag:s0], s1  }
0x509: {  	s1 =	ssub.s32 @!p0 $0x0, s1;
	[sflag:s0] =	ssyncset.done @!p0 $0x0  }
0x50a: {  	[sflag:s0] =	ssyncadd.s32 @!p0 s1  }
0x50b: {  	[bflag:$0x3] =	sbarrier.arrive $0xFFFF  }
0x50c: {  	_ =	shalt  }

</sc_bundles>
